<compile_context>
chip_gen: v7x
topology: tpu7x:2x2x1
jax: 0.10.2.dev20260603
libtpu: 0.0.44.dev20260713+nightly
codegen_flags: <defaults>
</compile_context>

<pallas_src>
import functools

import jax
import jax.numpy as jnp
from jax import lax
from jax.experimental import pallas as pl
from jax.experimental.pallas import tpu as pltpu
from jax.experimental.pallas import tpu_sc as plsc

HIDDEN = 1024
IMAGE_TOKEN_ID = 1
L = 16
NC = 2
NS = 16
NW = NC * NS
CH = 16
NBUF = 7
LEAD = 5


def _count_img(ref, n):
    def body(k, acc):
        v = ref[pl.ds(k * L, L)]
        return acc + jnp.sum(jnp.where(v == IMAGE_TOKEN_ID, 1, 0))
    return lax.fori_loop(0, n // L, body, 0)


def _make_lookup(ntok, seq, nimg, vocab):
    seg = ntok // NW
    nch = seg // CH
    segs_per_row = seq // seg

    mesh = plsc.VectorSubcoreMesh(core_axis_name="c", subcore_axis_name="s")

    @functools.partial(
        pl.kernel,
        out_type=jax.ShapeDtypeStruct((ntok, HIDDEN), jnp.float32),
        mesh=mesh,
        compiler_params=pltpu.CompilerParams(needs_layout_passes=False),
        scratch_types=[
            pltpu.VMEM((seg,), jnp.int32),
            pltpu.VMEM((seg,), jnp.int32),
            [pltpu.VMEM((CH, HIDDEN), jnp.float32)] * NBUF,
            pltpu.VMEM((1, HIDDEN), jnp.float32),
            [pltpu.SemaphoreType.DMA] * NBUF,
            [pltpu.SemaphoreType.DMA] * NBUF,
        ],
    )
    def lookup(ids_hbm, img_hbm, emb_hbm, out_hbm,
               ids_v, prev_v, bufs, row_v, gsems, ssems):
        wid = lax.axis_index("s") * NC + lax.axis_index("c")
        row = wid // segs_per_row
        s_in_row = wid % segs_per_row
        base_tok = wid * seg

        pltpu.sync_copy(ids_hbm.at[pl.ds(base_tok, seg)], ids_v)

        def start_gather(c):
            return pltpu.async_copy(
                emb_hbm.at[ids_v.at[pl.ds(c * CH, CH)]],
                bufs[c % NBUF], gsems[c % NBUF])

        gath = [None] * nch
        scat = [None] * nch
        scat_waited = [False] * nch
        for c in range(min(LEAD, nch)):
            gath[c] = start_gather(c)

        n_own = _count_img(ids_v, seg)

        for c in range(nch):
            gath[c].wait()
            scat[c] = pltpu.async_copy(
                bufs[c % NBUF], out_hbm.at[pl.ds(base_tok + c * CH, CH)],
                ssems[c % NBUF])
            nxt = c + LEAD
            if nxt < nch:
                prev = nxt - NBUF
                if prev >= 0 and not scat_waited[prev]:
                    scat[prev].wait()
                    scat_waited[prev] = True
                gath[nxt] = start_gather(nxt)
        for c in range(nch):
            if not scat_waited[c]:
                scat[c].wait()

        @pl.when(n_own > 0)
        def _():
            def prev_body(t, acc):
                pltpu.sync_copy(
                    ids_hbm.at[pl.ds(row * seq + t * seg, seg)], prev_v)
                return acc + jnp.where(t < s_in_row,
                                       _count_img(prev_v, seg), 0)
            base = lax.fori_loop(0, segs_per_row - 1, prev_body, 0)
            lane = lax.iota(jnp.int32, L)

            def chunk_body(k, cnt):
                vm = ids_v[pl.ds(k * L, L)]
                m = jnp.where(vm == IMAGE_TOKEN_ID, 1, 0)
                ccnt = jnp.sum(m)

                @pl.when(ccnt > 0)
                def _():
                    cum = jnp.cumsum(m)

                    def lane_body(l, carry):
                        m_l = jnp.sum(jnp.where(lane == l, m, 0))

                        @pl.when(m_l > 0)
                        def _():
                            idx = (base + cnt - 1
                                   + jnp.sum(jnp.where(lane == l, cum, 0)))
                            pltpu.sync_copy(img_hbm.at[pl.ds(idx, 1)], row_v)
                            pltpu.sync_copy(
                                row_v,
                                out_hbm.at[pl.ds(base_tok + k * L + l, 1)])
                        return carry
                    lax.fori_loop(0, L, lane_body, 0)
                return cnt + ccnt
            lax.fori_loop(0, seg // L, chunk_body, 0)

    return lookup


def kernel(input_ids, image_features, embed_table):
    b, seq = input_ids.shape
    nimg, _ = image_features.shape
    vocab, _ = embed_table.shape
    ids = input_ids.reshape(-1)
    lookup = _make_lookup(b * seq, seq, nimg, vocab)
    out = lookup(ids, image_features, embed_table)
    return out.reshape(b, seq, HIDDEN)

# --- scband reference (transcript-rebuilt; emitter-appended) ---
"""Pipeline reference for scband-lla-vaembedding-model-22797686407728 (READ-ONLY COPY).

The authoritative reference and input builder live on the scoring server;
editing this copy changes nothing except your own understanding.
"""

import jax, jax.numpy as jnp
import numpy as np

VOCAB = 100000
HIDDEN = 1024
PAD_TOKEN_ID = 0
IMAGE_TOKEN_ID = 1
B = 4
S = 4096
NIMG = 4096


def setup_inputs(seed: int = 0) -> dict:
    key = jax.random.key(seed)
    k1, k2, k3 = jax.random.split(key, 3)
    input_ids = jax.random.randint(k1, (B, S), 0, VOCAB, dtype=jnp.int32)
    image_features = jax.random.normal(k2, (NIMG, HIDDEN), dtype=jnp.float32)
    embed_table = jax.random.normal(k3, (VOCAB, HIDDEN), dtype=jnp.float32) * 0.02
    # nn.Embedding(padding_idx=pad_token_id) keeps the pad row at zero
    embed_table = embed_table.at[PAD_TOKEN_ID].set(0.0)
    return {"input_ids": input_ids, "image_features": image_features, "embed_table": embed_table}


def reference(input_ids, image_features, embed_table):
    # text token embedding lookup
    text_embeds = jnp.take(embed_table, input_ids, axis=0)  # [B, S, H]
    # image_mask = Equal(input_ids, image_token_id)
    image_mask = input_ids == IMAGE_TOKEN_ID  # [B, S] bool
    # mask_int = Cast(image_mask, int64); cumsum along axis=1
    mask_int = image_mask.astype(jnp.int32)
    cumsum = jnp.cumsum(mask_int, axis=1)
    # indices = Clip(cumsum - 1, min=0)
    indices = jnp.clip(cumsum - 1, 0)
    # gathered = Gather(image_features, indices, axis=0) -> [B, S, H]
    gathered = jnp.take(image_features, indices, axis=0)
    # Where(image_mask[..., None], gathered, text_embeds)
    return jnp.where(image_mask[..., None], gathered, text_embeds)

if __name__ == "__main__":
    import jax
    _d = setup_inputs()
    print(jax.jit(kernel)(*tuple(_d.values())))

</pallas_src>

<mosaic_0001>
#map = affine_map<(d0, d1) -> (0)>
#map1 = affine_map<(d0, d1) -> (0, 0)>
module attributes {stable_mosaic.version = 14 : i64} {
  func.func @lookup(%arg0: i32, %arg1: i32, %arg2: memref<16384xi32, #tpu.memory_space<hbm>>, %arg3: memref<4096x1024xf32, #tpu.memory_space<hbm>>, %arg4: memref<100000x1024xf32, #tpu.memory_space<hbm>>, %arg5: memref<16384x1024xf32, #tpu.memory_space<hbm>>, %arg6: memref<512xi32, #tpu.memory_space<vmem>>, %arg7: memref<512xi32, #tpu.memory_space<vmem>>, %arg8: memref<16x1024xf32, #tpu.memory_space<vmem>>, %arg9: memref<16x1024xf32, #tpu.memory_space<vmem>>, %arg10: memref<16x1024xf32, #tpu.memory_space<vmem>>, %arg11: memref<16x1024xf32, #tpu.memory_space<vmem>>, %arg12: memref<16x1024xf32, #tpu.memory_space<vmem>>, %arg13: memref<16x1024xf32, #tpu.memory_space<vmem>>, %arg14: memref<16x1024xf32, #tpu.memory_space<vmem>>, %arg15: memref<1x1024xf32, #tpu.memory_space<vmem>>, %arg16: memref<!tpu.dma_semaphore, #tpu.memory_space<semaphore_mem>>, %arg17: memref<!tpu.dma_semaphore, #tpu.memory_space<semaphore_mem>>, %arg18: memref<!tpu.dma_semaphore, #tpu.memory_space<semaphore_mem>>, %arg19: memref<!tpu.dma_semaphore, #tpu.memory_space<semaphore_mem>>, %arg20: memref<!tpu.dma_semaphore, #tpu.memory_space<semaphore_mem>>, %arg21: memref<!tpu.dma_semaphore, #tpu.memory_space<semaphore_mem>>, %arg22: memref<!tpu.dma_semaphore, #tpu.memory_space<semaphore_mem>>, %arg23: memref<!tpu.dma_semaphore, #tpu.memory_space<semaphore_mem>>, %arg24: memref<!tpu.dma_semaphore, #tpu.memory_space<semaphore_mem>>, %arg25: memref<!tpu.dma_semaphore, #tpu.memory_space<semaphore_mem>>, %arg26: memref<!tpu.dma_semaphore, #tpu.memory_space<semaphore_mem>>, %arg27: memref<!tpu.dma_semaphore, #tpu.memory_space<semaphore_mem>>, %arg28: memref<!tpu.dma_semaphore, #tpu.memory_space<semaphore_mem>>, %arg29: memref<!tpu.dma_semaphore, #tpu.memory_space<semaphore_mem>>) attributes {dimension_semantics = [#tpu.dimension_semantics<core_parallel>, #tpu.dimension_semantics<subcore_parallel>], iteration_bounds = array<i64: 2, 16>, scalar_prefetch = 0 : i64, scratch_operands = 24 : i64, tpu.core_type = #tpu.core_type<sc_vector_subcore>, window_params = [{transform_indices = #map}, {transform_indices = #map1}, {transform_indices = #map1}, {transform_indices = #map1}]} {
    %mul3A = arith.constant 2 : i32
    %mul3A_0 = arith.muli %arg1, %mul3A : i32
    %add3A = arith.addi %mul3A_0, %arg0 : i32
    %jit3A = arith.constant 8 : i32
    %div3A = arith.divsi %add3A, %jit3A : i32
    %sign3A = arith.constant 0 : i32
    %sign3A_1 = arith.cmpi sgt, %add3A, %sign3A : i32
    %sign3A_2 = arith.extui %sign3A_1 : i1 to i32
    %sign3A_3 = arith.constant 0 : i32
    %sign3A_4 = arith.cmpi slt, %add3A, %sign3A_3 : i32
    %sign3A_5 = arith.extui %sign3A_4 : i1 to i32
    %sign3A_6 = arith.subi %sign3A_2, %sign3A_5 : i32
    %sign3A_7 = arith.constant 0 : i32
    %sign3A_8 = arith.cmpi sgt, %jit3A, %sign3A_7 : i32
    %sign3A_9 = arith.extui %sign3A_8 : i1 to i32
    %sign3A_10 = arith.constant 0 : i32
    %sign3A_11 = arith.cmpi slt, %jit3A, %sign3A_10 : i32
    %sign3A_12 = arith.extui %sign3A_11 : i1 to i32
    %sign3A_13 = arith.subi %sign3A_9, %sign3A_12 : i32
    %ne3A = arith.cmpi ne, %sign3A_6, %sign3A_13 : i32
    %rem3A = arith.remsi %add3A, %jit3A : i32
    %ne3A_14 = arith.constant 0 : i32
    %ne3A_15 = arith.cmpi ne, %rem3A, %ne3A_14 : i32
    %and3A = arith.andi %ne3A, %ne3A_15 : i1
    %sub3A = arith.constant 1 : i32
    %sub3A_16 = arith.subi %div3A, %sub3A : i32
    %select_n3A = arith.select %and3A, %sub3A_16, %div3A : i32
    %jit3A_17 = arith.constant 8 : i32
    %eq3A = arith.constant 0 : i32
    %eq3A_18 = arith.cmpi eq, %jit3A_17, %eq3A : i32
    %jit3A_19 = arith.constant 1 : i32
    %select_n3A_20 = arith.select %eq3A_18, %jit3A_19, %jit3A_17 : i32
    %rem3A_21 = arith.remsi %add3A, %select_n3A_20 : i32
    %ne3A_22 = arith.constant 0 : i32
    %ne3A_23 = arith.cmpi ne, %rem3A_21, %ne3A_22 : i32
    %lt3A = arith.constant 0 : i32
    %lt3A_24 = arith.cmpi slt, %rem3A_21, %lt3A : i32
    %lt3A_25 = arith.constant 0 : i32
    %lt3A_26 = arith.cmpi slt, %select_n3A_20, %lt3A_25 : i32
    %ne3A_27 = arith.xori %lt3A_24, %lt3A_26 : i1
    %and3A_28 = arith.andi %ne3A_27, %ne3A_23 : i1
    %add3A_29 = arith.addi %rem3A_21, %select_n3A_20 : i32
    %select_n3A_30 = arith.select %and3A_28, %add3A_29, %rem3A_21 : i32
    %mul3A_31 = arith.constant 512 : i32
    %mul3A_32 = arith.muli %add3A, %mul3A_31 : i32
    "tpu.region"() ({
      %run_scoped3A = tpu.sem_alloc : memref<!tpu.dma_semaphore, #tpu.memory_space<semaphore_mem>>
      %dma_start3A_679 = tpu.memref_slice %arg2[%mul3A_32] : memref<16384xi32, #tpu.memory_space<hbm>> -> memref<512xi32, #tpu.memory_space<hbm>>
      %dma_start3A_680 = tpu.memref_slice %arg2[%mul3A_32] : memref<16384xi32, #tpu.memory_space<hbm>> -> memref<512xi32, #tpu.memory_space<hbm>>
      tpu.enqueue_dma source(%dma_start3A_680 : memref<512xi32, #tpu.memory_space<hbm>>) target(%arg6 : memref<512xi32, #tpu.memory_space<vmem>>) target_semaphore(%run_scoped3A : memref<!tpu.dma_semaphore, #tpu.memory_space<semaphore_mem>>)
      %dma_wait3A_681 = tpu.memref_slice %arg2[%mul3A_32] : memref<16384xi32, #tpu.memory_space<hbm>> -> memref<512xi32, #tpu.memory_space<hbm>>
      %dma_wait3A_682 = tpu.memref_slice %arg2[%mul3A_32] : memref<16384xi32, #tpu.memory_space<hbm>> -> memref<512xi32, #tpu.memory_space<hbm>>
      tpu.wait_dma2 semaphore(%run_scoped3A : memref<!tpu.dma_semaphore, #tpu.memory_space<semaphore_mem>>) src(%dma_wait3A_682 : memref<512xi32, #tpu.memory_space<hbm>>) dst(%arg6 : memref<512xi32, #tpu.memory_space<vmem>>)
      tpu.yield
    }) : () -> ()
    %dma_start3A = arith.constant 0 : i32
    %dma_start3A_33 = tpu.memref_slice %arg6[%dma_start3A] : memref<512xi32, #tpu.memory_space<vmem>> -> memref<16xi32, #tpu.memory_space<vmem>>
    %dma_start3A_34 = arith.constant 0 : i32
    %dma_start3A_35 = arith.constant 0 : i32
    %dma_start3A_36 = tpu.memref_slice %arg4[%dma_start3A_34, %dma_start3A_35] : memref<100000x1024xf32, #tpu.memory_space<hbm>> -> memref<100000x1024xf32, #tpu.memory_space<hbm>>
    tpu.enqueue_indirect_dma source(%dma_start3A_36 : memref<100000x1024xf32, #tpu.memory_space<hbm>>) target(%arg8 : memref<16x1024xf32, #tpu.memory_space<vmem>>) offsets(%dma_start3A_33 : memref<16xi32, #tpu.memory_space<vmem>>) semaphore(%arg16 : memref<!tpu.dma_semaphore, #tpu.memory_space<semaphore_mem>>)
    %dma_start3A_37 = arith.constant 16 : i32
    %dma_start3A_38 = tpu.memref_slice %arg6[%dma_start3A_37] : memref<512xi32, #tpu.memory_space<vmem>> -> memref<16xi32, #tpu.memory_space<vmem>>
    %dma_start3A_39 = arith.constant 0 : i32
    %dma_start3A_40 = arith.constant 0 : i32
    %dma_start3A_41 = tpu.memref_slice %arg4[%dma_start3A_39, %dma_start3A_40] : memref<100000x1024xf32, #tpu.memory_space<hbm>> -> memref<100000x1024xf32, #tpu.memory_space<hbm>>
    tpu.enqueue_indirect_dma source(%dma_start3A_41 : memref<100000x1024xf32, #tpu.memory_space<hbm>>) target(%arg9 : memref<16x1024xf32, #tpu.memory_space<vmem>>) offsets(%dma_start3A_38 : memref<16xi32, #tpu.memory_space<vmem>>) semaphore(%arg17 : memref<!tpu.dma_semaphore, #tpu.memory_space<semaphore_mem>>)
    %dma_start3A_42 = arith.constant 32 : i32
    %dma_start3A_43 = tpu.memref_slice %arg6[%dma_start3A_42] : memref<512xi32, #tpu.memory_space<vmem>> -> memref<16xi32, #tpu.memory_space<vmem>>
    %dma_start3A_44 = arith.constant 0 : i32
    %dma_start3A_45 = arith.constant 0 : i32
    %dma_start3A_46 = tpu.memref_slice %arg4[%dma_start3A_44, %dma_start3A_45] : memref<100000x1024xf32, #tpu.memory_space<hbm>> -> memref<100000x1024xf32, #tpu.memory_space<hbm>>
    tpu.enqueue_indirect_dma source(%dma_start3A_46 : memref<100000x1024xf32, #tpu.memory_space<hbm>>) target(%arg10 : memref<16x1024xf32, #tpu.memory_space<vmem>>) offsets(%dma_start3A_43 : memref<16xi32, #tpu.memory_space<vmem>>) semaphore(%arg18 : memref<!tpu.dma_semaphore, #tpu.memory_space<semaphore_mem>>)
    %dma_start3A_47 = arith.constant 48 : i32
    %dma_start3A_48 = tpu.memref_slice %arg6[%dma_start3A_47] : memref<512xi32, #tpu.memory_space<vmem>> -> memref<16xi32, #tpu.memory_space<vmem>>
    %dma_start3A_49 = arith.constant 0 : i32
    %dma_start3A_50 = arith.constant 0 : i32
    %dma_start3A_51 = tpu.memref_slice %arg4[%dma_start3A_49, %dma_start3A_50] : memref<100000x1024xf32, #tpu.memory_space<hbm>> -> memref<100000x1024xf32, #tpu.memory_space<hbm>>
    tpu.enqueue_indirect_dma source(%dma_start3A_51 : memref<100000x1024xf32, #tpu.memory_space<hbm>>) target(%arg11 : memref<16x1024xf32, #tpu.memory_space<vmem>>) offsets(%dma_start3A_48 : memref<16xi32, #tpu.memory_space<vmem>>) semaphore(%arg19 : memref<!tpu.dma_semaphore, #tpu.memory_space<semaphore_mem>>)
    %dma_start3A_52 = arith.constant 64 : i32
    %dma_start3A_53 = tpu.memref_slice %arg6[%dma_start3A_52] : memref<512xi32, #tpu.memory_space<vmem>> -> memref<16xi32, #tpu.memory_space<vmem>>
    %dma_start3A_54 = arith.constant 0 : i32
    %dma_start3A_55 = arith.constant 0 : i32
    %dma_start3A_56 = tpu.memref_slice %arg4[%dma_start3A_54, %dma_start3A_55] : memref<100000x1024xf32, #tpu.memory_space<hbm>> -> memref<100000x1024xf32, #tpu.memory_space<hbm>>
    tpu.enqueue_indirect_dma source(%dma_start3A_56 : memref<100000x1024xf32, #tpu.memory_space<hbm>>) target(%arg12 : memref<16x1024xf32, #tpu.memory_space<vmem>>) offsets(%dma_start3A_53 : memref<16xi32, #tpu.memory_space<vmem>>) semaphore(%arg20 : memref<!tpu.dma_semaphore, #tpu.memory_space<semaphore_mem>>)
    %scan3A = arith.constant 0 : i32
    %scan3A_57 = arith.constant 0 : i32
    %scan3A_58 = arith.constant 32 : i32
    %scan3A_59 = arith.addi %scan3A_57, %scan3A_58 : i32
    %scan3A_60 = arith.constant 1 : i32
    %scan3A_61 = scf.for %scan3A_679 = %scan3A_57 to %scan3A_59 step %scan3A_60 iter_args(%scan3A_680 = %scan3A) -> (i32)  : i32 {
      %mul3A_681 = arith.constant 16 : i32
      %mul3A_682 = arith.muli %scan3A_679, %mul3A_681 : i32
      %get3A = arith.index_cast %mul3A_682 : i32 to index
      %get3A_683 = tpu.vector_load %arg6[%get3A] {strides = array<i32>} : memref<512xi32, #tpu.memory_space<vmem>>, vector<16xi32>,
      %eq3A_684 = arith.constant 1 : i32
      %eq3A_685 = vector.broadcast %eq3A_684 : i32 to vector<16xi32>
      %eq3A_686 = arith.cmpi eq, %get3A_683, %eq3A_685 : vector<16xi32>
      %jit3A_687 = arith.constant 1 : i32
      %jit3A_688 = arith.constant 0 : i32
      %broadcast_in_dim3A = vector.broadcast %jit3A_687 : i32 to vector<16xi32>
      %broadcast_in_dim3A_689 = vector.broadcast %jit3A_688 : i32 to vector<16xi32>
      %select_n3A_690 = arith.select %eq3A_686, %broadcast_in_dim3A, %broadcast_in_dim3A_689 : vector<16xi1>, vector<16xi32>
      %reduce_sum3A = arith.constant true
      %reduce_sum3A_691 = vector.broadcast %reduce_sum3A : i1 to vector<16xi1>
      %reduce_sum3A_692 = tpu.scan <sum>, %select_n3A_690 masked %reduce_sum3A_691 : vector<16xi32>, vector<16xi1> -> vector<16xi32>
      %reduce_sum3A_693 = vector.extract %reduce_sum3A_692[15] : i32 from vector<16xi32>
      %add3A_694 = arith.addi %scan3A_680, %reduce_sum3A_693 : i32
      scf.yield %add3A_694 : i32
    }
    %scan3A_62 = arith.constant 32 : i32
    %dma_wait3A = arith.constant 0 : i32
    %dma_wait3A_63 = tpu.memref_slice %arg6[%dma_wait3A] : memref<512xi32, #tpu.memory_space<vmem>> -> memref<16xi32, #tpu.memory_space<vmem>>
    %dma_wait3A_64 = arith.constant 0 : i32
    %dma_wait3A_65 = arith.constant 0 : i32
    %dma_wait3A_66 = tpu.memref_slice %arg4[%dma_wait3A_64, %dma_wait3A_65] : memref<100000x1024xf32, #tpu.memory_space<hbm>> -> memref<100000x1024xf32, #tpu.memory_space<hbm>>
    tpu.wait_indirect_dma semaphore(%arg16 : memref<!tpu.dma_semaphore, #tpu.memory_space<semaphore_mem>>) src(%dma_wait3A_66 : memref<100000x1024xf32, #tpu.memory_space<hbm>>) dst(%arg8 : memref<16x1024xf32, #tpu.memory_space<vmem>>)
    %add3A_67 = arith.constant 0 : i32
    %add3A_68 = arith.addi %mul3A_32, %add3A_67 : i32
    %dma_start3A_69 = arith.constant 0 : i32
    %dma_start3A_70 = tpu.memref_slice %arg5[%add3A_68, %dma_start3A_69] : memref<16384x1024xf32, #tpu.memory_space<hbm>> -> memref<16x1024xf32, #tpu.memory_space<hbm>>
    %dma_start3A_71 = arith.constant 0 : i32
    %dma_start3A_72 = tpu.memref_slice %arg5[%add3A_68, %dma_start3A_71] : memref<16384x1024xf32, #tpu.memory_space<hbm>> -> memref<16x1024xf32, #tpu.memory_space<hbm>>
    tpu.enqueue_dma source(%arg8 : memref<16x1024xf32, #tpu.memory_space<vmem>>) target(%dma_start3A_72 : memref<16x1024xf32, #tpu.memory_space<hbm>>) target_semaphore(%arg23 : memref<!tpu.dma_semaphore, #tpu.memory_space<semaphore_mem>>)
    %dma_start3A_73 = arith.constant 80 : i32
    %dma_start3A_74 = tpu.memref_slice %arg6[%dma_start3A_73] : memref<512xi32, #tpu.memory_space<vmem>> -> memref<16xi32, #tpu.memory_space<vmem>>
    %dma_start3A_75 = arith.constant 0 : i32
    %dma_start3A_76 = arith.constant 0 : i32
    %dma_start3A_77 = tpu.memref_slice %arg4[%dma_start3A_75, %dma_start3A_76] : memref<100000x1024xf32, #tpu.memory_space<hbm>> -> memref<100000x1024xf32, #tpu.memory_space<hbm>>
    tpu.enqueue_indirect_dma source(%dma_start3A_77 : memref<100000x1024xf32, #tpu.memory_space<hbm>>) target(%arg13 : memref<16x1024xf32, #tpu.memory_space<vmem>>) offsets(%dma_start3A_74 : memref<16xi32, #tpu.memory_space<vmem>>) semaphore(%arg21 : memref<!tpu.dma_semaphore, #tpu.memory_space<semaphore_mem>>)
    %dma_wait3A_78 = arith.constant 16 : i32
    %dma_wait3A_79 = tpu.memref_slice %arg6[%dma_wait3A_78] : memref<512xi32, #tpu.memory_space<vmem>> -> memref<16xi32, #tpu.memory_space<vmem>>
    %dma_wait3A_80 = arith.constant 0 : i32
    %dma_wait3A_81 = arith.constant 0 : i32
    %dma_wait3A_82 = tpu.memref_slice %arg4[%dma_wait3A_80, %dma_wait3A_81] : memref<100000x1024xf32, #tpu.memory_space<hbm>> -> memref<100000x1024xf32, #tpu.memory_space<hbm>>
    tpu.wait_indirect_dma semaphore(%arg17 : memref<!tpu.dma_semaphore, #tpu.memory_space<semaphore_mem>>) src(%dma_wait3A_82 : memref<100000x1024xf32, #tpu.memory_space<hbm>>) dst(%arg9 : memref<16x1024xf32, #tpu.memory_space<vmem>>)
    %add3A_83 = arith.constant 16 : i32
    %add3A_84 = arith.addi %mul3A_32, %add3A_83 : i32
    %dma_start3A_85 = arith.constant 0 : i32
    %dma_start3A_86 = tpu.memref_slice %arg5[%add3A_84, %dma_start3A_85] : memref<16384x1024xf32, #tpu.memory_space<hbm>> -> memref<16x1024xf32, #tpu.memory_space<hbm>>
    %dma_start3A_87 = arith.constant 0 : i32
    %dma_start3A_88 = tpu.memref_slice %arg5[%add3A_84, %dma_start3A_87] : memref<16384x1024xf32, #tpu.memory_space<hbm>> -> memref<16x1024xf32, #tpu.memory_space<hbm>>
    tpu.enqueue_dma source(%arg9 : memref<16x1024xf32, #tpu.memory_space<vmem>>) target(%dma_start3A_88 : memref<16x1024xf32, #tpu.memory_space<hbm>>) target_semaphore(%arg24 : memref<!tpu.dma_semaphore, #tpu.memory_space<semaphore_mem>>)
    %dma_start3A_89 = arith.constant 96 : i32
    %dma_start3A_90 = tpu.memref_slice %arg6[%dma_start3A_89] : memref<512xi32, #tpu.memory_space<vmem>> -> memref<16xi32, #tpu.memory_space<vmem>>
    %dma_start3A_91 = arith.constant 0 : i32
    %dma_start3A_92 = arith.constant 0 : i32
    %dma_start3A_93 = tpu.memref_slice %arg4[%dma_start3A_91, %dma_start3A_92] : memref<100000x1024xf32, #tpu.memory_space<hbm>> -> memref<100000x1024xf32, #tpu.memory_space<hbm>>
    tpu.enqueue_indirect_dma source(%dma_start3A_93 : memref<100000x1024xf32, #tpu.memory_space<hbm>>) target(%arg14 : memref<16x1024xf32, #tpu.memory_space<vmem>>) offsets(%dma_start3A_90 : memref<16xi32, #tpu.memory_space<vmem>>) semaphore(%arg22 : memref<!tpu.dma_semaphore, #tpu.memory_space<semaphore_mem>>)
    %dma_wait3A_94 = arith.constant 32 : i32
    %dma_wait3A_95 = tpu.memref_slice %arg6[%dma_wait3A_94] : memref<512xi32, #tpu.memory_space<vmem>> -> memref<16xi32, #tpu.memory_space<vmem>>
    %dma_wait3A_96 = arith.constant 0 : i32
    %dma_wait3A_97 = arith.constant 0 : i32
    %dma_wait3A_98 = tpu.memref_slice %arg4[%dma_wait3A_96, %dma_wait3A_97] : memref<100000x1024xf32, #tpu.memory_space<hbm>> -> memref<100000x1024xf32, #tpu.memory_space<hbm>>
    tpu.wait_indirect_dma semaphore(%arg18 : memref<!tpu.dma_semaphore, #tpu.memory_space<semaphore_mem>>) src(%dma_wait3A_98 : memref<100000x1024xf32, #tpu.memory_space<hbm>>) dst(%arg10 : memref<16x1024xf32, #tpu.memory_space<vmem>>)
    %add3A_99 = arith.constant 32 : i32
    %add3A_100 = arith.addi %mul3A_32, %add3A_99 : i32
    %dma_start3A_101 = arith.constant 0 : i32
    %dma_start3A_102 = tpu.memref_slice %arg5[%add3A_100, %dma_start3A_101] : memref<16384x1024xf32, #tpu.memory_space<hbm>> -> memref<16x1024xf32, #tpu.memory_space<hbm>>
    %dma_start3A_103 = arith.constant 0 : i32
    %dma_start3A_104 = tpu.memref_slice %arg5[%add3A_100, %dma_start3A_103] : memref<16384x1024xf32, #tpu.memory_space<hbm>> -> memref<16x1024xf32, #tpu.memory_space<hbm>>
    tpu.enqueue_dma source(%arg10 : memref<16x1024xf32, #tpu.memory_space<vmem>>) target(%dma_start3A_104 : memref<16x1024xf32, #tpu.memory_space<hbm>>) target_semaphore(%arg25 : memref<!tpu.dma_semaphore, #tpu.memory_space<semaphore_mem>>)
    %dma_wait3A_105 = arith.constant 0 : i32
    %dma_wait3A_106 = tpu.memref_slice %arg5[%add3A_68, %dma_wait3A_105] : memref<16384x1024xf32, #tpu.memory_space<hbm>> -> memref<16x1024xf32, #tpu.memory_space<hbm>>
    %dma_wait3A_107 = arith.constant 0 : i32
    %dma_wait3A_108 = tpu.memref_slice %arg5[%add3A_68, %dma_wait3A_107] : memref<16384x1024xf32, #tpu.memory_space<hbm>> -> memref<16x1024xf32, #tpu.memory_space<hbm>>
    tpu.wait_dma2 semaphore(%arg23 : memref<!tpu.dma_semaphore, #tpu.memory_space<semaphore_mem>>) src(%arg8 : memref<16x1024xf32, #tpu.memory_space<vmem>>) dst(%dma_wait3A_108 : memref<16x1024xf32, #tpu.memory_space<hbm>>)
    %dma_start3A_109 = arith.constant 112 : i32
    %dma_start3A_110 = tpu.memref_slice %arg6[%dma_start3A_109] : memref<512xi32, #tpu.memory_space<vmem>> -> memref<16xi32, #tpu.memory_space<vmem>>
    %dma_start3A_111 = arith.constant 0 : i32
    %dma_start3A_112 = arith.constant 0 : i32
    %dma_start3A_113 = tpu.memref_slice %arg4[%dma_start3A_111, %dma_start3A_112] : memref<100000x1024xf32, #tpu.memory_space<hbm>> -> memref<100000x1024xf32, #tpu.memory_space<hbm>>
    tpu.enqueue_indirect_dma source(%dma_start3A_113 : memref<100000x1024xf32, #tpu.memory_space<hbm>>) target(%arg8 : memref<16x1024xf32, #tpu.memory_space<vmem>>) offsets(%dma_start3A_110 : memref<16xi32, #tpu.memory_space<vmem>>) semaphore(%arg16 : memref<!tpu.dma_semaphore, #tpu.memory_space<semaphore_mem>>)
    %dma_wait3A_114 = arith.constant 48 : i32
    %dma_wait3A_115 = tpu.memref_slice %arg6[%dma_wait3A_114] : memref<512xi32, #tpu.memory_space<vmem>> -> memref<16xi32, #tpu.memory_space<vmem>>
    %dma_wait3A_116 = arith.constant 0 : i32
    %dma_wait3A_117 = arith.constant 0 : i32
    %dma_wait3A_118 = tpu.memref_slice %arg4[%dma_wait3A_116, %dma_wait3A_117] : memref<100000x1024xf32, #tpu.memory_space<hbm>> -> memref<100000x1024xf32, #tpu.memory_space<hbm>>
    tpu.wait_indirect_dma semaphore(%arg19 : memref<!tpu.dma_semaphore, #tpu.memory_space<semaphore_mem>>) src(%dma_wait3A_118 : memref<100000x1024xf32, #tpu.memory_space<hbm>>) dst(%arg11 : memref<16x1024xf32, #tpu.memory_space<vmem>>)
    %add3A_119 = arith.constant 48 : i32
    %add3A_120 = arith.addi %mul3A_32, %add3A_119 : i32
    %dma_start3A_121 = arith.constant 0 : i32
    %dma_start3A_122 = tpu.memref_slice %arg5[%add3A_120, %dma_start3A_121] : memref<16384x1024xf32, #tpu.memory_space<hbm>> -> memref<16x1024xf32, #tpu.memory_space<hbm>>
    %dma_start3A_123 = arith.constant 0 : i32
    %dma_start3A_124 = tpu.memref_slice %arg5[%add3A_120, %dma_start3A_123] : memref<16384x1024xf32, #tpu.memory_space<hbm>> -> memref<16x1024xf32, #tpu.memory_space<hbm>>
    tpu.enqueue_dma source(%arg11 : memref<16x1024xf32, #tpu.memory_space<vmem>>) target(%dma_start3A_124 : memref<16x1024xf32, #tpu.memory_space<hbm>>) target_semaphore(%arg26 : memref<!tpu.dma_semaphore, #tpu.memory_space<semaphore_mem>>)
    %dma_wait3A_125 = arith.constant 0 : i32
    %dma_wait3A_126 = tpu.memref_slice %arg5[%add3A_84, %dma_wait3A_125] : memref<16384x1024xf32, #tpu.memory_space<hbm>> -> memref<16x1024xf32, #tpu.memory_space<hbm>>
    %dma_wait3A_127 = arith.constant 0 : i32
    %dma_wait3A_128 = tpu.memref_slice %arg5[%add3A_84, %dma_wait3A_127] : memref<16384x1024xf32, #tpu.memory_space<hbm>> -> memref<16x1024xf32, #tpu.memory_space<hbm>>
    tpu.wait_dma2 semaphore(%arg24 : memref<!tpu.dma_semaphore, #tpu.memory_space<semaphore_mem>>) src(%arg9 : memref<16x1024xf32, #tpu.memory_space<vmem>>) dst(%dma_wait3A_128 : memref<16x1024xf32, #tpu.memory_space<hbm>>)
    %dma_start3A_129 = arith.constant 128 : i32
    %dma_start3A_130 = tpu.memref_slice %arg6[%dma_start3A_129] : memref<512xi32, #tpu.memory_space<vmem>> -> memref<16xi32, #tpu.memory_space<vmem>>
    %dma_start3A_131 = arith.constant 0 : i32
    %dma_start3A_132 = arith.constant 0 : i32
    %dma_start3A_133 = tpu.memref_slice %arg4[%dma_start3A_131, %dma_start3A_132] : memref<100000x1024xf32, #tpu.memory_space<hbm>> -> memref<100000x1024xf32, #tpu.memory_space<hbm>>
    tpu.enqueue_indirect_dma source(%dma_start3A_133 : memref<100000x1024xf32, #tpu.memory_space<hbm>>) target(%arg9 : memref<16x1024xf32, #tpu.memory_space<vmem>>) offsets(%dma_start3A_130 : memref<16xi32, #tpu.memory_space<vmem>>) semaphore(%arg17 : memref<!tpu.dma_semaphore, #tpu.memory_space<semaphore_mem>>)
    %dma_wait3A_134 = arith.constant 64 : i32
    %dma_wait3A_135 = tpu.memref_slice %arg6[%dma_wait3A_134] : memref<512xi32, #tpu.memory_space<vmem>> -> memref<16xi32, #tpu.memory_space<vmem>>
    %dma_wait3A_136 = arith.constant 0 : i32
    %dma_wait3A_137 = arith.constant 0 : i32
    %dma_wait3A_138 = tpu.memref_slice %arg4[%dma_wait3A_136, %dma_wait3A_137] : memref<100000x1024xf32, #tpu.memory_space<hbm>> -> memref<100000x1024xf32, #tpu.memory_space<hbm>>
    tpu.wait_indirect_dma semaphore(%arg20 : memref<!tpu.dma_semaphore, #tpu.memory_space<semaphore_mem>>) src(%dma_wait3A_138 : memref<100000x1024xf32, #tpu.memory_space<hbm>>) dst(%arg12 : memref<16x1024xf32, #tpu.memory_space<vmem>>)
    %add3A_139 = arith.constant 64 : i32
    %add3A_140 = arith.addi %mul3A_32, %add3A_139 : i32
    %dma_start3A_141 = arith.constant 0 : i32
    %dma_start3A_142 = tpu.memref_slice %arg5[%add3A_140, %dma_start3A_141] : memref<16384x1024xf32, #tpu.memory_space<hbm>> -> memref<16x1024xf32, #tpu.memory_space<hbm>>
    %dma_start3A_143 = arith.constant 0 : i32
    %dma_start3A_144 = tpu.memref_slice %arg5[%add3A_140, %dma_start3A_143] : memref<16384x1024xf32, #tpu.memory_space<hbm>> -> memref<16x1024xf32, #tpu.memory_space<hbm>>
    tpu.enqueue_dma source(%arg12 : memref<16x1024xf32, #tpu.memory_space<vmem>>) target(%dma_start3A_144 : memref<16x1024xf32, #tpu.memory_space<hbm>>) target_semaphore(%arg27 : memref<!tpu.dma_semaphore, #tpu.memory_space<semaphore_mem>>)
    %dma_wait3A_145 = arith.constant 0 : i32
    %dma_wait3A_146 = tpu.memref_slice %arg5[%add3A_100, %dma_wait3A_145] : memref<16384x1024xf32, #tpu.memory_space<hbm>> -> memref<16x1024xf32, #tpu.memory_space<hbm>>
    %dma_wait3A_147 = arith.constant 0 : i32
    %dma_wait3A_148 = tpu.memref_slice %arg5[%add3A_100, %dma_wait3A_147] : memref<16384x1024xf32, #tpu.memory_space<hbm>> -> memref<16x1024xf32, #tpu.memory_space<hbm>>
    tpu.wait_dma2 semaphore(%arg25 : memref<!tpu.dma_semaphore, #tpu.memory_space<semaphore_mem>>) src(%arg10 : memref<16x1024xf32, #tpu.memory_space<vmem>>) dst(%dma_wait3A_148 : memref<16x1024xf32, #tpu.memory_space<hbm>>)
    %dma_start3A_149 = arith.constant 144 : i32
    %dma_start3A_150 = tpu.memref_slice %arg6[%dma_start3A_149] : memref<512xi32, #tpu.memory_space<vmem>> -> memref<16xi32, #tpu.memory_space<vmem>>
    %dma_start3A_151 = arith.constant 0 : i32
    %dma_start3A_152 = arith.constant 0 : i32
    %dma_start3A_153 = tpu.memref_slice %arg4[%dma_start3A_151, %dma_start3A_152] : memref<100000x1024xf32, #tpu.memory_space<hbm>> -> memref<100000x1024xf32, #tpu.memory_space<hbm>>
    tpu.enqueue_indirect_dma source(%dma_start3A_153 : memref<100000x1024xf32, #tpu.memory_space<hbm>>) target(%arg10 : memref<16x1024xf32, #tpu.memory_space<vmem>>) offsets(%dma_start3A_150 : memref<16xi32, #tpu.memory_space<vmem>>) semaphore(%arg18 : memref<!tpu.dma_semaphore, #tpu.memory_space<semaphore_mem>>)
    %dma_wait3A_154 = arith.constant 80 : i32
    %dma_wait3A_155 = tpu.memref_slice %arg6[%dma_wait3A_154] : memref<512xi32, #tpu.memory_space<vmem>> -> memref<16xi32, #tpu.memory_space<vmem>>
    %dma_wait3A_156 = arith.constant 0 : i32
    %dma_wait3A_157 = arith.constant 0 : i32
    %dma_wait3A_158 = tpu.memref_slice %arg4[%dma_wait3A_156, %dma_wait3A_157] : memref<100000x1024xf32, #tpu.memory_space<hbm>> -> memref<100000x1024xf32, #tpu.memory_space<hbm>>
    tpu.wait_indirect_dma semaphore(%arg21 : memref<!tpu.dma_semaphore, #tpu.memory_space<semaphore_mem>>) src(%dma_wait3A_158 : memref<100000x1024xf32, #tpu.memory_space<hbm>>) dst(%arg13 : memref<16x1024xf32, #tpu.memory_space<vmem>>)
    %add3A_159 = arith.constant 80 : i32
    %add3A_160 = arith.addi %mul3A_32, %add3A_159 : i32
    %dma_start3A_161 = arith.constant 0 : i32
    %dma_start3A_162 = tpu.memref_slice %arg5[%add3A_160, %dma_start3A_161] : memref<16384x1024xf32, #tpu.memory_space<hbm>> -> memref<16x1024xf32, #tpu.memory_space<hbm>>
    %dma_start3A_163 = arith.constant 0 : i32
    %dma_start3A_164 = tpu.memref_slice %arg5[%add3A_160, %dma_start3A_163] : memref<16384x1024xf32, #tpu.memory_space<hbm>> -> memref<16x1024xf32, #tpu.memory_space<hbm>>
    tpu.enqueue_dma source(%arg13 : memref<16x1024xf32, #tpu.memory_space<vmem>>) target(%dma_start3A_164 : memref<16x1024xf32, #tpu.memory_space<hbm>>) target_semaphore(%arg28 : memref<!tpu.dma_semaphore, #tpu.memory_space<semaphore_mem>>)
    %dma_wait3A_165 = arith.constant 0 : i32
    %dma_wait3A_166 = tpu.memref_slice %arg5[%add3A_120, %dma_wait3A_165] : memref<16384x1024xf32, #tpu.memory_space<hbm>> -> memref<16x1024xf32, #tpu.memory_space<hbm>>
    %dma_wait3A_167 = arith.constant 0 : i32
    %dma_wait3A_168 = tpu.memref_slice %arg5[%add3A_120, %dma_wait3A_167] : memref<16384x1024xf32, #tpu.memory_space<hbm>> -> memref<16x1024xf32, #tpu.memory_space<hbm>>
    tpu.wait_dma2 semaphore(%arg26 : memref<!tpu.dma_semaphore, #tpu.memory_space<semaphore_mem>>) src(%arg11 : memref<16x1024xf32, #tpu.memory_space<vmem>>) dst(%dma_wait3A_168 : memref<16x1024xf32, #tpu.memory_space<hbm>>)
    %dma_start3A_169 = arith.constant 160 : i32
    %dma_start3A_170 = tpu.memref_slice %arg6[%dma_start3A_169] : memref<512xi32, #tpu.memory_space<vmem>> -> memref<16xi32, #tpu.memory_space<vmem>>
    %dma_start3A_171 = arith.constant 0 : i32
    %dma_start3A_172 = arith.constant 0 : i32
    %dma_start3A_173 = tpu.memref_slice %arg4[%dma_start3A_171, %dma_start3A_172] : memref<100000x1024xf32, #tpu.memory_space<hbm>> -> memref<100000x1024xf32, #tpu.memory_space<hbm>>
    tpu.enqueue_indirect_dma source(%dma_start3A_173 : memref<100000x1024xf32, #tpu.memory_space<hbm>>) target(%arg11 : memref<16x1024xf32, #tpu.memory_space<vmem>>) offsets(%dma_start3A_170 : memref<16xi32, #tpu.memory_space<vmem>>) semaphore(%arg19 : memref<!tpu.dma_semaphore, #tpu.memory_space<semaphore_mem>>)
    %dma_wait3A_174 = arith.constant 96 : i32
    %dma_wait3A_175 = tpu.memref_slice %arg6[%dma_wait3A_174] : memref<512xi32, #tpu.memory_space<vmem>> -> memref<16xi32, #tpu.memory_space<vmem>>
    %dma_wait3A_176 = arith.constant 0 : i32
    %dma_wait3A_177 = arith.constant 0 : i32
    %dma_wait3A_178 = tpu.memref_slice %arg4[%dma_wait3A_176, %dma_wait3A_177] : memref<100000x1024xf32, #tpu.memory_space<hbm>> -> memref<100000x1024xf32, #tpu.memory_space<hbm>>
    tpu.wait_indirect_dma semaphore(%arg22 : memref<!tpu.dma_semaphore, #tpu.memory_space<semaphore_mem>>) src(%dma_wait3A_178 : memref<100000x1024xf32, #tpu.memory_space<hbm>>) dst(%arg14 : memref<16x1024xf32, #tpu.memory_space<vmem>>)
    %add3A_179 = arith.constant 96 : i32
    %add3A_180 = arith.addi %mul3A_32, %add3A_179 : i32
    %dma_start3A_181 = arith.constant 0 : i32
    %dma_start3A_182 = tpu.memref_slice %arg5[%add3A_180, %dma_start3A_181] : memref<16384x1024xf32, #tpu.memory_space<hbm>> -> memref<16x1024xf32, #tpu.memory_space<hbm>>
    %dma_start3A_183 = arith.constant 0 : i32
    %dma_start3A_184 = tpu.memref_slice %arg5[%add3A_180, %dma_start3A_183] : memref<16384x1024xf32, #tpu.memory_space<hbm>> -> memref<16x1024xf32, #tpu.memory_space<hbm>>
    tpu.enqueue_dma source(%arg14 : memref<16x1024xf32, #tpu.memory_space<vmem>>) target(%dma_start3A_184 : memref<16x1024xf32, #tpu.memory_space<hbm>>) target_semaphore(%arg29 : memref<!tpu.dma_semaphore, #tpu.memory_space<semaphore_mem>>)
    %dma_wait3A_185 = arith.constant 0 : i32
    %dma_wait3A_186 = tpu.memref_slice %arg5[%add3A_140, %dma_wait3A_185] : memref<16384x1024xf32, #tpu.memory_space<hbm>> -> memref<16x1024xf32, #tpu.memory_space<hbm>>
    %dma_wait3A_187 = arith.constant 0 : i32
    %dma_wait3A_188 = tpu.memref_slice %arg5[%add3A_140, %dma_wait3A_187] : memref<16384x1024xf32, #tpu.memory_space<hbm>> -> memref<16x1024xf32, #tpu.memory_space<hbm>>
    tpu.wait_dma2 semaphore(%arg27 : memref<!tpu.dma_semaphore, #tpu.memory_space<semaphore_mem>>) src(%arg12 : memref<16x1024xf32, #tpu.memory_space<vmem>>) dst(%dma_wait3A_188 : memref<16x1024xf32, #tpu.memory_space<hbm>>)
    %dma_start3A_189 = arith.constant 176 : i32
    %dma_start3A_190 = tpu.memref_slice %arg6[%dma_start3A_189] : memref<512xi32, #tpu.memory_space<vmem>> -> memref<16xi32, #tpu.memory_space<vmem>>
    %dma_start3A_191 = arith.constant 0 : i32
    %dma_start3A_192 = arith.constant 0 : i32
    %dma_start3A_193 = tpu.memref_slice %arg4[%dma_start3A_191, %dma_start3A_192] : memref<100000x1024xf32, #tpu.memory_space<hbm>> -> memref<100000x1024xf32, #tpu.memory_space<hbm>>
    tpu.enqueue_indirect_dma source(%dma_start3A_193 : memref<100000x1024xf32, #tpu.memory_space<hbm>>) target(%arg12 : memref<16x1024xf32, #tpu.memory_space<vmem>>) offsets(%dma_start3A_190 : memref<16xi32, #tpu.memory_space<vmem>>) semaphore(%arg20 : memref<!tpu.dma_semaphore, #tpu.memory_space<semaphore_mem>>)
    %dma_wait3A_194 = arith.constant 112 : i32
    %dma_wait3A_195 = tpu.memref_slice %arg6[%dma_wait3A_194] : memref<512xi32, #tpu.memory_space<vmem>> -> memref<16xi32, #tpu.memory_space<vmem>>
    %dma_wait3A_196 = arith.constant 0 : i32
    %dma_wait3A_197 = arith.constant 0 : i32
    %dma_wait3A_198 = tpu.memref_slice %arg4[%dma_wait3A_196, %dma_wait3A_197] : memref<100000x1024xf32, #tpu.memory_space<hbm>> -> memref<100000x1024xf32, #tpu.memory_space<hbm>>
    tpu.wait_indirect_dma semaphore(%arg16 : memref<!tpu.dma_semaphore, #tpu.memory_space<semaphore_mem>>) src(%dma_wait3A_198 : memref<100000x1024xf32, #tpu.memory_space<hbm>>) dst(%arg8 : memref<16x1024xf32, #tpu.memory_space<vmem>>)
    %add3A_199 = arith.constant 112 : i32
    %add3A_200 = arith.addi %mul3A_32, %add3A_199 : i32
    %dma_start3A_201 = arith.constant 0 : i32
    %dma_start3A_202 = tpu.memref_slice %arg5[%add3A_200, %dma_start3A_201] : memref<16384x1024xf32, #tpu.memory_space<hbm>> -> memref<16x1024xf32, #tpu.memory_space<hbm>>
    %dma_start3A_203 = arith.constant 0 : i32
    %dma_start3A_204 = tpu.memref_slice %arg5[%add3A_200, %dma_start3A_203] : memref<16384x1024xf32, #tpu.memory_space<hbm>> -> memref<16x1024xf32, #tpu.memory_space<hbm>>
    tpu.enqueue_dma source(%arg8 : memref<16x1024xf32, #tpu.memory_space<vmem>>) target(%dma_start3A_204 : memref<16x1024xf32, #tpu.memory_space<hbm>>) target_semaphore(%arg23 : memref<!tpu.dma_semaphore, #tpu.memory_space<semaphore_mem>>)
    %dma_wait3A_205 = arith.constant 0 : i32
    %dma_wait3A_206 = tpu.memref_slice %arg5[%add3A_160, %dma_wait3A_205] : memref<16384x1024xf32, #tpu.memory_space<hbm>> -> memref<16x1024xf32, #tpu.memory_space<hbm>>
    %dma_wait3A_207 = arith.constant 0 : i32
    %dma_wait3A_208 = tpu.memref_slice %arg5[%add3A_160, %dma_wait3A_207] : memref<16384x1024xf32, #tpu.memory_space<hbm>> -> memref<16x1024xf32, #tpu.memory_space<hbm>>
    tpu.wait_dma2 semaphore(%arg28 : memref<!tpu.dma_semaphore, #tpu.memory_space<semaphore_mem>>) src(%arg13 : memref<16x1024xf32, #tpu.memory_space<vmem>>) dst(%dma_wait3A_208 : memref<16x1024xf32, #tpu.memory_space<hbm>>)
    %dma_start3A_209 = arith.constant 192 : i32
    %dma_start3A_210 = tpu.memref_slice %arg6[%dma_start3A_209] : memref<512xi32, #tpu.memory_space<vmem>> -> memref<16xi32, #tpu.memory_space<vmem>>
    %dma_start3A_211 = arith.constant 0 : i32
    %dma_start3A_212 = arith.constant 0 : i32
    %dma_start3A_213 = tpu.memref_slice %arg4[%dma_start3A_211, %dma_start3A_212] : memref<100000x1024xf32, #tpu.memory_space<hbm>> -> memref<100000x1024xf32, #tpu.memory_space<hbm>>
    tpu.enqueue_indirect_dma source(%dma_start3A_213 : memref<100000x1024xf32, #tpu.memory_space<hbm>>) target(%arg13 : memref<16x1024xf32, #tpu.memory_space<vmem>>) offsets(%dma_start3A_210 : memref<16xi32, #tpu.memory_space<vmem>>) semaphore(%arg21 : memref<!tpu.dma_semaphore, #tpu.memory_space<semaphore_mem>>)
    %dma_wait3A_214 = arith.constant 128 : i32
    %dma_wait3A_215 = tpu.memref_slice %arg6[%dma_wait3A_214] : memref<512xi32, #tpu.memory_space<vmem>> -> memref<16xi32, #tpu.memory_space<vmem>>
    %dma_wait3A_216 = arith.constant 0 : i32
    %dma_wait3A_217 = arith.constant 0 : i32
    %dma_wait3A_218 = tpu.memref_slice %arg4[%dma_wait3A_216, %dma_wait3A_217] : memref<100000x1024xf32, #tpu.memory_space<hbm>> -> memref<100000x1024xf32, #tpu.memory_space<hbm>>
    tpu.wait_indirect_dma semaphore(%arg17 : memref<!tpu.dma_semaphore, #tpu.memory_space<semaphore_mem>>) src(%dma_wait3A_218 : memref<100000x1024xf32, #tpu.memory_space<hbm>>) dst(%arg9 : memref<16x1024xf32, #tpu.memory_space<vmem>>)
    %add3A_219 = arith.constant 128 : i32
    %add3A_220 = arith.addi %mul3A_32, %add3A_219 : i32
    %dma_start3A_221 = arith.constant 0 : i32
    %dma_start3A_222 = tpu.memref_slice %arg5[%add3A_220, %dma_start3A_221] : memref<16384x1024xf32, #tpu.memory_space<hbm>> -> memref<16x1024xf32, #tpu.memory_space<hbm>>
    %dma_start3A_223 = arith.constant 0 : i32
    %dma_start3A_224 = tpu.memref_slice %arg5[%add3A_220, %dma_start3A_223] : memref<16384x1024xf32, #tpu.memory_space<hbm>> -> memref<16x1024xf32, #tpu.memory_space<hbm>>
    tpu.enqueue_dma source(%arg9 : memref<16x1024xf32, #tpu.memory_space<vmem>>) target(%dma_start3A_224 : memref<16x1024xf32, #tpu.memory_space<hbm>>) target_semaphore(%arg24 : memref<!tpu.dma_semaphore, #tpu.memory_space<semaphore_mem>>)
    %dma_wait3A_225 = arith.constant 0 : i32
    %dma_wait3A_226 = tpu.memref_slice %arg5[%add3A_180, %dma_wait3A_225] : memref<16384x1024xf32, #tpu.memory_space<hbm>> -> memref<16x1024xf32, #tpu.memory_space<hbm>>
    %dma_wait3A_227 = arith.constant 0 : i32
    %dma_wait3A_228 = tpu.memref_slice %arg5[%add3A_180, %dma_wait3A_227] : memref<16384x1024xf32, #tpu.memory_space<hbm>> -> memref<16x1024xf32, #tpu.memory_space<hbm>>
    tpu.wait_dma2 semaphore(%arg29 : memref<!tpu.dma_semaphore, #tpu.memory_space<semaphore_mem>>) src(%arg14 : memref<16x1024xf32, #tpu.memory_space<vmem>>) dst(%dma_wait3A_228 : memref<16x1024xf32, #tpu.memory_space<hbm>>)
    %dma_start3A_229 = arith.constant 208 : i32
    %dma_start3A_230 = tpu.memref_slice %arg6[%dma_start3A_229] : memref<512xi32, #tpu.memory_space<vmem>> -> memref<16xi32, #tpu.memory_space<vmem>>
    %dma_start3A_231 = arith.constant 0 : i32
    %dma_start3A_232 = arith.constant 0 : i32
    %dma_start3A_233 = tpu.memref_slice %arg4[%dma_start3A_231, %dma_start3A_232] : memref<100000x1024xf32, #tpu.memory_space<hbm>> -> memref<100000x1024xf32, #tpu.memory_space<hbm>>
    tpu.enqueue_indirect_dma source(%dma_start3A_233 : memref<100000x1024xf32, #tpu.memory_space<hbm>>) target(%arg14 : memref<16x1024xf32, #tpu.memory_space<vmem>>) offsets(%dma_start3A_230 : memref<16xi32, #tpu.memory_space<vmem>>) semaphore(%arg22 : memref<!tpu.dma_semaphore, #tpu.memory_space<semaphore_mem>>)
    %dma_wait3A_234 = arith.constant 144 : i32
    %dma_wait3A_235 = tpu.memref_slice %arg6[%dma_wait3A_234] : memref<512xi32, #tpu.memory_space<vmem>> -> memref<16xi32, #tpu.memory_space<vmem>>
    %dma_wait3A_236 = arith.constant 0 : i32
    %dma_wait3A_237 = arith.constant 0 : i32
    %dma_wait3A_238 = tpu.memref_slice %arg4[%dma_wait3A_236, %dma_wait3A_237] : memref<100000x1024xf32, #tpu.memory_space<hbm>> -> memref<100000x1024xf32, #tpu.memory_space<hbm>>
    tpu.wait_indirect_dma semaphore(%arg18 : memref<!tpu.dma_semaphore, #tpu.memory_space<semaphore_mem>>) src(%dma_wait3A_238 : memref<100000x1024xf32, #tpu.memory_space<hbm>>) dst(%arg10 : memref<16x1024xf32, #tpu.memory_space<vmem>>)
    %add3A_239 = arith.constant 144 : i32
    %add3A_240 = arith.addi %mul3A_32, %add3A_239 : i32
    %dma_start3A_241 = arith.constant 0 : i32
    %dma_start3A_242 = tpu.memref_slice %arg5[%add3A_240, %dma_start3A_241] : memref<16384x1024xf32, #tpu.memory_space<hbm>> -> memref<16x1024xf32, #tpu.memory_space<hbm>>
    %dma_start3A_243 = arith.constant 0 : i32
    %dma_start3A_244 = tpu.memref_slice %arg5[%add3A_240, %dma_start3A_243] : memref<16384x1024xf32, #tpu.memory_space<hbm>> -> memref<16x1024xf32, #tpu.memory_space<hbm>>
    tpu.enqueue_dma source(%arg10 : memref<16x1024xf32, #tpu.memory_space<vmem>>) target(%dma_start3A_244 : memref<16x1024xf32, #tpu.memory_space<hbm>>) target_semaphore(%arg25 : memref<!tpu.dma_semaphore, #tpu.memory_space<semaphore_mem>>)
    %dma_wait3A_245 = arith.constant 0 : i32
    %dma_wait3A_246 = tpu.memref_slice %arg5[%add3A_200, %dma_wait3A_245] : memref<16384x1024xf32, #tpu.memory_space<hbm>> -> memref<16x1024xf32, #tpu.memory_space<hbm>>
    %dma_wait3A_247 = arith.constant 0 : i32
    %dma_wait3A_248 = tpu.memref_slice %arg5[%add3A_200, %dma_wait3A_247] : memref<16384x1024xf32, #tpu.memory_space<hbm>> -> memref<16x1024xf32, #tpu.memory_space<hbm>>
    tpu.wait_dma2 semaphore(%arg23 : memref<!tpu.dma_semaphore, #tpu.memory_space<semaphore_mem>>) src(%arg8 : memref<16x1024xf32, #tpu.memory_space<vmem>>) dst(%dma_wait3A_248 : memref<16x1024xf32, #tpu.memory_space<hbm>>)
    %dma_start3A_249 = arith.constant 224 : i32
    %dma_start3A_250 = tpu.memref_slice %arg6[%dma_start3A_249] : memref<512xi32, #tpu.memory_space<vmem>> -> memref<16xi32, #tpu.memory_space<vmem>>
    %dma_start3A_251 = arith.constant 0 : i32
    %dma_start3A_252 = arith.constant 0 : i32
    %dma_start3A_253 = tpu.memref_slice %arg4[%dma_start3A_251, %dma_start3A_252] : memref<100000x1024xf32, #tpu.memory_space<hbm>> -> memref<100000x1024xf32, #tpu.memory_space<hbm>>
    tpu.enqueue_indirect_dma source(%dma_start3A_253 : memref<100000x1024xf32, #tpu.memory_space<hbm>>) target(%arg8 : memref<16x1024xf32, #tpu.memory_space<vmem>>) offsets(%dma_start3A_250 : memref<16xi32, #tpu.memory_space<vmem>>) semaphore(%arg16 : memref<!tpu.dma_semaphore, #tpu.memory_space<semaphore_mem>>)
    %dma_wait3A_254 = arith.constant 160 : i32
    %dma_wait3A_255 = tpu.memref_slice %arg6[%dma_wait3A_254] : memref<512xi32, #tpu.memory_space<vmem>> -> memref<16xi32, #tpu.memory_space<vmem>>
    %dma_wait3A_256 = arith.constant 0 : i32
    %dma_wait3A_257 = arith.constant 0 : i32
    %dma_wait3A_258 = tpu.memref_slice %arg4[%dma_wait3A_256, %dma_wait3A_257] : memref<100000x1024xf32, #tpu.memory_space<hbm>> -> memref<100000x1024xf32, #tpu.memory_space<hbm>>
    tpu.wait_indirect_dma semaphore(%arg19 : memref<!tpu.dma_semaphore, #tpu.memory_space<semaphore_mem>>) src(%dma_wait3A_258 : memref<100000x1024xf32, #tpu.memory_space<hbm>>) dst(%arg11 : memref<16x1024xf32, #tpu.memory_space<vmem>>)
    %add3A_259 = arith.constant 160 : i32
    %add3A_260 = arith.addi %mul3A_32, %add3A_259 : i32
    %dma_start3A_261 = arith.constant 0 : i32
    %dma_start3A_262 = tpu.memref_slice %arg5[%add3A_260, %dma_start3A_261] : memref<16384x1024xf32, #tpu.memory_space<hbm>> -> memref<16x1024xf32, #tpu.memory_space<hbm>>
    %dma_start3A_263 = arith.constant 0 : i32
    %dma_start3A_264 = tpu.memref_slice %arg5[%add3A_260, %dma_start3A_263] : memref<16384x1024xf32, #tpu.memory_space<hbm>> -> memref<16x1024xf32, #tpu.memory_space<hbm>>
    tpu.enqueue_dma source(%arg11 : memref<16x1024xf32, #tpu.memory_space<vmem>>) target(%dma_start3A_264 : memref<16x1024xf32, #tpu.memory_space<hbm>>) target_semaphore(%arg26 : memref<!tpu.dma_semaphore, #tpu.memory_space<semaphore_mem>>)
    %dma_wait3A_265 = arith.constant 0 : i32
    %dma_wait3A_266 = tpu.memref_slice %arg5[%add3A_220, %dma_wait3A_265] : memref<16384x1024xf32, #tpu.memory_space<hbm>> -> memref<16x1024xf32, #tpu.memory_space<hbm>>
    %dma_wait3A_267 = arith.constant 0 : i32
    %dma_wait3A_268 = tpu.memref_slice %arg5[%add3A_220, %dma_wait3A_267] : memref<16384x1024xf32, #tpu.memory_space<hbm>> -> memref<16x1024xf32, #tpu.memory_space<hbm>>
    tpu.wait_dma2 semaphore(%arg24 : memref<!tpu.dma_semaphore, #tpu.memory_space<semaphore_mem>>) src(%arg9 : memref<16x1024xf32, #tpu.memory_space<vmem>>) dst(%dma_wait3A_268 : memref<16x1024xf32, #tpu.memory_space<hbm>>)
    %dma_start3A_269 = arith.constant 240 : i32
    %dma_start3A_270 = tpu.memref_slice %arg6[%dma_start3A_269] : memref<512xi32, #tpu.memory_space<vmem>> -> memref<16xi32, #tpu.memory_space<vmem>>
    %dma_start3A_271 = arith.constant 0 : i32
    %dma_start3A_272 = arith.constant 0 : i32
    %dma_start3A_273 = tpu.memref_slice %arg4[%dma_start3A_271, %dma_start3A_272] : memref<100000x1024xf32, #tpu.memory_space<hbm>> -> memref<100000x1024xf32, #tpu.memory_space<hbm>>
    tpu.enqueue_indirect_dma source(%dma_start3A_273 : memref<100000x1024xf32, #tpu.memory_space<hbm>>) target(%arg9 : memref<16x1024xf32, #tpu.memory_space<vmem>>) offsets(%dma_start3A_270 : memref<16xi32, #tpu.memory_space<vmem>>) semaphore(%arg17 : memref<!tpu.dma_semaphore, #tpu.memory_space<semaphore_mem>>)
    %dma_wait3A_274 = arith.constant 176 : i32
    %dma_wait3A_275 = tpu.memref_slice %arg6[%dma_wait3A_274] : memref<512xi32, #tpu.memory_space<vmem>> -> memref<16xi32, #tpu.memory_space<vmem>>
    %dma_wait3A_276 = arith.constant 0 : i32
    %dma_wait3A_277 = arith.constant 0 : i32
    %dma_wait3A_278 = tpu.memref_slice %arg4[%dma_wait3A_276, %dma_wait3A_277] : memref<100000x1024xf32, #tpu.memory_space<hbm>> -> memref<100000x1024xf32, #tpu.memory_space<hbm>>
    tpu.wait_indirect_dma semaphore(%arg20 : memref<!tpu.dma_semaphore, #tpu.memory_space<semaphore_mem>>) src(%dma_wait3A_278 : memref<100000x1024xf32, #tpu.memory_space<hbm>>) dst(%arg12 : memref<16x1024xf32, #tpu.memory_space<vmem>>)
    %add3A_279 = arith.constant 176 : i32
    %add3A_280 = arith.addi %mul3A_32, %add3A_279 : i32
    %dma_start3A_281 = arith.constant 0 : i32
    %dma_start3A_282 = tpu.memref_slice %arg5[%add3A_280, %dma_start3A_281] : memref<16384x1024xf32, #tpu.memory_space<hbm>> -> memref<16x1024xf32, #tpu.memory_space<hbm>>
    %dma_start3A_283 = arith.constant 0 : i32
    %dma_start3A_284 = tpu.memref_slice %arg5[%add3A_280, %dma_start3A_283] : memref<16384x1024xf32, #tpu.memory_space<hbm>> -> memref<16x1024xf32, #tpu.memory_space<hbm>>
    tpu.enqueue_dma source(%arg12 : memref<16x1024xf32, #tpu.memory_space<vmem>>) target(%dma_start3A_284 : memref<16x1024xf32, #tpu.memory_space<hbm>>) target_semaphore(%arg27 : memref<!tpu.dma_semaphore, #tpu.memory_space<semaphore_mem>>)
    %dma_wait3A_285 = arith.constant 0 : i32
    %dma_wait3A_286 = tpu.memref_slice %arg5[%add3A_240, %dma_wait3A_285] : memref<16384x1024xf32, #tpu.memory_space<hbm>> -> memref<16x1024xf32, #tpu.memory_space<hbm>>
    %dma_wait3A_287 = arith.constant 0 : i32
    %dma_wait3A_288 = tpu.memref_slice %arg5[%add3A_240, %dma_wait3A_287] : memref<16384x1024xf32, #tpu.memory_space<hbm>> -> memref<16x1024xf32, #tpu.memory_space<hbm>>
    tpu.wait_dma2 semaphore(%arg25 : memref<!tpu.dma_semaphore, #tpu.memory_space<semaphore_mem>>) src(%arg10 : memref<16x1024xf32, #tpu.memory_space<vmem>>) dst(%dma_wait3A_288 : memref<16x1024xf32, #tpu.memory_space<hbm>>)
    %dma_start3A_289 = arith.constant 256 : i32
    %dma_start3A_290 = tpu.memref_slice %arg6[%dma_start3A_289] : memref<512xi32, #tpu.memory_space<vmem>> -> memref<16xi32, #tpu.memory_space<vmem>>
    %dma_start3A_291 = arith.constant 0 : i32
    %dma_start3A_292 = arith.constant 0 : i32
    %dma_start3A_293 = tpu.memref_slice %arg4[%dma_start3A_291, %dma_start3A_292] : memref<100000x1024xf32, #tpu.memory_space<hbm>> -> memref<100000x1024xf32, #tpu.memory_space<hbm>>
    tpu.enqueue_indirect_dma source(%dma_start3A_293 : memref<100000x1024xf32, #tpu.memory_space<hbm>>) target(%arg10 : memref<16x1024xf32, #tpu.memory_space<vmem>>) offsets(%dma_start3A_290 : memref<16xi32, #tpu.memory_space<vmem>>) semaphore(%arg18 : memref<!tpu.dma_semaphore, #tpu.memory_space<semaphore_mem>>)
    %dma_wait3A_294 = arith.constant 192 : i32
    %dma_wait3A_295 = tpu.memref_slice %arg6[%dma_wait3A_294] : memref<512xi32, #tpu.memory_space<vmem>> -> memref<16xi32, #tpu.memory_space<vmem>>
    %dma_wait3A_296 = arith.constant 0 : i32
    %dma_wait3A_297 = arith.constant 0 : i32
    %dma_wait3A_298 = tpu.memref_slice %arg4[%dma_wait3A_296, %dma_wait3A_297] : memref<100000x1024xf32, #tpu.memory_space<hbm>> -> memref<100000x1024xf32, #tpu.memory_space<hbm>>
    tpu.wait_indirect_dma semaphore(%arg21 : memref<!tpu.dma_semaphore, #tpu.memory_space<semaphore_mem>>) src(%dma_wait3A_298 : memref<100000x1024xf32, #tpu.memory_space<hbm>>) dst(%arg13 : memref<16x1024xf32, #tpu.memory_space<vmem>>)
    %add3A_299 = arith.constant 192 : i32
    %add3A_300 = arith.addi %mul3A_32, %add3A_299 : i32
    %dma_start3A_301 = arith.constant 0 : i32
    %dma_start3A_302 = tpu.memref_slice %arg5[%add3A_300, %dma_start3A_301] : memref<16384x1024xf32, #tpu.memory_space<hbm>> -> memref<16x1024xf32, #tpu.memory_space<hbm>>
    %dma_start3A_303 = arith.constant 0 : i32
    %dma_start3A_304 = tpu.memref_slice %arg5[%add3A_300, %dma_start3A_303] : memref<16384x1024xf32, #tpu.memory_space<hbm>> -> memref<16x1024xf32, #tpu.memory_space<hbm>>
    tpu.enqueue_dma source(%arg13 : memref<16x1024xf32, #tpu.memory_space<vmem>>) target(%dma_start3A_304 : memref<16x1024xf32, #tpu.memory_space<hbm>>) target_semaphore(%arg28 : memref<!tpu.dma_semaphore, #tpu.memory_space<semaphore_mem>>)
    %dma_wait3A_305 = arith.constant 0 : i32
    %dma_wait3A_306 = tpu.memref_slice %arg5[%add3A_260, %dma_wait3A_305] : memref<16384x1024xf32, #tpu.memory_space<hbm>> -> memref<16x1024xf32, #tpu.memory_space<hbm>>
    %dma_wait3A_307 = arith.constant 0 : i32
    %dma_wait3A_308 = tpu.memref_slice %arg5[%add3A_260, %dma_wait3A_307] : memref<16384x1024xf32, #tpu.memory_space<hbm>> -> memref<16x1024xf32, #tpu.memory_space<hbm>>
    tpu.wait_dma2 semaphore(%arg26 : memref<!tpu.dma_semaphore, #tpu.memory_space<semaphore_mem>>) src(%arg11 : memref<16x1024xf32, #tpu.memory_space<vmem>>) dst(%dma_wait3A_308 : memref<16x1024xf32, #tpu.memory_space<hbm>>)
    %dma_start3A_309 = arith.constant 272 : i32
    %dma_start3A_310 = tpu.memref_slice %arg6[%dma_start3A_309] : memref<512xi32, #tpu.memory_space<vmem>> -> memref<16xi32, #tpu.memory_space<vmem>>
    %dma_start3A_311 = arith.constant 0 : i32
    %dma_start3A_312 = arith.constant 0 : i32
    %dma_start3A_313 = tpu.memref_slice %arg4[%dma_start3A_311, %dma_start3A_312] : memref<100000x1024xf32, #tpu.memory_space<hbm>> -> memref<100000x1024xf32, #tpu.memory_space<hbm>>
    tpu.enqueue_indirect_dma source(%dma_start3A_313 : memref<100000x1024xf32, #tpu.memory_space<hbm>>) target(%arg11 : memref<16x1024xf32, #tpu.memory_space<vmem>>) offsets(%dma_start3A_310 : memref<16xi32, #tpu.memory_space<vmem>>) semaphore(%arg19 : memref<!tpu.dma_semaphore, #tpu.memory_space<semaphore_mem>>)
    %dma_wait3A_314 = arith.constant 208 : i32
    %dma_wait3A_315 = tpu.memref_slice %arg6[%dma_wait3A_314] : memref<512xi32, #tpu.memory_space<vmem>> -> memref<16xi32, #tpu.memory_space<vmem>>
    %dma_wait3A_316 = arith.constant 0 : i32
    %dma_wait3A_317 = arith.constant 0 : i32
    %dma_wait3A_318 = tpu.memref_slice %arg4[%dma_wait3A_316, %dma_wait3A_317] : memref<100000x1024xf32, #tpu.memory_space<hbm>> -> memref<100000x1024xf32, #tpu.memory_space<hbm>>
    tpu.wait_indirect_dma semaphore(%arg22 : memref<!tpu.dma_semaphore, #tpu.memory_space<semaphore_mem>>) src(%dma_wait3A_318 : memref<100000x1024xf32, #tpu.memory_space<hbm>>) dst(%arg14 : memref<16x1024xf32, #tpu.memory_space<vmem>>)
    %add3A_319 = arith.constant 208 : i32
    %add3A_320 = arith.addi %mul3A_32, %add3A_319 : i32
    %dma_start3A_321 = arith.constant 0 : i32
    %dma_start3A_322 = tpu.memref_slice %arg5[%add3A_320, %dma_start3A_321] : memref<16384x1024xf32, #tpu.memory_space<hbm>> -> memref<16x1024xf32, #tpu.memory_space<hbm>>
    %dma_start3A_323 = arith.constant 0 : i32
    %dma_start3A_324 = tpu.memref_slice %arg5[%add3A_320, %dma_start3A_323] : memref<16384x1024xf32, #tpu.memory_space<hbm>> -> memref<16x1024xf32, #tpu.memory_space<hbm>>
    tpu.enqueue_dma source(%arg14 : memref<16x1024xf32, #tpu.memory_space<vmem>>) target(%dma_start3A_324 : memref<16x1024xf32, #tpu.memory_space<hbm>>) target_semaphore(%arg29 : memref<!tpu.dma_semaphore, #tpu.memory_space<semaphore_mem>>)
    %dma_wait3A_325 = arith.constant 0 : i32
    %dma_wait3A_326 = tpu.memref_slice %arg5[%add3A_280, %dma_wait3A_325] : memref<16384x1024xf32, #tpu.memory_space<hbm>> -> memref<16x1024xf32, #tpu.memory_space<hbm>>
    %dma_wait3A_327 = arith.constant 0 : i32
    %dma_wait3A_328 = tpu.memref_slice %arg5[%add3A_280, %dma_wait3A_327] : memref<16384x1024xf32, #tpu.memory_space<hbm>> -> memref<16x1024xf32, #tpu.memory_space<hbm>>
    tpu.wait_dma2 semaphore(%arg27 : memref<!tpu.dma_semaphore, #tpu.memory_space<semaphore_mem>>) src(%arg12 : memref<16x1024xf32, #tpu.memory_space<vmem>>) dst(%dma_wait3A_328 : memref<16x1024xf32, #tpu.memory_space<hbm>>)
    %dma_start3A_329 = arith.constant 288 : i32
    %dma_start3A_330 = tpu.memref_slice %arg6[%dma_start3A_329] : memref<512xi32, #tpu.memory_space<vmem>> -> memref<16xi32, #tpu.memory_space<vmem>>
    %dma_start3A_331 = arith.constant 0 : i32
    %dma_start3A_332 = arith.constant 0 : i32
    %dma_start3A_333 = tpu.memref_slice %arg4[%dma_start3A_331, %dma_start3A_332] : memref<100000x1024xf32, #tpu.memory_space<hbm>> -> memref<100000x1024xf32, #tpu.memory_space<hbm>>
    tpu.enqueue_indirect_dma source(%dma_start3A_333 : memref<100000x1024xf32, #tpu.memory_space<hbm>>) target(%arg12 : memref<16x1024xf32, #tpu.memory_space<vmem>>) offsets(%dma_start3A_330 : memref<16xi32, #tpu.memory_space<vmem>>) semaphore(%arg20 : memref<!tpu.dma_semaphore, #tpu.memory_space<semaphore_mem>>)
    %dma_wait3A_334 = arith.constant 224 : i32
    %dma_wait3A_335 = tpu.memref_slice %arg6[%dma_wait3A_334] : memref<512xi32, #tpu.memory_space<vmem>> -> memref<16xi32, #tpu.memory_space<vmem>>
    %dma_wait3A_336 = arith.constant 0 : i32
    %dma_wait3A_337 = arith.constant 0 : i32
    %dma_wait3A_338 = tpu.memref_slice %arg4[%dma_wait3A_336, %dma_wait3A_337] : memref<100000x1024xf32, #tpu.memory_space<hbm>> -> memref<100000x1024xf32, #tpu.memory_space<hbm>>
    tpu.wait_indirect_dma semaphore(%arg16 : memref<!tpu.dma_semaphore, #tpu.memory_space<semaphore_mem>>) src(%dma_wait3A_338 : memref<100000x1024xf32, #tpu.memory_space<hbm>>) dst(%arg8 : memref<16x1024xf32, #tpu.memory_space<vmem>>)
    %add3A_339 = arith.constant 224 : i32
    %add3A_340 = arith.addi %mul3A_32, %add3A_339 : i32
    %dma_start3A_341 = arith.constant 0 : i32
    %dma_start3A_342 = tpu.memref_slice %arg5[%add3A_340, %dma_start3A_341] : memref<16384x1024xf32, #tpu.memory_space<hbm>> -> memref<16x1024xf32, #tpu.memory_space<hbm>>
    %dma_start3A_343 = arith.constant 0 : i32
    %dma_start3A_344 = tpu.memref_slice %arg5[%add3A_340, %dma_start3A_343] : memref<16384x1024xf32, #tpu.memory_space<hbm>> -> memref<16x1024xf32, #tpu.memory_space<hbm>>
    tpu.enqueue_dma source(%arg8 : memref<16x1024xf32, #tpu.memory_space<vmem>>) target(%dma_start3A_344 : memref<16x1024xf32, #tpu.memory_space<hbm>>) target_semaphore(%arg23 : memref<!tpu.dma_semaphore, #tpu.memory_space<semaphore_mem>>)
    %dma_wait3A_345 = arith.constant 0 : i32
    %dma_wait3A_346 = tpu.memref_slice %arg5[%add3A_300, %dma_wait3A_345] : memref<16384x1024xf32, #tpu.memory_space<hbm>> -> memref<16x1024xf32, #tpu.memory_space<hbm>>
    %dma_wait3A_347 = arith.constant 0 : i32
    %dma_wait3A_348 = tpu.memref_slice %arg5[%add3A_300, %dma_wait3A_347] : memref<16384x1024xf32, #tpu.memory_space<hbm>> -> memref<16x1024xf32, #tpu.memory_space<hbm>>
    tpu.wait_dma2 semaphore(%arg28 : memref<!tpu.dma_semaphore, #tpu.memory_space<semaphore_mem>>) src(%arg13 : memref<16x1024xf32, #tpu.memory_space<vmem>>) dst(%dma_wait3A_348 : memref<16x1024xf32, #tpu.memory_space<hbm>>)
    %dma_start3A_349 = arith.constant 304 : i32
    %dma_start3A_350 = tpu.memref_slice %arg6[%dma_start3A_349] : memref<512xi32, #tpu.memory_space<vmem>> -> memref<16xi32, #tpu.memory_space<vmem>>
    %dma_start3A_351 = arith.constant 0 : i32
    %dma_start3A_352 = arith.constant 0 : i32
    %dma_start3A_353 = tpu.memref_slice %arg4[%dma_start3A_351, %dma_start3A_352] : memref<100000x1024xf32, #tpu.memory_space<hbm>> -> memref<100000x1024xf32, #tpu.memory_space<hbm>>
    tpu.enqueue_indirect_dma source(%dma_start3A_353 : memref<100000x1024xf32, #tpu.memory_space<hbm>>) target(%arg13 : memref<16x1024xf32, #tpu.memory_space<vmem>>) offsets(%dma_start3A_350 : memref<16xi32, #tpu.memory_space<vmem>>) semaphore(%arg21 : memref<!tpu.dma_semaphore, #tpu.memory_space<semaphore_mem>>)
    %dma_wait3A_354 = arith.constant 240 : i32
    %dma_wait3A_355 = tpu.memref_slice %arg6[%dma_wait3A_354] : memref<512xi32, #tpu.memory_space<vmem>> -> memref<16xi32, #tpu.memory_space<vmem>>
    %dma_wait3A_356 = arith.constant 0 : i32
    %dma_wait3A_357 = arith.constant 0 : i32
    %dma_wait3A_358 = tpu.memref_slice %arg4[%dma_wait3A_356, %dma_wait3A_357] : memref<100000x1024xf32, #tpu.memory_space<hbm>> -> memref<100000x1024xf32, #tpu.memory_space<hbm>>
    tpu.wait_indirect_dma semaphore(%arg17 : memref<!tpu.dma_semaphore, #tpu.memory_space<semaphore_mem>>) src(%dma_wait3A_358 : memref<100000x1024xf32, #tpu.memory_space<hbm>>) dst(%arg9 : memref<16x1024xf32, #tpu.memory_space<vmem>>)
    %add3A_359 = arith.constant 240 : i32
    %add3A_360 = arith.addi %mul3A_32, %add3A_359 : i32
    %dma_start3A_361 = arith.constant 0 : i32
    %dma_start3A_362 = tpu.memref_slice %arg5[%add3A_360, %dma_start3A_361] : memref<16384x1024xf32, #tpu.memory_space<hbm>> -> memref<16x1024xf32, #tpu.memory_space<hbm>>
    %dma_start3A_363 = arith.constant 0 : i32
    %dma_start3A_364 = tpu.memref_slice %arg5[%add3A_360, %dma_start3A_363] : memref<16384x1024xf32, #tpu.memory_space<hbm>> -> memref<16x1024xf32, #tpu.memory_space<hbm>>
    tpu.enqueue_dma source(%arg9 : memref<16x1024xf32, #tpu.memory_space<vmem>>) target(%dma_start3A_364 : memref<16x1024xf32, #tpu.memory_space<hbm>>) target_semaphore(%arg24 : memref<!tpu.dma_semaphore, #tpu.memory_space<semaphore_mem>>)
    %dma_wait3A_365 = arith.constant 0 : i32
    %dma_wait3A_366 = tpu.memref_slice %arg5[%add3A_320, %dma_wait3A_365] : memref<16384x1024xf32, #tpu.memory_space<hbm>> -> memref<16x1024xf32, #tpu.memory_space<hbm>>
    %dma_wait3A_367 = arith.constant 0 : i32
    %dma_wait3A_368 = tpu.memref_slice %arg5[%add3A_320, %dma_wait3A_367] : memref<16384x1024xf32, #tpu.memory_space<hbm>> -> memref<16x1024xf32, #tpu.memory_space<hbm>>
    tpu.wait_dma2 semaphore(%arg29 : memref<!tpu.dma_semaphore, #tpu.memory_space<semaphore_mem>>) src(%arg14 : memref<16x1024xf32, #tpu.memory_space<vmem>>) dst(%dma_wait3A_368 : memref<16x1024xf32, #tpu.memory_space<hbm>>)
    %dma_start3A_369 = arith.constant 320 : i32
    %dma_start3A_370 = tpu.memref_slice %arg6[%dma_start3A_369] : memref<512xi32, #tpu.memory_space<vmem>> -> memref<16xi32, #tpu.memory_space<vmem>>
    %dma_start3A_371 = arith.constant 0 : i32
    %dma_start3A_372 = arith.constant 0 : i32
    %dma_start3A_373 = tpu.memref_slice %arg4[%dma_start3A_371, %dma_start3A_372] : memref<100000x1024xf32, #tpu.memory_space<hbm>> -> memref<100000x1024xf32, #tpu.memory_space<hbm>>
    tpu.enqueue_indirect_dma source(%dma_start3A_373 : memref<100000x1024xf32, #tpu.memory_space<hbm>>) target(%arg14 : memref<16x1024xf32, #tpu.memory_space<vmem>>) offsets(%dma_start3A_370 : memref<16xi32, #tpu.memory_space<vmem>>) semaphore(%arg22 : memref<!tpu.dma_semaphore, #tpu.memory_space<semaphore_mem>>)
    %dma_wait3A_374 = arith.constant 256 : i32
    %dma_wait3A_375 = tpu.memref_slice %arg6[%dma_wait3A_374] : memref<512xi32, #tpu.memory_space<vmem>> -> memref<16xi32, #tpu.memory_space<vmem>>
    %dma_wait3A_376 = arith.constant 0 : i32
    %dma_wait3A_377 = arith.constant 0 : i32
    %dma_wait3A_378 = tpu.memref_slice %arg4[%dma_wait3A_376, %dma_wait3A_377] : memref<100000x1024xf32, #tpu.memory_space<hbm>> -> memref<100000x1024xf32, #tpu.memory_space<hbm>>
    tpu.wait_indirect_dma semaphore(%arg18 : memref<!tpu.dma_semaphore, #tpu.memory_space<semaphore_mem>>) src(%dma_wait3A_378 : memref<100000x1024xf32, #tpu.memory_space<hbm>>) dst(%arg10 : memref<16x1024xf32, #tpu.memory_space<vmem>>)
    %add3A_379 = arith.constant 256 : i32
    %add3A_380 = arith.addi %mul3A_32, %add3A_379 : i32
    %dma_start3A_381 = arith.constant 0 : i32
    %dma_start3A_382 = tpu.memref_slice %arg5[%add3A_380, %dma_start3A_381] : memref<16384x1024xf32, #tpu.memory_space<hbm>> -> memref<16x1024xf32, #tpu.memory_space<hbm>>
    %dma_start3A_383 = arith.constant 0 : i32
    %dma_start3A_384 = tpu.memref_slice %arg5[%add3A_380, %dma_start3A_383] : memref<16384x1024xf32, #tpu.memory_space<hbm>> -> memref<16x1024xf32, #tpu.memory_space<hbm>>
    tpu.enqueue_dma source(%arg10 : memref<16x1024xf32, #tpu.memory_space<vmem>>) target(%dma_start3A_384 : memref<16x1024xf32, #tpu.memory_space<hbm>>) target_semaphore(%arg25 : memref<!tpu.dma_semaphore, #tpu.memory_space<semaphore_mem>>)
    %dma_wait3A_385 = arith.constant 0 : i32
    %dma_wait3A_386 = tpu.memref_slice %arg5[%add3A_340, %dma_wait3A_385] : memref<16384x1024xf32, #tpu.memory_space<hbm>> -> memref<16x1024xf32, #tpu.memory_space<hbm>>
    %dma_wait3A_387 = arith.constant 0 : i32
    %dma_wait3A_388 = tpu.memref_slice %arg5[%add3A_340, %dma_wait3A_387] : memref<16384x1024xf32, #tpu.memory_space<hbm>> -> memref<16x1024xf32, #tpu.memory_space<hbm>>
    tpu.wait_dma2 semaphore(%arg23 : memref<!tpu.dma_semaphore, #tpu.memory_space<semaphore_mem>>) src(%arg8 : memref<16x1024xf32, #tpu.memory_space<vmem>>) dst(%dma_wait3A_388 : memref<16x1024xf32, #tpu.memory_space<hbm>>)
    %dma_start3A_389 = arith.constant 336 : i32
    %dma_start3A_390 = tpu.memref_slice %arg6[%dma_start3A_389] : memref<512xi32, #tpu.memory_space<vmem>> -> memref<16xi32, #tpu.memory_space<vmem>>
    %dma_start3A_391 = arith.constant 0 : i32
    %dma_start3A_392 = arith.constant 0 : i32
    %dma_start3A_393 = tpu.memref_slice %arg4[%dma_start3A_391, %dma_start3A_392] : memref<100000x1024xf32, #tpu.memory_space<hbm>> -> memref<100000x1024xf32, #tpu.memory_space<hbm>>
    tpu.enqueue_indirect_dma source(%dma_start3A_393 : memref<100000x1024xf32, #tpu.memory_space<hbm>>) target(%arg8 : memref<16x1024xf32, #tpu.memory_space<vmem>>) offsets(%dma_start3A_390 : memref<16xi32, #tpu.memory_space<vmem>>) semaphore(%arg16 : memref<!tpu.dma_semaphore, #tpu.memory_space<semaphore_mem>>)
    %dma_wait3A_394 = arith.constant 272 : i32
    %dma_wait3A_395 = tpu.memref_slice %arg6[%dma_wait3A_394] : memref<512xi32, #tpu.memory_space<vmem>> -> memref<16xi32, #tpu.memory_space<vmem>>
    %dma_wait3A_396 = arith.constant 0 : i32
    %dma_wait3A_397 = arith.constant 0 : i32
    %dma_wait3A_398 = tpu.memref_slice %arg4[%dma_wait3A_396, %dma_wait3A_397] : memref<100000x1024xf32, #tpu.memory_space<hbm>> -> memref<100000x1024xf32, #tpu.memory_space<hbm>>
    tpu.wait_indirect_dma semaphore(%arg19 : memref<!tpu.dma_semaphore, #tpu.memory_space<semaphore_mem>>) src(%dma_wait3A_398 : memref<100000x1024xf32, #tpu.memory_space<hbm>>) dst(%arg11 : memref<16x1024xf32, #tpu.memory_space<vmem>>)
    %add3A_399 = arith.constant 272 : i32
    %add3A_400 = arith.addi %mul3A_32, %add3A_399 : i32
    %dma_start3A_401 = arith.constant 0 : i32
    %dma_start3A_402 = tpu.memref_slice %arg5[%add3A_400, %dma_start3A_401] : memref<16384x1024xf32, #tpu.memory_space<hbm>> -> memref<16x1024xf32, #tpu.memory_space<hbm>>
    %dma_start3A_403 = arith.constant 0 : i32
    %dma_start3A_404 = tpu.memref_slice %arg5[%add3A_400, %dma_start3A_403] : memref<16384x1024xf32, #tpu.memory_space<hbm>> -> memref<16x1024xf32, #tpu.memory_space<hbm>>
    tpu.enqueue_dma source(%arg11 : memref<16x1024xf32, #tpu.memory_space<vmem>>) target(%dma_start3A_404 : memref<16x1024xf32, #tpu.memory_space<hbm>>) target_semaphore(%arg26 : memref<!tpu.dma_semaphore, #tpu.memory_space<semaphore_mem>>)
    %dma_wait3A_405 = arith.constant 0 : i32
    %dma_wait3A_406 = tpu.memref_slice %arg5[%add3A_360, %dma_wait3A_405] : memref<16384x1024xf32, #tpu.memory_space<hbm>> -> memref<16x1024xf32, #tpu.memory_space<hbm>>
    %dma_wait3A_407 = arith.constant 0 : i32
    %dma_wait3A_408 = tpu.memref_slice %arg5[%add3A_360, %dma_wait3A_407] : memref<16384x1024xf32, #tpu.memory_space<hbm>> -> memref<16x1024xf32, #tpu.memory_space<hbm>>
    tpu.wait_dma2 semaphore(%arg24 : memref<!tpu.dma_semaphore, #tpu.memory_space<semaphore_mem>>) src(%arg9 : memref<16x1024xf32, #tpu.memory_space<vmem>>) dst(%dma_wait3A_408 : memref<16x1024xf32, #tpu.memory_space<hbm>>)
    %dma_start3A_409 = arith.constant 352 : i32
    %dma_start3A_410 = tpu.memref_slice %arg6[%dma_start3A_409] : memref<512xi32, #tpu.memory_space<vmem>> -> memref<16xi32, #tpu.memory_space<vmem>>
    %dma_start3A_411 = arith.constant 0 : i32
    %dma_start3A_412 = arith.constant 0 : i32
    %dma_start3A_413 = tpu.memref_slice %arg4[%dma_start3A_411, %dma_start3A_412] : memref<100000x1024xf32, #tpu.memory_space<hbm>> -> memref<100000x1024xf32, #tpu.memory_space<hbm>>
    tpu.enqueue_indirect_dma source(%dma_start3A_413 : memref<100000x1024xf32, #tpu.memory_space<hbm>>) target(%arg9 : memref<16x1024xf32, #tpu.memory_space<vmem>>) offsets(%dma_start3A_410 : memref<16xi32, #tpu.memory_space<vmem>>) semaphore(%arg17 : memref<!tpu.dma_semaphore, #tpu.memory_space<semaphore_mem>>)
    %dma_wait3A_414 = arith.constant 288 : i32
    %dma_wait3A_415 = tpu.memref_slice %arg6[%dma_wait3A_414] : memref<512xi32, #tpu.memory_space<vmem>> -> memref<16xi32, #tpu.memory_space<vmem>>
    %dma_wait3A_416 = arith.constant 0 : i32
    %dma_wait3A_417 = arith.constant 0 : i32
    %dma_wait3A_418 = tpu.memref_slice %arg4[%dma_wait3A_416, %dma_wait3A_417] : memref<100000x1024xf32, #tpu.memory_space<hbm>> -> memref<100000x1024xf32, #tpu.memory_space<hbm>>
    tpu.wait_indirect_dma semaphore(%arg20 : memref<!tpu.dma_semaphore, #tpu.memory_space<semaphore_mem>>) src(%dma_wait3A_418 : memref<100000x1024xf32, #tpu.memory_space<hbm>>) dst(%arg12 : memref<16x1024xf32, #tpu.memory_space<vmem>>)
    %add3A_419 = arith.constant 288 : i32
    %add3A_420 = arith.addi %mul3A_32, %add3A_419 : i32
    %dma_start3A_421 = arith.constant 0 : i32
    %dma_start3A_422 = tpu.memref_slice %arg5[%add3A_420, %dma_start3A_421] : memref<16384x1024xf32, #tpu.memory_space<hbm>> -> memref<16x1024xf32, #tpu.memory_space<hbm>>
    %dma_start3A_423 = arith.constant 0 : i32
    %dma_start3A_424 = tpu.memref_slice %arg5[%add3A_420, %dma_start3A_423] : memref<16384x1024xf32, #tpu.memory_space<hbm>> -> memref<16x1024xf32, #tpu.memory_space<hbm>>
    tpu.enqueue_dma source(%arg12 : memref<16x1024xf32, #tpu.memory_space<vmem>>) target(%dma_start3A_424 : memref<16x1024xf32, #tpu.memory_space<hbm>>) target_semaphore(%arg27 : memref<!tpu.dma_semaphore, #tpu.memory_space<semaphore_mem>>)
    %dma_wait3A_425 = arith.constant 0 : i32
    %dma_wait3A_426 = tpu.memref_slice %arg5[%add3A_380, %dma_wait3A_425] : memref<16384x1024xf32, #tpu.memory_space<hbm>> -> memref<16x1024xf32, #tpu.memory_space<hbm>>
    %dma_wait3A_427 = arith.constant 0 : i32
    %dma_wait3A_428 = tpu.memref_slice %arg5[%add3A_380, %dma_wait3A_427] : memref<16384x1024xf32, #tpu.memory_space<hbm>> -> memref<16x1024xf32, #tpu.memory_space<hbm>>
    tpu.wait_dma2 semaphore(%arg25 : memref<!tpu.dma_semaphore, #tpu.memory_space<semaphore_mem>>) src(%arg10 : memref<16x1024xf32, #tpu.memory_space<vmem>>) dst(%dma_wait3A_428 : memref<16x1024xf32, #tpu.memory_space<hbm>>)
    %dma_start3A_429 = arith.constant 368 : i32
    %dma_start3A_430 = tpu.memref_slice %arg6[%dma_start3A_429] : memref<512xi32, #tpu.memory_space<vmem>> -> memref<16xi32, #tpu.memory_space<vmem>>
    %dma_start3A_431 = arith.constant 0 : i32
    %dma_start3A_432 = arith.constant 0 : i32
    %dma_start3A_433 = tpu.memref_slice %arg4[%dma_start3A_431, %dma_start3A_432] : memref<100000x1024xf32, #tpu.memory_space<hbm>> -> memref<100000x1024xf32, #tpu.memory_space<hbm>>
    tpu.enqueue_indirect_dma source(%dma_start3A_433 : memref<100000x1024xf32, #tpu.memory_space<hbm>>) target(%arg10 : memref<16x1024xf32, #tpu.memory_space<vmem>>) offsets(%dma_start3A_430 : memref<16xi32, #tpu.memory_space<vmem>>) semaphore(%arg18 : memref<!tpu.dma_semaphore, #tpu.memory_space<semaphore_mem>>)
    %dma_wait3A_434 = arith.constant 304 : i32
    %dma_wait3A_435 = tpu.memref_slice %arg6[%dma_wait3A_434] : memref<512xi32, #tpu.memory_space<vmem>> -> memref<16xi32, #tpu.memory_space<vmem>>
    %dma_wait3A_436 = arith.constant 0 : i32
    %dma_wait3A_437 = arith.constant 0 : i32
    %dma_wait3A_438 = tpu.memref_slice %arg4[%dma_wait3A_436, %dma_wait3A_437] : memref<100000x1024xf32, #tpu.memory_space<hbm>> -> memref<100000x1024xf32, #tpu.memory_space<hbm>>
    tpu.wait_indirect_dma semaphore(%arg21 : memref<!tpu.dma_semaphore, #tpu.memory_space<semaphore_mem>>) src(%dma_wait3A_438 : memref<100000x1024xf32, #tpu.memory_space<hbm>>) dst(%arg13 : memref<16x1024xf32, #tpu.memory_space<vmem>>)
    %add3A_439 = arith.constant 304 : i32
    %add3A_440 = arith.addi %mul3A_32, %add3A_439 : i32
    %dma_start3A_441 = arith.constant 0 : i32
    %dma_start3A_442 = tpu.memref_slice %arg5[%add3A_440, %dma_start3A_441] : memref<16384x1024xf32, #tpu.memory_space<hbm>> -> memref<16x1024xf32, #tpu.memory_space<hbm>>
    %dma_start3A_443 = arith.constant 0 : i32
    %dma_start3A_444 = tpu.memref_slice %arg5[%add3A_440, %dma_start3A_443] : memref<16384x1024xf32, #tpu.memory_space<hbm>> -> memref<16x1024xf32, #tpu.memory_space<hbm>>
    tpu.enqueue_dma source(%arg13 : memref<16x1024xf32, #tpu.memory_space<vmem>>) target(%dma_start3A_444 : memref<16x1024xf32, #tpu.memory_space<hbm>>) target_semaphore(%arg28 : memref<!tpu.dma_semaphore, #tpu.memory_space<semaphore_mem>>)
    %dma_wait3A_445 = arith.constant 0 : i32
    %dma_wait3A_446 = tpu.memref_slice %arg5[%add3A_400, %dma_wait3A_445] : memref<16384x1024xf32, #tpu.memory_space<hbm>> -> memref<16x1024xf32, #tpu.memory_space<hbm>>
    %dma_wait3A_447 = arith.constant 0 : i32
    %dma_wait3A_448 = tpu.memref_slice %arg5[%add3A_400, %dma_wait3A_447] : memref<16384x1024xf32, #tpu.memory_space<hbm>> -> memref<16x1024xf32, #tpu.memory_space<hbm>>
    tpu.wait_dma2 semaphore(%arg26 : memref<!tpu.dma_semaphore, #tpu.memory_space<semaphore_mem>>) src(%arg11 : memref<16x1024xf32, #tpu.memory_space<vmem>>) dst(%dma_wait3A_448 : memref<16x1024xf32, #tpu.memory_space<hbm>>)
    %dma_start3A_449 = arith.constant 384 : i32
    %dma_start3A_450 = tpu.memref_slice %arg6[%dma_start3A_449] : memref<512xi32, #tpu.memory_space<vmem>> -> memref<16xi32, #tpu.memory_space<vmem>>
    %dma_start3A_451 = arith.constant 0 : i32
    %dma_start3A_452 = arith.constant 0 : i32
    %dma_start3A_453 = tpu.memref_slice %arg4[%dma_start3A_451, %dma_start3A_452] : memref<100000x1024xf32, #tpu.memory_space<hbm>> -> memref<100000x1024xf32, #tpu.memory_space<hbm>>
    tpu.enqueue_indirect_dma source(%dma_start3A_453 : memref<100000x1024xf32, #tpu.memory_space<hbm>>) target(%arg11 : memref<16x1024xf32, #tpu.memory_space<vmem>>) offsets(%dma_start3A_450 : memref<16xi32, #tpu.memory_space<vmem>>) semaphore(%arg19 : memref<!tpu.dma_semaphore, #tpu.memory_space<semaphore_mem>>)
    %dma_wait3A_454 = arith.constant 320 : i32
    %dma_wait3A_455 = tpu.memref_slice %arg6[%dma_wait3A_454] : memref<512xi32, #tpu.memory_space<vmem>> -> memref<16xi32, #tpu.memory_space<vmem>>
    %dma_wait3A_456 = arith.constant 0 : i32
    %dma_wait3A_457 = arith.constant 0 : i32
    %dma_wait3A_458 = tpu.memref_slice %arg4[%dma_wait3A_456, %dma_wait3A_457] : memref<100000x1024xf32, #tpu.memory_space<hbm>> -> memref<100000x1024xf32, #tpu.memory_space<hbm>>
    tpu.wait_indirect_dma semaphore(%arg22 : memref<!tpu.dma_semaphore, #tpu.memory_space<semaphore_mem>>) src(%dma_wait3A_458 : memref<100000x1024xf32, #tpu.memory_space<hbm>>) dst(%arg14 : memref<16x1024xf32, #tpu.memory_space<vmem>>)
    %add3A_459 = arith.constant 320 : i32
    %add3A_460 = arith.addi %mul3A_32, %add3A_459 : i32
    %dma_start3A_461 = arith.constant 0 : i32
    %dma_start3A_462 = tpu.memref_slice %arg5[%add3A_460, %dma_start3A_461] : memref<16384x1024xf32, #tpu.memory_space<hbm>> -> memref<16x1024xf32, #tpu.memory_space<hbm>>
    %dma_start3A_463 = arith.constant 0 : i32
    %dma_start3A_464 = tpu.memref_slice %arg5[%add3A_460, %dma_start3A_463] : memref<16384x1024xf32, #tpu.memory_space<hbm>> -> memref<16x1024xf32, #tpu.memory_space<hbm>>
    tpu.enqueue_dma source(%arg14 : memref<16x1024xf32, #tpu.memory_space<vmem>>) target(%dma_start3A_464 : memref<16x1024xf32, #tpu.memory_space<hbm>>) target_semaphore(%arg29 : memref<!tpu.dma_semaphore, #tpu.memory_space<semaphore_mem>>)
    %dma_wait3A_465 = arith.constant 0 : i32
    %dma_wait3A_466 = tpu.memref_slice %arg5[%add3A_420, %dma_wait3A_465] : memref<16384x1024xf32, #tpu.memory_space<hbm>> -> memref<16x1024xf32, #tpu.memory_space<hbm>>
    %dma_wait3A_467 = arith.constant 0 : i32
    %dma_wait3A_468 = tpu.memref_slice %arg5[%add3A_420, %dma_wait3A_467] : memref<16384x1024xf32, #tpu.memory_space<hbm>> -> memref<16x1024xf32, #tpu.memory_space<hbm>>
    tpu.wait_dma2 semaphore(%arg27 : memref<!tpu.dma_semaphore, #tpu.memory_space<semaphore_mem>>) src(%arg12 : memref<16x1024xf32, #tpu.memory_space<vmem>>) dst(%dma_wait3A_468 : memref<16x1024xf32, #tpu.memory_space<hbm>>)
    %dma_start3A_469 = arith.constant 400 : i32
    %dma_start3A_470 = tpu.memref_slice %arg6[%dma_start3A_469] : memref<512xi32, #tpu.memory_space<vmem>> -> memref<16xi32, #tpu.memory_space<vmem>>
    %dma_start3A_471 = arith.constant 0 : i32
    %dma_start3A_472 = arith.constant 0 : i32
    %dma_start3A_473 = tpu.memref_slice %arg4[%dma_start3A_471, %dma_start3A_472] : memref<100000x1024xf32, #tpu.memory_space<hbm>> -> memref<100000x1024xf32, #tpu.memory_space<hbm>>
    tpu.enqueue_indirect_dma source(%dma_start3A_473 : memref<100000x1024xf32, #tpu.memory_space<hbm>>) target(%arg12 : memref<16x1024xf32, #tpu.memory_space<vmem>>) offsets(%dma_start3A_470 : memref<16xi32, #tpu.memory_space<vmem>>) semaphore(%arg20 : memref<!tpu.dma_semaphore, #tpu.memory_space<semaphore_mem>>)
    %dma_wait3A_474 = arith.constant 336 : i32
    %dma_wait3A_475 = tpu.memref_slice %arg6[%dma_wait3A_474] : memref<512xi32, #tpu.memory_space<vmem>> -> memref<16xi32, #tpu.memory_space<vmem>>
    %dma_wait3A_476 = arith.constant 0 : i32
    %dma_wait3A_477 = arith.constant 0 : i32
    %dma_wait3A_478 = tpu.memref_slice %arg4[%dma_wait3A_476, %dma_wait3A_477] : memref<100000x1024xf32, #tpu.memory_space<hbm>> -> memref<100000x1024xf32, #tpu.memory_space<hbm>>
    tpu.wait_indirect_dma semaphore(%arg16 : memref<!tpu.dma_semaphore, #tpu.memory_space<semaphore_mem>>) src(%dma_wait3A_478 : memref<100000x1024xf32, #tpu.memory_space<hbm>>) dst(%arg8 : memref<16x1024xf32, #tpu.memory_space<vmem>>)
    %add3A_479 = arith.constant 336 : i32
    %add3A_480 = arith.addi %mul3A_32, %add3A_479 : i32
    %dma_start3A_481 = arith.constant 0 : i32
    %dma_start3A_482 = tpu.memref_slice %arg5[%add3A_480, %dma_start3A_481] : memref<16384x1024xf32, #tpu.memory_space<hbm>> -> memref<16x1024xf32, #tpu.memory_space<hbm>>
    %dma_start3A_483 = arith.constant 0 : i32
    %dma_start3A_484 = tpu.memref_slice %arg5[%add3A_480, %dma_start3A_483] : memref<16384x1024xf32, #tpu.memory_space<hbm>> -> memref<16x1024xf32, #tpu.memory_space<hbm>>
    tpu.enqueue_dma source(%arg8 : memref<16x1024xf32, #tpu.memory_space<vmem>>) target(%dma_start3A_484 : memref<16x1024xf32, #tpu.memory_space<hbm>>) target_semaphore(%arg23 : memref<!tpu.dma_semaphore, #tpu.memory_space<semaphore_mem>>)
    %dma_wait3A_485 = arith.constant 0 : i32
    %dma_wait3A_486 = tpu.memref_slice %arg5[%add3A_440, %dma_wait3A_485] : memref<16384x1024xf32, #tpu.memory_space<hbm>> -> memref<16x1024xf32, #tpu.memory_space<hbm>>
    %dma_wait3A_487 = arith.constant 0 : i32
    %dma_wait3A_488 = tpu.memref_slice %arg5[%add3A_440, %dma_wait3A_487] : memref<16384x1024xf32, #tpu.memory_space<hbm>> -> memref<16x1024xf32, #tpu.memory_space<hbm>>
    tpu.wait_dma2 semaphore(%arg28 : memref<!tpu.dma_semaphore, #tpu.memory_space<semaphore_mem>>) src(%arg13 : memref<16x1024xf32, #tpu.memory_space<vmem>>) dst(%dma_wait3A_488 : memref<16x1024xf32, #tpu.memory_space<hbm>>)
    %dma_start3A_489 = arith.constant 416 : i32
    %dma_start3A_490 = tpu.memref_slice %arg6[%dma_start3A_489] : memref<512xi32, #tpu.memory_space<vmem>> -> memref<16xi32, #tpu.memory_space<vmem>>
    %dma_start3A_491 = arith.constant 0 : i32
    %dma_start3A_492 = arith.constant 0 : i32
    %dma_start3A_493 = tpu.memref_slice %arg4[%dma_start3A_491, %dma_start3A_492] : memref<100000x1024xf32, #tpu.memory_space<hbm>> -> memref<100000x1024xf32, #tpu.memory_space<hbm>>
    tpu.enqueue_indirect_dma source(%dma_start3A_493 : memref<100000x1024xf32, #tpu.memory_space<hbm>>) target(%arg13 : memref<16x1024xf32, #tpu.memory_space<vmem>>) offsets(%dma_start3A_490 : memref<16xi32, #tpu.memory_space<vmem>>) semaphore(%arg21 : memref<!tpu.dma_semaphore, #tpu.memory_space<semaphore_mem>>)
    %dma_wait3A_494 = arith.constant 352 : i32
    %dma_wait3A_495 = tpu.memref_slice %arg6[%dma_wait3A_494] : memref<512xi32, #tpu.memory_space<vmem>> -> memref<16xi32, #tpu.memory_space<vmem>>
    %dma_wait3A_496 = arith.constant 0 : i32
    %dma_wait3A_497 = arith.constant 0 : i32
    %dma_wait3A_498 = tpu.memref_slice %arg4[%dma_wait3A_496, %dma_wait3A_497] : memref<100000x1024xf32, #tpu.memory_space<hbm>> -> memref<100000x1024xf32, #tpu.memory_space<hbm>>
    tpu.wait_indirect_dma semaphore(%arg17 : memref<!tpu.dma_semaphore, #tpu.memory_space<semaphore_mem>>) src(%dma_wait3A_498 : memref<100000x1024xf32, #tpu.memory_space<hbm>>) dst(%arg9 : memref<16x1024xf32, #tpu.memory_space<vmem>>)
    %add3A_499 = arith.constant 352 : i32
    %add3A_500 = arith.addi %mul3A_32, %add3A_499 : i32
    %dma_start3A_501 = arith.constant 0 : i32
    %dma_start3A_502 = tpu.memref_slice %arg5[%add3A_500, %dma_start3A_501] : memref<16384x1024xf32, #tpu.memory_space<hbm>> -> memref<16x1024xf32, #tpu.memory_space<hbm>>
    %dma_start3A_503 = arith.constant 0 : i32
    %dma_start3A_504 = tpu.memref_slice %arg5[%add3A_500, %dma_start3A_503] : memref<16384x1024xf32, #tpu.memory_space<hbm>> -> memref<16x1024xf32, #tpu.memory_space<hbm>>
    tpu.enqueue_dma source(%arg9 : memref<16x1024xf32, #tpu.memory_space<vmem>>) target(%dma_start3A_504 : memref<16x1024xf32, #tpu.memory_space<hbm>>) target_semaphore(%arg24 : memref<!tpu.dma_semaphore, #tpu.memory_space<semaphore_mem>>)
    %dma_wait3A_505 = arith.constant 0 : i32
    %dma_wait3A_506 = tpu.memref_slice %arg5[%add3A_460, %dma_wait3A_505] : memref<16384x1024xf32, #tpu.memory_space<hbm>> -> memref<16x1024xf32, #tpu.memory_space<hbm>>
    %dma_wait3A_507 = arith.constant 0 : i32
    %dma_wait3A_508 = tpu.memref_slice %arg5[%add3A_460, %dma_wait3A_507] : memref<16384x1024xf32, #tpu.memory_space<hbm>> -> memref<16x1024xf32, #tpu.memory_space<hbm>>
    tpu.wait_dma2 semaphore(%arg29 : memref<!tpu.dma_semaphore, #tpu.memory_space<semaphore_mem>>) src(%arg14 : memref<16x1024xf32, #tpu.memory_space<vmem>>) dst(%dma_wait3A_508 : memref<16x1024xf32, #tpu.memory_space<hbm>>)
    %dma_start3A_509 = arith.constant 432 : i32
    %dma_start3A_510 = tpu.memref_slice %arg6[%dma_start3A_509] : memref<512xi32, #tpu.memory_space<vmem>> -> memref<16xi32, #tpu.memory_space<vmem>>
    %dma_start3A_511 = arith.constant 0 : i32
    %dma_start3A_512 = arith.constant 0 : i32
    %dma_start3A_513 = tpu.memref_slice %arg4[%dma_start3A_511, %dma_start3A_512] : memref<100000x1024xf32, #tpu.memory_space<hbm>> -> memref<100000x1024xf32, #tpu.memory_space<hbm>>
    tpu.enqueue_indirect_dma source(%dma_start3A_513 : memref<100000x1024xf32, #tpu.memory_space<hbm>>) target(%arg14 : memref<16x1024xf32, #tpu.memory_space<vmem>>) offsets(%dma_start3A_510 : memref<16xi32, #tpu.memory_space<vmem>>) semaphore(%arg22 : memref<!tpu.dma_semaphore, #tpu.memory_space<semaphore_mem>>)
    %dma_wait3A_514 = arith.constant 368 : i32
    %dma_wait3A_515 = tpu.memref_slice %arg6[%dma_wait3A_514] : memref<512xi32, #tpu.memory_space<vmem>> -> memref<16xi32, #tpu.memory_space<vmem>>
    %dma_wait3A_516 = arith.constant 0 : i32
    %dma_wait3A_517 = arith.constant 0 : i32
    %dma_wait3A_518 = tpu.memref_slice %arg4[%dma_wait3A_516, %dma_wait3A_517] : memref<100000x1024xf32, #tpu.memory_space<hbm>> -> memref<100000x1024xf32, #tpu.memory_space<hbm>>
    tpu.wait_indirect_dma semaphore(%arg18 : memref<!tpu.dma_semaphore, #tpu.memory_space<semaphore_mem>>) src(%dma_wait3A_518 : memref<100000x1024xf32, #tpu.memory_space<hbm>>) dst(%arg10 : memref<16x1024xf32, #tpu.memory_space<vmem>>)
    %add3A_519 = arith.constant 368 : i32
    %add3A_520 = arith.addi %mul3A_32, %add3A_519 : i32
    %dma_start3A_521 = arith.constant 0 : i32
    %dma_start3A_522 = tpu.memref_slice %arg5[%add3A_520, %dma_start3A_521] : memref<16384x1024xf32, #tpu.memory_space<hbm>> -> memref<16x1024xf32, #tpu.memory_space<hbm>>
    %dma_start3A_523 = arith.constant 0 : i32
    %dma_start3A_524 = tpu.memref_slice %arg5[%add3A_520, %dma_start3A_523] : memref<16384x1024xf32, #tpu.memory_space<hbm>> -> memref<16x1024xf32, #tpu.memory_space<hbm>>
    tpu.enqueue_dma source(%arg10 : memref<16x1024xf32, #tpu.memory_space<vmem>>) target(%dma_start3A_524 : memref<16x1024xf32, #tpu.memory_space<hbm>>) target_semaphore(%arg25 : memref<!tpu.dma_semaphore, #tpu.memory_space<semaphore_mem>>)
    %dma_wait3A_525 = arith.constant 0 : i32
    %dma_wait3A_526 = tpu.memref_slice %arg5[%add3A_480, %dma_wait3A_525] : memref<16384x1024xf32, #tpu.memory_space<hbm>> -> memref<16x1024xf32, #tpu.memory_space<hbm>>
    %dma_wait3A_527 = arith.constant 0 : i32
    %dma_wait3A_528 = tpu.memref_slice %arg5[%add3A_480, %dma_wait3A_527] : memref<16384x1024xf32, #tpu.memory_space<hbm>> -> memref<16x1024xf32, #tpu.memory_space<hbm>>
    tpu.wait_dma2 semaphore(%arg23 : memref<!tpu.dma_semaphore, #tpu.memory_space<semaphore_mem>>) src(%arg8 : memref<16x1024xf32, #tpu.memory_space<vmem>>) dst(%dma_wait3A_528 : memref<16x1024xf32, #tpu.memory_space<hbm>>)
    %dma_start3A_529 = arith.constant 448 : i32
    %dma_start3A_530 = tpu.memref_slice %arg6[%dma_start3A_529] : memref<512xi32, #tpu.memory_space<vmem>> -> memref<16xi32, #tpu.memory_space<vmem>>
    %dma_start3A_531 = arith.constant 0 : i32
    %dma_start3A_532 = arith.constant 0 : i32
    %dma_start3A_533 = tpu.memref_slice %arg4[%dma_start3A_531, %dma_start3A_532] : memref<100000x1024xf32, #tpu.memory_space<hbm>> -> memref<100000x1024xf32, #tpu.memory_space<hbm>>
    tpu.enqueue_indirect_dma source(%dma_start3A_533 : memref<100000x1024xf32, #tpu.memory_space<hbm>>) target(%arg8 : memref<16x1024xf32, #tpu.memory_space<vmem>>) offsets(%dma_start3A_530 : memref<16xi32, #tpu.memory_space<vmem>>) semaphore(%arg16 : memref<!tpu.dma_semaphore, #tpu.memory_space<semaphore_mem>>)
    %dma_wait3A_534 = arith.constant 384 : i32
    %dma_wait3A_535 = tpu.memref_slice %arg6[%dma_wait3A_534] : memref<512xi32, #tpu.memory_space<vmem>> -> memref<16xi32, #tpu.memory_space<vmem>>
    %dma_wait3A_536 = arith.constant 0 : i32
    %dma_wait3A_537 = arith.constant 0 : i32
    %dma_wait3A_538 = tpu.memref_slice %arg4[%dma_wait3A_536, %dma_wait3A_537] : memref<100000x1024xf32, #tpu.memory_space<hbm>> -> memref<100000x1024xf32, #tpu.memory_space<hbm>>
    tpu.wait_indirect_dma semaphore(%arg19 : memref<!tpu.dma_semaphore, #tpu.memory_space<semaphore_mem>>) src(%dma_wait3A_538 : memref<100000x1024xf32, #tpu.memory_space<hbm>>) dst(%arg11 : memref<16x1024xf32, #tpu.memory_space<vmem>>)
    %add3A_539 = arith.constant 384 : i32
    %add3A_540 = arith.addi %mul3A_32, %add3A_539 : i32
    %dma_start3A_541 = arith.constant 0 : i32
    %dma_start3A_542 = tpu.memref_slice %arg5[%add3A_540, %dma_start3A_541] : memref<16384x1024xf32, #tpu.memory_space<hbm>> -> memref<16x1024xf32, #tpu.memory_space<hbm>>
    %dma_start3A_543 = arith.constant 0 : i32
    %dma_start3A_544 = tpu.memref_slice %arg5[%add3A_540, %dma_start3A_543] : memref<16384x1024xf32, #tpu.memory_space<hbm>> -> memref<16x1024xf32, #tpu.memory_space<hbm>>
    tpu.enqueue_dma source(%arg11 : memref<16x1024xf32, #tpu.memory_space<vmem>>) target(%dma_start3A_544 : memref<16x1024xf32, #tpu.memory_space<hbm>>) target_semaphore(%arg26 : memref<!tpu.dma_semaphore, #tpu.memory_space<semaphore_mem>>)
    %dma_wait3A_545 = arith.constant 0 : i32
    %dma_wait3A_546 = tpu.memref_slice %arg5[%add3A_500, %dma_wait3A_545] : memref<16384x1024xf32, #tpu.memory_space<hbm>> -> memref<16x1024xf32, #tpu.memory_space<hbm>>
    %dma_wait3A_547 = arith.constant 0 : i32
    %dma_wait3A_548 = tpu.memref_slice %arg5[%add3A_500, %dma_wait3A_547] : memref<16384x1024xf32, #tpu.memory_space<hbm>> -> memref<16x1024xf32, #tpu.memory_space<hbm>>
    tpu.wait_dma2 semaphore(%arg24 : memref<!tpu.dma_semaphore, #tpu.memory_space<semaphore_mem>>) src(%arg9 : memref<16x1024xf32, #tpu.memory_space<vmem>>) dst(%dma_wait3A_548 : memref<16x1024xf32, #tpu.memory_space<hbm>>)
    %dma_start3A_549 = arith.constant 464 : i32
    %dma_start3A_550 = tpu.memref_slice %arg6[%dma_start3A_549] : memref<512xi32, #tpu.memory_space<vmem>> -> memref<16xi32, #tpu.memory_space<vmem>>
    %dma_start3A_551 = arith.constant 0 : i32
    %dma_start3A_552 = arith.constant 0 : i32
    %dma_start3A_553 = tpu.memref_slice %arg4[%dma_start3A_551, %dma_start3A_552] : memref<100000x1024xf32, #tpu.memory_space<hbm>> -> memref<100000x1024xf32, #tpu.memory_space<hbm>>
    tpu.enqueue_indirect_dma source(%dma_start3A_553 : memref<100000x1024xf32, #tpu.memory_space<hbm>>) target(%arg9 : memref<16x1024xf32, #tpu.memory_space<vmem>>) offsets(%dma_start3A_550 : memref<16xi32, #tpu.memory_space<vmem>>) semaphore(%arg17 : memref<!tpu.dma_semaphore, #tpu.memory_space<semaphore_mem>>)
    %dma_wait3A_554 = arith.constant 400 : i32
    %dma_wait3A_555 = tpu.memref_slice %arg6[%dma_wait3A_554] : memref<512xi32, #tpu.memory_space<vmem>> -> memref<16xi32, #tpu.memory_space<vmem>>
    %dma_wait3A_556 = arith.constant 0 : i32
    %dma_wait3A_557 = arith.constant 0 : i32
    %dma_wait3A_558 = tpu.memref_slice %arg4[%dma_wait3A_556, %dma_wait3A_557] : memref<100000x1024xf32, #tpu.memory_space<hbm>> -> memref<100000x1024xf32, #tpu.memory_space<hbm>>
    tpu.wait_indirect_dma semaphore(%arg20 : memref<!tpu.dma_semaphore, #tpu.memory_space<semaphore_mem>>) src(%dma_wait3A_558 : memref<100000x1024xf32, #tpu.memory_space<hbm>>) dst(%arg12 : memref<16x1024xf32, #tpu.memory_space<vmem>>)
    %add3A_559 = arith.constant 400 : i32
    %add3A_560 = arith.addi %mul3A_32, %add3A_559 : i32
    %dma_start3A_561 = arith.constant 0 : i32
    %dma_start3A_562 = tpu.memref_slice %arg5[%add3A_560, %dma_start3A_561] : memref<16384x1024xf32, #tpu.memory_space<hbm>> -> memref<16x1024xf32, #tpu.memory_space<hbm>>
    %dma_start3A_563 = arith.constant 0 : i32
    %dma_start3A_564 = tpu.memref_slice %arg5[%add3A_560, %dma_start3A_563] : memref<16384x1024xf32, #tpu.memory_space<hbm>> -> memref<16x1024xf32, #tpu.memory_space<hbm>>
    tpu.enqueue_dma source(%arg12 : memref<16x1024xf32, #tpu.memory_space<vmem>>) target(%dma_start3A_564 : memref<16x1024xf32, #tpu.memory_space<hbm>>) target_semaphore(%arg27 : memref<!tpu.dma_semaphore, #tpu.memory_space<semaphore_mem>>)
    %dma_wait3A_565 = arith.constant 0 : i32
    %dma_wait3A_566 = tpu.memref_slice %arg5[%add3A_520, %dma_wait3A_565] : memref<16384x1024xf32, #tpu.memory_space<hbm>> -> memref<16x1024xf32, #tpu.memory_space<hbm>>
    %dma_wait3A_567 = arith.constant 0 : i32
    %dma_wait3A_568 = tpu.memref_slice %arg5[%add3A_520, %dma_wait3A_567] : memref<16384x1024xf32, #tpu.memory_space<hbm>> -> memref<16x1024xf32, #tpu.memory_space<hbm>>
    tpu.wait_dma2 semaphore(%arg25 : memref<!tpu.dma_semaphore, #tpu.memory_space<semaphore_mem>>) src(%arg10 : memref<16x1024xf32, #tpu.memory_space<vmem>>) dst(%dma_wait3A_568 : memref<16x1024xf32, #tpu.memory_space<hbm>>)
    %dma_start3A_569 = arith.constant 480 : i32
    %dma_start3A_570 = tpu.memref_slice %arg6[%dma_start3A_569] : memref<512xi32, #tpu.memory_space<vmem>> -> memref<16xi32, #tpu.memory_space<vmem>>
    %dma_start3A_571 = arith.constant 0 : i32
    %dma_start3A_572 = arith.constant 0 : i32
    %dma_start3A_573 = tpu.memref_slice %arg4[%dma_start3A_571, %dma_start3A_572] : memref<100000x1024xf32, #tpu.memory_space<hbm>> -> memref<100000x1024xf32, #tpu.memory_space<hbm>>
    tpu.enqueue_indirect_dma source(%dma_start3A_573 : memref<100000x1024xf32, #tpu.memory_space<hbm>>) target(%arg10 : memref<16x1024xf32, #tpu.memory_space<vmem>>) offsets(%dma_start3A_570 : memref<16xi32, #tpu.memory_space<vmem>>) semaphore(%arg18 : memref<!tpu.dma_semaphore, #tpu.memory_space<semaphore_mem>>)
    %dma_wait3A_574 = arith.constant 416 : i32
    %dma_wait3A_575 = tpu.memref_slice %arg6[%dma_wait3A_574] : memref<512xi32, #tpu.memory_space<vmem>> -> memref<16xi32, #tpu.memory_space<vmem>>
    %dma_wait3A_576 = arith.constant 0 : i32
    %dma_wait3A_577 = arith.constant 0 : i32
    %dma_wait3A_578 = tpu.memref_slice %arg4[%dma_wait3A_576, %dma_wait3A_577] : memref<100000x1024xf32, #tpu.memory_space<hbm>> -> memref<100000x1024xf32, #tpu.memory_space<hbm>>
    tpu.wait_indirect_dma semaphore(%arg21 : memref<!tpu.dma_semaphore, #tpu.memory_space<semaphore_mem>>) src(%dma_wait3A_578 : memref<100000x1024xf32, #tpu.memory_space<hbm>>) dst(%arg13 : memref<16x1024xf32, #tpu.memory_space<vmem>>)
    %add3A_579 = arith.constant 416 : i32
    %add3A_580 = arith.addi %mul3A_32, %add3A_579 : i32
    %dma_start3A_581 = arith.constant 0 : i32
    %dma_start3A_582 = tpu.memref_slice %arg5[%add3A_580, %dma_start3A_581] : memref<16384x1024xf32, #tpu.memory_space<hbm>> -> memref<16x1024xf32, #tpu.memory_space<hbm>>
    %dma_start3A_583 = arith.constant 0 : i32
    %dma_start3A_584 = tpu.memref_slice %arg5[%add3A_580, %dma_start3A_583] : memref<16384x1024xf32, #tpu.memory_space<hbm>> -> memref<16x1024xf32, #tpu.memory_space<hbm>>
    tpu.enqueue_dma source(%arg13 : memref<16x1024xf32, #tpu.memory_space<vmem>>) target(%dma_start3A_584 : memref<16x1024xf32, #tpu.memory_space<hbm>>) target_semaphore(%arg28 : memref<!tpu.dma_semaphore, #tpu.memory_space<semaphore_mem>>)
    %dma_wait3A_585 = arith.constant 0 : i32
    %dma_wait3A_586 = tpu.memref_slice %arg5[%add3A_540, %dma_wait3A_585] : memref<16384x1024xf32, #tpu.memory_space<hbm>> -> memref<16x1024xf32, #tpu.memory_space<hbm>>
    %dma_wait3A_587 = arith.constant 0 : i32
    %dma_wait3A_588 = tpu.memref_slice %arg5[%add3A_540, %dma_wait3A_587] : memref<16384x1024xf32, #tpu.memory_space<hbm>> -> memref<16x1024xf32, #tpu.memory_space<hbm>>
    tpu.wait_dma2 semaphore(%arg26 : memref<!tpu.dma_semaphore, #tpu.memory_space<semaphore_mem>>) src(%arg11 : memref<16x1024xf32, #tpu.memory_space<vmem>>) dst(%dma_wait3A_588 : memref<16x1024xf32, #tpu.memory_space<hbm>>)
    %dma_start3A_589 = arith.constant 496 : i32
    %dma_start3A_590 = tpu.memref_slice %arg6[%dma_start3A_589] : memref<512xi32, #tpu.memory_space<vmem>> -> memref<16xi32, #tpu.memory_space<vmem>>
    %dma_start3A_591 = arith.constant 0 : i32
    %dma_start3A_592 = arith.constant 0 : i32
    %dma_start3A_593 = tpu.memref_slice %arg4[%dma_start3A_591, %dma_start3A_592] : memref<100000x1024xf32, #tpu.memory_space<hbm>> -> memref<100000x1024xf32, #tpu.memory_space<hbm>>
    tpu.enqueue_indirect_dma source(%dma_start3A_593 : memref<100000x1024xf32, #tpu.memory_space<hbm>>) target(%arg11 : memref<16x1024xf32, #tpu.memory_space<vmem>>) offsets(%dma_start3A_590 : memref<16xi32, #tpu.memory_space<vmem>>) semaphore(%arg19 : memref<!tpu.dma_semaphore, #tpu.memory_space<semaphore_mem>>)
    %dma_wait3A_594 = arith.constant 432 : i32
    %dma_wait3A_595 = tpu.memref_slice %arg6[%dma_wait3A_594] : memref<512xi32, #tpu.memory_space<vmem>> -> memref<16xi32, #tpu.memory_space<vmem>>
    %dma_wait3A_596 = arith.constant 0 : i32
    %dma_wait3A_597 = arith.constant 0 : i32
    %dma_wait3A_598 = tpu.memref_slice %arg4[%dma_wait3A_596, %dma_wait3A_597] : memref<100000x1024xf32, #tpu.memory_space<hbm>> -> memref<100000x1024xf32, #tpu.memory_space<hbm>>
    tpu.wait_indirect_dma semaphore(%arg22 : memref<!tpu.dma_semaphore, #tpu.memory_space<semaphore_mem>>) src(%dma_wait3A_598 : memref<100000x1024xf32, #tpu.memory_space<hbm>>) dst(%arg14 : memref<16x1024xf32, #tpu.memory_space<vmem>>)
    %add3A_599 = arith.constant 432 : i32
    %add3A_600 = arith.addi %mul3A_32, %add3A_599 : i32
    %dma_start3A_601 = arith.constant 0 : i32
    %dma_start3A_602 = tpu.memref_slice %arg5[%add3A_600, %dma_start3A_601] : memref<16384x1024xf32, #tpu.memory_space<hbm>> -> memref<16x1024xf32, #tpu.memory_space<hbm>>
    %dma_start3A_603 = arith.constant 0 : i32
    %dma_start3A_604 = tpu.memref_slice %arg5[%add3A_600, %dma_start3A_603] : memref<16384x1024xf32, #tpu.memory_space<hbm>> -> memref<16x1024xf32, #tpu.memory_space<hbm>>
    tpu.enqueue_dma source(%arg14 : memref<16x1024xf32, #tpu.memory_space<vmem>>) target(%dma_start3A_604 : memref<16x1024xf32, #tpu.memory_space<hbm>>) target_semaphore(%arg29 : memref<!tpu.dma_semaphore, #tpu.memory_space<semaphore_mem>>)
    %dma_wait3A_605 = arith.constant 448 : i32
    %dma_wait3A_606 = tpu.memref_slice %arg6[%dma_wait3A_605] : memref<512xi32, #tpu.memory_space<vmem>> -> memref<16xi32, #tpu.memory_space<vmem>>
    %dma_wait3A_607 = arith.constant 0 : i32
    %dma_wait3A_608 = arith.constant 0 : i32
    %dma_wait3A_609 = tpu.memref_slice %arg4[%dma_wait3A_607, %dma_wait3A_608] : memref<100000x1024xf32, #tpu.memory_space<hbm>> -> memref<100000x1024xf32, #tpu.memory_space<hbm>>
    tpu.wait_indirect_dma semaphore(%arg16 : memref<!tpu.dma_semaphore, #tpu.memory_space<semaphore_mem>>) src(%dma_wait3A_609 : memref<100000x1024xf32, #tpu.memory_space<hbm>>) dst(%arg8 : memref<16x1024xf32, #tpu.memory_space<vmem>>)
    %add3A_610 = arith.constant 448 : i32
    %add3A_611 = arith.addi %mul3A_32, %add3A_610 : i32
    %dma_start3A_612 = arith.constant 0 : i32
    %dma_start3A_613 = tpu.memref_slice %arg5[%add3A_611, %dma_start3A_612] : memref<16384x1024xf32, #tpu.memory_space<hbm>> -> memref<16x1024xf32, #tpu.memory_space<hbm>>
    %dma_start3A_614 = arith.constant 0 : i32
    %dma_start3A_615 = tpu.memref_slice %arg5[%add3A_611, %dma_start3A_614] : memref<16384x1024xf32, #tpu.memory_space<hbm>> -> memref<16x1024xf32, #tpu.memory_space<hbm>>
    tpu.enqueue_dma source(%arg8 : memref<16x1024xf32, #tpu.memory_space<vmem>>) target(%dma_start3A_615 : memref<16x1024xf32, #tpu.memory_space<hbm>>) target_semaphore(%arg23 : memref<!tpu.dma_semaphore, #tpu.memory_space<semaphore_mem>>)
    %dma_wait3A_616 = arith.constant 464 : i32
    %dma_wait3A_617 = tpu.memref_slice %arg6[%dma_wait3A_616] : memref<512xi32, #tpu.memory_space<vmem>> -> memref<16xi32, #tpu.memory_space<vmem>>
    %dma_wait3A_618 = arith.constant 0 : i32
    %dma_wait3A_619 = arith.constant 0 : i32
    %dma_wait3A_620 = tpu.memref_slice %arg4[%dma_wait3A_618, %dma_wait3A_619] : memref<100000x1024xf32, #tpu.memory_space<hbm>> -> memref<100000x1024xf32, #tpu.memory_space<hbm>>
    tpu.wait_indirect_dma semaphore(%arg17 : memref<!tpu.dma_semaphore, #tpu.memory_space<semaphore_mem>>) src(%dma_wait3A_620 : memref<100000x1024xf32, #tpu.memory_space<hbm>>) dst(%arg9 : memref<16x1024xf32, #tpu.memory_space<vmem>>)
    %add3A_621 = arith.constant 464 : i32
    %add3A_622 = arith.addi %mul3A_32, %add3A_621 : i32
    %dma_start3A_623 = arith.constant 0 : i32
    %dma_start3A_624 = tpu.memref_slice %arg5[%add3A_622, %dma_start3A_623] : memref<16384x1024xf32, #tpu.memory_space<hbm>> -> memref<16x1024xf32, #tpu.memory_space<hbm>>
    %dma_start3A_625 = arith.constant 0 : i32
    %dma_start3A_626 = tpu.memref_slice %arg5[%add3A_622, %dma_start3A_625] : memref<16384x1024xf32, #tpu.memory_space<hbm>> -> memref<16x1024xf32, #tpu.memory_space<hbm>>
    tpu.enqueue_dma source(%arg9 : memref<16x1024xf32, #tpu.memory_space<vmem>>) target(%dma_start3A_626 : memref<16x1024xf32, #tpu.memory_space<hbm>>) target_semaphore(%arg24 : memref<!tpu.dma_semaphore, #tpu.memory_space<semaphore_mem>>)
    %dma_wait3A_627 = arith.constant 480 : i32
    %dma_wait3A_628 = tpu.memref_slice %arg6[%dma_wait3A_627] : memref<512xi32, #tpu.memory_space<vmem>> -> memref<16xi32, #tpu.memory_space<vmem>>
    %dma_wait3A_629 = arith.constant 0 : i32
    %dma_wait3A_630 = arith.constant 0 : i32
    %dma_wait3A_631 = tpu.memref_slice %arg4[%dma_wait3A_629, %dma_wait3A_630] : memref<100000x1024xf32, #tpu.memory_space<hbm>> -> memref<100000x1024xf32, #tpu.memory_space<hbm>>
    tpu.wait_indirect_dma semaphore(%arg18 : memref<!tpu.dma_semaphore, #tpu.memory_space<semaphore_mem>>) src(%dma_wait3A_631 : memref<100000x1024xf32, #tpu.memory_space<hbm>>) dst(%arg10 : memref<16x1024xf32, #tpu.memory_space<vmem>>)
    %add3A_632 = arith.constant 480 : i32
    %add3A_633 = arith.addi %mul3A_32, %add3A_632 : i32
    %dma_start3A_634 = arith.constant 0 : i32
    %dma_start3A_635 = tpu.memref_slice %arg5[%add3A_633, %dma_start3A_634] : memref<16384x1024xf32, #tpu.memory_space<hbm>> -> memref<16x1024xf32, #tpu.memory_space<hbm>>
    %dma_start3A_636 = arith.constant 0 : i32
    %dma_start3A_637 = tpu.memref_slice %arg5[%add3A_633, %dma_start3A_636] : memref<16384x1024xf32, #tpu.memory_space<hbm>> -> memref<16x1024xf32, #tpu.memory_space<hbm>>
    tpu.enqueue_dma source(%arg10 : memref<16x1024xf32, #tpu.memory_space<vmem>>) target(%dma_start3A_637 : memref<16x1024xf32, #tpu.memory_space<hbm>>) target_semaphore(%arg25 : memref<!tpu.dma_semaphore, #tpu.memory_space<semaphore_mem>>)
    %dma_wait3A_638 = arith.constant 496 : i32
    %dma_wait3A_639 = tpu.memref_slice %arg6[%dma_wait3A_638] : memref<512xi32, #tpu.memory_space<vmem>> -> memref<16xi32, #tpu.memory_space<vmem>>
    %dma_wait3A_640 = arith.constant 0 : i32
    %dma_wait3A_641 = arith.constant 0 : i32
    %dma_wait3A_642 = tpu.memref_slice %arg4[%dma_wait3A_640, %dma_wait3A_641] : memref<100000x1024xf32, #tpu.memory_space<hbm>> -> memref<100000x1024xf32, #tpu.memory_space<hbm>>
    tpu.wait_indirect_dma semaphore(%arg19 : memref<!tpu.dma_semaphore, #tpu.memory_space<semaphore_mem>>) src(%dma_wait3A_642 : memref<100000x1024xf32, #tpu.memory_space<hbm>>) dst(%arg11 : memref<16x1024xf32, #tpu.memory_space<vmem>>)
    %add3A_643 = arith.constant 496 : i32
    %add3A_644 = arith.addi %mul3A_32, %add3A_643 : i32
    %dma_start3A_645 = arith.constant 0 : i32
    %dma_start3A_646 = tpu.memref_slice %arg5[%add3A_644, %dma_start3A_645] : memref<16384x1024xf32, #tpu.memory_space<hbm>> -> memref<16x1024xf32, #tpu.memory_space<hbm>>
    %dma_start3A_647 = arith.constant 0 : i32
    %dma_start3A_648 = tpu.memref_slice %arg5[%add3A_644, %dma_start3A_647] : memref<16384x1024xf32, #tpu.memory_space<hbm>> -> memref<16x1024xf32, #tpu.memory_space<hbm>>
    tpu.enqueue_dma source(%arg11 : memref<16x1024xf32, #tpu.memory_space<vmem>>) target(%dma_start3A_648 : memref<16x1024xf32, #tpu.memory_space<hbm>>) target_semaphore(%arg26 : memref<!tpu.dma_semaphore, #tpu.memory_space<semaphore_mem>>)
    %dma_wait3A_649 = arith.constant 0 : i32
    %dma_wait3A_650 = tpu.memref_slice %arg5[%add3A_560, %dma_wait3A_649] : memref<16384x1024xf32, #tpu.memory_space<hbm>> -> memref<16x1024xf32, #tpu.memory_space<hbm>>
    %dma_wait3A_651 = arith.constant 0 : i32
    %dma_wait3A_652 = tpu.memref_slice %arg5[%add3A_560, %dma_wait3A_651] : memref<16384x1024xf32, #tpu.memory_space<hbm>> -> memref<16x1024xf32, #tpu.memory_space<hbm>>
    tpu.wait_dma2 semaphore(%arg27 : memref<!tpu.dma_semaphore, #tpu.memory_space<semaphore_mem>>) src(%arg12 : memref<16x1024xf32, #tpu.memory_space<vmem>>) dst(%dma_wait3A_652 : memref<16x1024xf32, #tpu.memory_space<hbm>>)
    %dma_wait3A_653 = arith.constant 0 : i32
    %dma_wait3A_654 = tpu.memref_slice %arg5[%add3A_580, %dma_wait3A_653] : memref<16384x1024xf32, #tpu.memory_space<hbm>> -> memref<16x1024xf32, #tpu.memory_space<hbm>>
    %dma_wait3A_655 = arith.constant 0 : i32
    %dma_wait3A_656 = tpu.memref_slice %arg5[%add3A_580, %dma_wait3A_655] : memref<16384x1024xf32, #tpu.memory_space<hbm>> -> memref<16x1024xf32, #tpu.memory_space<hbm>>
    tpu.wait_dma2 semaphore(%arg28 : memref<!tpu.dma_semaphore, #tpu.memory_space<semaphore_mem>>) src(%arg13 : memref<16x1024xf32, #tpu.memory_space<vmem>>) dst(%dma_wait3A_656 : memref<16x1024xf32, #tpu.memory_space<hbm>>)
    %dma_wait3A_657 = arith.constant 0 : i32
    %dma_wait3A_658 = tpu.memref_slice %arg5[%add3A_600, %dma_wait3A_657] : memref<16384x1024xf32, #tpu.memory_space<hbm>> -> memref<16x1024xf32, #tpu.memory_space<hbm>>
    %dma_wait3A_659 = arith.constant 0 : i32
    %dma_wait3A_660 = tpu.memref_slice %arg5[%add3A_600, %dma_wait3A_659] : memref<16384x1024xf32, #tpu.memory_space<hbm>> -> memref<16x1024xf32, #tpu.memory_space<hbm>>
    tpu.wait_dma2 semaphore(%arg29 : memref<!tpu.dma_semaphore, #tpu.memory_space<semaphore_mem>>) src(%arg14 : memref<16x1024xf32, #tpu.memory_space<vmem>>) dst(%dma_wait3A_660 : memref<16x1024xf32, #tpu.memory_space<hbm>>)
    %dma_wait3A_661 = arith.constant 0 : i32
    %dma_wait3A_662 = tpu.memref_slice %arg5[%add3A_611, %dma_wait3A_661] : memref<16384x1024xf32, #tpu.memory_space<hbm>> -> memref<16x1024xf32, #tpu.memory_space<hbm>>
    %dma_wait3A_663 = arith.constant 0 : i32
    %dma_wait3A_664 = tpu.memref_slice %arg5[%add3A_611, %dma_wait3A_663] : memref<16384x1024xf32, #tpu.memory_space<hbm>> -> memref<16x1024xf32, #tpu.memory_space<hbm>>
    tpu.wait_dma2 semaphore(%arg23 : memref<!tpu.dma_semaphore, #tpu.memory_space<semaphore_mem>>) src(%arg8 : memref<16x1024xf32, #tpu.memory_space<vmem>>) dst(%dma_wait3A_664 : memref<16x1024xf32, #tpu.memory_space<hbm>>)
    %dma_wait3A_665 = arith.constant 0 : i32
    %dma_wait3A_666 = tpu.memref_slice %arg5[%add3A_622, %dma_wait3A_665] : memref<16384x1024xf32, #tpu.memory_space<hbm>> -> memref<16x1024xf32, #tpu.memory_space<hbm>>
    %dma_wait3A_667 = arith.constant 0 : i32
    %dma_wait3A_668 = tpu.memref_slice %arg5[%add3A_622, %dma_wait3A_667] : memref<16384x1024xf32, #tpu.memory_space<hbm>> -> memref<16x1024xf32, #tpu.memory_space<hbm>>
    tpu.wait_dma2 semaphore(%arg24 : memref<!tpu.dma_semaphore, #tpu.memory_space<semaphore_mem>>) src(%arg9 : memref<16x1024xf32, #tpu.memory_space<vmem>>) dst(%dma_wait3A_668 : memref<16x1024xf32, #tpu.memory_space<hbm>>)
    %dma_wait3A_669 = arith.constant 0 : i32
    %dma_wait3A_670 = tpu.memref_slice %arg5[%add3A_633, %dma_wait3A_669] : memref<16384x1024xf32, #tpu.memory_space<hbm>> -> memref<16x1024xf32, #tpu.memory_space<hbm>>
    %dma_wait3A_671 = arith.constant 0 : i32
    %dma_wait3A_672 = tpu.memref_slice %arg5[%add3A_633, %dma_wait3A_671] : memref<16384x1024xf32, #tpu.memory_space<hbm>> -> memref<16x1024xf32, #tpu.memory_space<hbm>>
    tpu.wait_dma2 semaphore(%arg25 : memref<!tpu.dma_semaphore, #tpu.memory_space<semaphore_mem>>) src(%arg10 : memref<16x1024xf32, #tpu.memory_space<vmem>>) dst(%dma_wait3A_672 : memref<16x1024xf32, #tpu.memory_space<hbm>>)
    %dma_wait3A_673 = arith.constant 0 : i32
    %dma_wait3A_674 = tpu.memref_slice %arg5[%add3A_644, %dma_wait3A_673] : memref<16384x1024xf32, #tpu.memory_space<hbm>> -> memref<16x1024xf32, #tpu.memory_space<hbm>>
    %dma_wait3A_675 = arith.constant 0 : i32
    %dma_wait3A_676 = tpu.memref_slice %arg5[%add3A_644, %dma_wait3A_675] : memref<16384x1024xf32, #tpu.memory_space<hbm>> -> memref<16x1024xf32, #tpu.memory_space<hbm>>
    tpu.wait_dma2 semaphore(%arg26 : memref<!tpu.dma_semaphore, #tpu.memory_space<semaphore_mem>>) src(%arg11 : memref<16x1024xf32, #tpu.memory_space<vmem>>) dst(%dma_wait3A_676 : memref<16x1024xf32, #tpu.memory_space<hbm>>)
    %gt3A = arith.constant 0 : i32
    %gt3A_677 = arith.cmpi sgt, %scan3A_61, %gt3A : i32
    %convert_element_type3A = arith.extui %gt3A_677 : i1 to i32
    %cond3A = arith.constant 0 : i32
    %cond3A_678 = arith.cmpi ne, %convert_element_type3A, %cond3A : i32
    scf.if %cond3A_678 {
      %scan3A_679 = arith.constant 0 : i32
      %scan3A_680 = arith.constant 0 : i32
      %scan3A_681 = arith.constant 7 : i32
      %scan3A_682 = arith.addi %scan3A_680, %scan3A_681 : i32
      %scan3A_683 = arith.constant 1 : i32
      %scan3A_684 = scf.for %scan3A_693 = %scan3A_680 to %scan3A_682 step %scan3A_683 iter_args(%scan3A_694 = %scan3A_679) -> (i32)  : i32 {
        %mul3A_695 = arith.constant 4096 : i32
        %mul3A_696 = arith.muli %select_n3A, %mul3A_695 : i32
        %mul3A_697 = arith.constant 512 : i32
        %mul3A_698 = arith.muli %scan3A_693, %mul3A_697 : i32
        %add3A_699 = arith.addi %mul3A_696, %mul3A_698 : i32
        "tpu.region"() ({
          %run_scoped3A = tpu.sem_alloc : memref<!tpu.dma_semaphore, #tpu.memory_space<semaphore_mem>>
          %dma_start3A_711 = tpu.memref_slice %arg2[%add3A_699] : memref<16384xi32, #tpu.memory_space<hbm>> -> memref<512xi32, #tpu.memory_space<hbm>>
          %dma_start3A_712 = tpu.memref_slice %arg2[%add3A_699] : memref<16384xi32, #tpu.memory_space<hbm>> -> memref<512xi32, #tpu.memory_space<hbm>>
          tpu.enqueue_dma source(%dma_start3A_712 : memref<512xi32, #tpu.memory_space<hbm>>) target(%arg7 : memref<512xi32, #tpu.memory_space<vmem>>) target_semaphore(%run_scoped3A : memref<!tpu.dma_semaphore, #tpu.memory_space<semaphore_mem>>)
          %dma_wait3A_713 = tpu.memref_slice %arg2[%add3A_699] : memref<16384xi32, #tpu.memory_space<hbm>> -> memref<512xi32, #tpu.memory_space<hbm>>
          %dma_wait3A_714 = tpu.memref_slice %arg2[%add3A_699] : memref<16384xi32, #tpu.memory_space<hbm>> -> memref<512xi32, #tpu.memory_space<hbm>>
          tpu.wait_dma2 semaphore(%run_scoped3A : memref<!tpu.dma_semaphore, #tpu.memory_space<semaphore_mem>>) src(%dma_wait3A_714 : memref<512xi32, #tpu.memory_space<hbm>>) dst(%arg7 : memref<512xi32, #tpu.memory_space<vmem>>)
          tpu.yield
        }) : () -> ()
        %lt3A_700 = arith.cmpi slt, %scan3A_693, %select_n3A_30 : i32
        %scan3A_701 = arith.constant 0 : i32
        %scan3A_702 = arith.constant 0 : i32
        %scan3A_703 = arith.constant 32 : i32
        %scan3A_704 = arith.addi %scan3A_702, %scan3A_703 : i32
        %scan3A_705 = arith.constant 1 : i32
        %scan3A_706 = scf.for %scan3A_711 = %scan3A_702 to %scan3A_704 step %scan3A_705 iter_args(%scan3A_712 = %scan3A_701) -> (i32)  : i32 {
          %mul3A_713 = arith.constant 16 : i32
          %mul3A_714 = arith.muli %scan3A_711, %mul3A_713 : i32
          %get3A = arith.index_cast %mul3A_714 : i32 to index
          %get3A_715 = tpu.vector_load %arg7[%get3A] {strides = array<i32>} : memref<512xi32, #tpu.memory_space<vmem>>, vector<16xi32>,
          %eq3A_716 = arith.constant 1 : i32
          %eq3A_717 = vector.broadcast %eq3A_716 : i32 to vector<16xi32>
          %eq3A_718 = arith.cmpi eq, %get3A_715, %eq3A_717 : vector<16xi32>
          %jit3A_719 = arith.constant 1 : i32
          %jit3A_720 = arith.constant 0 : i32
          %broadcast_in_dim3A = vector.broadcast %jit3A_719 : i32 to vector<16xi32>
          %broadcast_in_dim3A_721 = vector.broadcast %jit3A_720 : i32 to vector<16xi32>
          %select_n3A_722 = arith.select %eq3A_718, %broadcast_in_dim3A, %broadcast_in_dim3A_721 : vector<16xi1>, vector<16xi32>
          %reduce_sum3A = arith.constant true
          %reduce_sum3A_723 = vector.broadcast %reduce_sum3A : i1 to vector<16xi1>
          %reduce_sum3A_724 = tpu.scan <sum>, %select_n3A_722 masked %reduce_sum3A_723 : vector<16xi32>, vector<16xi1> -> vector<16xi32>
          %reduce_sum3A_725 = vector.extract %reduce_sum3A_724[15] : i32 from vector<16xi32>
          %add3A_726 = arith.addi %scan3A_712, %reduce_sum3A_725 : i32
          scf.yield %add3A_726 : i32
        }
        %scan3A_707 = arith.constant 32 : i32
        %jit3A_708 = arith.constant 0 : i32
        %select_n3A_709 = arith.select %lt3A_700, %scan3A_706, %jit3A_708 : i32
        %add3A_710 = arith.addi %scan3A_694, %select_n3A_709 : i32
        scf.yield %add3A_710 : i32
      }
      %scan3A_685 = arith.constant 7 : i32
      %iota3A = tpu.iota {dimensions = array<i32: 0>} : vector<16xi32>
      %scan3A_686 = arith.constant 0 : i32
      %scan3A_687 = arith.constant 0 : i32
      %scan3A_688 = arith.constant 32 : i32
      %scan3A_689 = arith.addi %scan3A_687, %scan3A_688 : i32
      %scan3A_690 = arith.constant 1 : i32
      %scan3A_691 = scf.for %scan3A_693 = %scan3A_687 to %scan3A_689 step %scan3A_690 iter_args(%scan3A_694 = %scan3A_686) -> (i32)  : i32 {
        %mul3A_695 = arith.constant 16 : i32
        %mul3A_696 = arith.muli %scan3A_693, %mul3A_695 : i32
        %get3A = arith.index_cast %mul3A_696 : i32 to index
        %get3A_697 = tpu.vector_load %arg6[%get3A] {strides = array<i32>} : memref<512xi32, #tpu.memory_space<vmem>>, vector<16xi32>,
        %eq3A_698 = arith.constant 1 : i32
        %eq3A_699 = vector.broadcast %eq3A_698 : i32 to vector<16xi32>
        %eq3A_700 = arith.cmpi eq, %get3A_697, %eq3A_699 : vector<16xi32>
        %jit3A_701 = arith.constant 1 : i32
        %jit3A_702 = arith.constant 0 : i32
        %broadcast_in_dim3A = vector.broadcast %jit3A_701 : i32 to vector<16xi32>
        %broadcast_in_dim3A_703 = vector.broadcast %jit3A_702 : i32 to vector<16xi32>
        %select_n3A_704 = arith.select %eq3A_700, %broadcast_in_dim3A, %broadcast_in_dim3A_703 : vector<16xi1>, vector<16xi32>
        %reduce_sum3A = arith.constant true
        %reduce_sum3A_705 = vector.broadcast %reduce_sum3A : i1 to vector<16xi1>
        %reduce_sum3A_706 = tpu.scan <sum>, %select_n3A_704 masked %reduce_sum3A_705 : vector<16xi32>, vector<16xi1> -> vector<16xi32>
        %reduce_sum3A_707 = vector.extract %reduce_sum3A_706[15] : i32 from vector<16xi32>
        %gt3A_708 = arith.constant 0 : i32
        %gt3A_709 = arith.cmpi sgt, %reduce_sum3A_707, %gt3A_708 : i32
        %convert_element_type3A_710 = arith.extui %gt3A_709 : i1 to i32
        %cond3A_711 = arith.constant 0 : i32
        %cond3A_712 = arith.cmpi ne, %convert_element_type3A_710, %cond3A_711 : i32
        scf.if %cond3A_712 {
          %cumsum3A = arith.constant true
          %cumsum3A_714 = vector.broadcast %cumsum3A : i1 to vector<16xi1>
          %cumsum3A_715 = tpu.scan <sum>, %select_n3A_704 masked %cumsum3A_714 : vector<16xi32>, vector<16xi1> -> vector<16xi32>
          %scan3A_716 = arith.constant 0 : i32
          %scan3A_717 = arith.constant 0 : i32
          %scan3A_718 = arith.constant 16 : i32
          %scan3A_719 = arith.addi %scan3A_717, %scan3A_718 : i32
          %scan3A_720 = arith.constant 1 : i32
          scf.for %scan3A_722 = %scan3A_717 to %scan3A_719 step %scan3A_720  : i32 {
            %eq3A_723 = vector.broadcast %scan3A_722 : i32 to vector<16xi32>
            %eq3A_724 = arith.cmpi eq, %iota3A, %eq3A_723 : vector<16xi32>
            %jit3A_725 = arith.constant 0 : i32
            %broadcast_in_dim3A_726 = vector.broadcast %jit3A_725 : i32 to vector<16xi32>
            %select_n3A_727 = arith.select %eq3A_724, %select_n3A_704, %broadcast_in_dim3A_726 : vector<16xi1>, vector<16xi32>
            %reduce_sum3A_728 = arith.constant true
            %reduce_sum3A_729 = vector.broadcast %reduce_sum3A_728 : i1 to vector<16xi1>
            %reduce_sum3A_730 = tpu.scan <sum>, %select_n3A_727 masked %reduce_sum3A_729 : vector<16xi32>, vector<16xi1> -> vector<16xi32>
            %reduce_sum3A_731 = vector.extract %reduce_sum3A_730[15] : i32 from vector<16xi32>
            %gt3A_732 = arith.constant 0 : i32
            %gt3A_733 = arith.cmpi sgt, %reduce_sum3A_731, %gt3A_732 : i32
            %convert_element_type3A_734 = arith.extui %gt3A_733 : i1 to i32
            %cond3A_735 = arith.constant 0 : i32
            %cond3A_736 = arith.cmpi ne, %convert_element_type3A_734, %cond3A_735 : i32
            scf.if %cond3A_736 {
              %add3A_737 = arith.addi %scan3A_684, %scan3A_694 : i32
              %sub3A_738 = arith.constant 1 : i32
              %sub3A_739 = arith.subi %add3A_737, %sub3A_738 : i32
              %eq3A_740 = vector.broadcast %scan3A_722 : i32 to vector<16xi32>
              %eq3A_741 = arith.cmpi eq, %iota3A, %eq3A_740 : vector<16xi32>
              %jit3A_742 = arith.constant 0 : i32
              %broadcast_in_dim3A_743 = vector.broadcast %jit3A_742 : i32 to vector<16xi32>
              %select_n3A_744 = arith.select %eq3A_741, %cumsum3A_715, %broadcast_in_dim3A_743 : vector<16xi1>, vector<16xi32>
              %reduce_sum3A_745 = arith.constant true
              %reduce_sum3A_746 = vector.broadcast %reduce_sum3A_745 : i1 to vector<16xi1>
              %reduce_sum3A_747 = tpu.scan <sum>, %select_n3A_744 masked %reduce_sum3A_746 : vector<16xi32>, vector<16xi1> -> vector<16xi32>
              %reduce_sum3A_748 = vector.extract %reduce_sum3A_747[15] : i32 from vector<16xi32>
              %add3A_749 = arith.addi %sub3A_739, %reduce_sum3A_748 : i32
              "tpu.region"() ({
                %run_scoped3A = tpu.sem_alloc : memref<!tpu.dma_semaphore, #tpu.memory_space<semaphore_mem>>
                %dma_start3A_754 = arith.constant 0 : i32
                %dma_start3A_755 = tpu.memref_slice %arg3[%add3A_749, %dma_start3A_754] : memref<4096x1024xf32, #tpu.memory_space<hbm>> -> memref<1x1024xf32, #tpu.memory_space<hbm>>
                %dma_start3A_756 = arith.constant 0 : i32
                %dma_start3A_757 = tpu.memref_slice %arg3[%add3A_749, %dma_start3A_756] : memref<4096x1024xf32, #tpu.memory_space<hbm>> -> memref<1x1024xf32, #tpu.memory_space<hbm>>
                tpu.enqueue_dma source(%dma_start3A_757 : memref<1x1024xf32, #tpu.memory_space<hbm>>) target(%arg15 : memref<1x1024xf32, #tpu.memory_space<vmem>>) target_semaphore(%run_scoped3A : memref<!tpu.dma_semaphore, #tpu.memory_space<semaphore_mem>>)
                %dma_wait3A_758 = arith.constant 0 : i32
                %dma_wait3A_759 = tpu.memref_slice %arg3[%add3A_749, %dma_wait3A_758] : memref<4096x1024xf32, #tpu.memory_space<hbm>> -> memref<1x1024xf32, #tpu.memory_space<hbm>>
                %dma_wait3A_760 = arith.constant 0 : i32
                %dma_wait3A_761 = tpu.memref_slice %arg3[%add3A_749, %dma_wait3A_760] : memref<4096x1024xf32, #tpu.memory_space<hbm>> -> memref<1x1024xf32, #tpu.memory_space<hbm>>
                tpu.wait_dma2 semaphore(%run_scoped3A : memref<!tpu.dma_semaphore, #tpu.memory_space<semaphore_mem>>) src(%dma_wait3A_761 : memref<1x1024xf32, #tpu.memory_space<hbm>>) dst(%arg15 : memref<1x1024xf32, #tpu.memory_space<vmem>>)
                tpu.yield
              }) : () -> ()
              %mul3A_750 = arith.constant 16 : i32
              %mul3A_751 = arith.muli %scan3A_693, %mul3A_750 : i32
              %add3A_752 = arith.addi %mul3A_32, %mul3A_751 : i32
              %add3A_753 = arith.addi %add3A_752, %scan3A_722 : i32
              "tpu.region"() ({
                %run_scoped3A = tpu.sem_alloc : memref<!tpu.dma_semaphore, #tpu.memory_space<semaphore_mem>>
                %dma_start3A_754 = arith.constant 0 : i32
                %dma_start3A_755 = tpu.memref_slice %arg5[%add3A_753, %dma_start3A_754] : memref<16384x1024xf32, #tpu.memory_space<hbm>> -> memref<1x1024xf32, #tpu.memory_space<hbm>>
                %dma_start3A_756 = arith.constant 0 : i32
                %dma_start3A_757 = tpu.memref_slice %arg5[%add3A_753, %dma_start3A_756] : memref<16384x1024xf32, #tpu.memory_space<hbm>> -> memref<1x1024xf32, #tpu.memory_space<hbm>>
                tpu.enqueue_dma source(%arg15 : memref<1x1024xf32, #tpu.memory_space<vmem>>) target(%dma_start3A_757 : memref<1x1024xf32, #tpu.memory_space<hbm>>) target_semaphore(%run_scoped3A : memref<!tpu.dma_semaphore, #tpu.memory_space<semaphore_mem>>)
                %dma_wait3A_758 = arith.constant 0 : i32
                %dma_wait3A_759 = tpu.memref_slice %arg5[%add3A_753, %dma_wait3A_758] : memref<16384x1024xf32, #tpu.memory_space<hbm>> -> memref<1x1024xf32, #tpu.memory_space<hbm>>
                %dma_wait3A_760 = arith.constant 0 : i32
                %dma_wait3A_761 = tpu.memref_slice %arg5[%add3A_753, %dma_wait3A_760] : memref<16384x1024xf32, #tpu.memory_space<hbm>> -> memref<1x1024xf32, #tpu.memory_space<hbm>>
                tpu.wait_dma2 semaphore(%run_scoped3A : memref<!tpu.dma_semaphore, #tpu.memory_space<semaphore_mem>>) src(%arg15 : memref<1x1024xf32, #tpu.memory_space<vmem>>) dst(%dma_wait3A_761 : memref<1x1024xf32, #tpu.memory_space<hbm>>)
                tpu.yield
              }) : () -> ()
            } else {
            }
          }
          %scan3A_721 = arith.constant 16 : i32
        } else {
        }
        %add3A_713 = arith.addi %scan3A_694, %reduce_sum3A_707 : i32
        scf.yield %add3A_713 : i32
      }
      %scan3A_692 = arith.constant 32 : i32
    } else {
    }
    return
  }
}

</mosaic_0001>

<sc_bundles>
// kernel: kernel.3.cloned.1.call-start
scs
__scs_entry_jumppad:
0x0: {  	(pc) =	sbr.rel $0x88, $3  }
0x1: {  	(tag) =	ssettag $0x0;
	lr =	simm.s32 $0x1  }
0x2: {  	[smem:$0x3F9E] =	sst lr;
	_ =	strace $0xD0000000  }
0x3: {  	_ = 	snop  }
0x4: {  	_ = 	snop  }
0x5: {  	_ = 	snop  }
0x6: {  	_ = 	snop  }
0x7: {  	_ = 	snop  }
__scs_overlays_trampoline_lowered:
0x8: {  	[smem:$0x3FAD] =	sst s0  }
0x9: {  	[smem:$0x3FAE] =	sst s1  }
0xa: {  	[smem:$0x3FAF] =	sst s2  }
0xb: {  	[smem:$0x3FB0] =	sst s3  }
0xc: {  	[smem:$0x3FB1] =	sst s4  }
0xd: {  	[smem:$0x3FB2] =	sst s5  }
0xe: {  	[smem:$0x3FB3] =	sst s6  }
0xf: {  	[smem:$0x3FB4] =	sst s7  }
0x10: {  	[smem:$0x3FB5] =	sst s8  }
0x11: {  	[smem:$0x3FB6] =	sst s9;
	s0 =	simm.s32 @!p0 $0x0  }
0x12: {  	s1 =	sld [smem:$0x3F9C];
	s0 =	simm.s32 @p0 $0x1  }
0x13: {  	[smem:$0x3FB7] =	sst s0;
	s0 =	simm.s32 @!p1 $0x0  }
0x14: {  	s2 =	sld [smem:$0x3F9B];
	s0 =	simm.s32 @p1 $0x1  }
0x15: {  	[smem:$0x3FB8] =	sst s0;
	s0 =	simm.s32 @!p2 $0x0  }
0x16: {  	s3 =	sld [smem:$0x3FDB];
	s0 =	simm.s32 @p2 $0x1  }
0x17: {  	s4 =	simm.s32 $0x1BF5;
	[smem:$0x3FBA] =	sst s0  }
0x18: {  	s0 =	sld [smem:$0x3F9D];
	_ =	swait.ge [sflag:s4], $0x0  }
0x19: {  	s7 =	sld [smem:$0x3F9E]  }
0x1a: {  	s8 =	sadd.s32 $0xFFFFE003, lr  }
0x1b: {  	s9 =	sadd.s32 $0xFFFFFEF7, lr;
	s5 =	simm.s32 $0xFFFFFFFF;
	p2 =	slt.u32 s8, $0xFFFFF086  }
0x1c: {  	p1 =	slt.u32 s9, $0xF7A;
	s5 =	simm.s32 @!p2 $0x0  }
0x1d: {  	s5 =	simm.s32 @p1 $0x1;
	p0 =	seq.s32 s7, s2  }
0x1e: {  	s7 =	smul.u32 @!p0 $0xF7A, s2;
	p2 =	seq.s32 @!p0 s5, $0x0  }
0x1f: {  	s9 =	smul.u32 $0xF7A, s1;
	s8 =	simm.s32 @!p0 $0x1BF5;
	p2 =	por !p2, p0  }
0x20: {  	[sflag:s8] =	ssyncset.s32 @!p0 $0xFFFFF086;
	s6 =	sadd.s32 @!p0 s3, s7;
	s7 =	simm.s32 @!p0 $0x108  }
0x21: {  	s3 =	sadd.s32 s3, s9;
	s6 =	sadd.s32 @!p0 $0x88, s6;
	s7 =	simm.s32 @p2 $0x1082  }
0x22: {  	[simem:s7], [sflag:s8] =	dma.local @!p0 [hbm:s6], $0xF7A  }
0x23: {  	s9 =	sor.u32 $0xD0000000, s2;
	s6 =	simm.s32 $0x108;
	_ =	swait.ge @!p0 [sflag:s8], $0x0  }
0x24: {  	s3 =	sadd.s32 $0x88, s3;
	s6 =	simm.s32 @!p1 $0x1082;
	[sflag:s4] =	ssyncset.s32 $0xFFFFF086  }
0x25: {  	[simem:s6], [sflag:s4] =	dma.local [hbm:s3], $0xF7A  }
0x26: {  	[smem:$0x3F9E] =	sst s1;
	(tag) =	ssettag s2;
	_ =	strace s9  }
0x27: {  	s1 =	sld [smem:$0x3FAE]  }
0x28: {  	s2 =	sld [smem:$0x3FAF]  }
0x29: {  	s4 =	sld [smem:$0x3FB1]  }
0x2a: {  	p0 =	seq.s32 s5, $0x0;
	s5 =	sld [smem:$0x3FB2]  }
0x2b: {  	s6 =	sld [smem:$0x3FB3]  }
0x2c: {  	s7 =	sld [smem:$0x3FB4]  }
0x2d: {  	s3 =	simm.s32 $0x108;
	s8 =	sld [smem:$0x3FB5]  }
0x2e: {  	s3 =	simm.s32 @!p0 $0x1082;
	s9 =	sld [smem:$0x3FB6]  }
0x2f: {  	lr =	sadd.s32 s0, s3;
	s0 =	sld [smem:$0x3FAD]  }
0x30: {  	s3 =	sld [smem:$0x3FB0]  }
0x31: {  	[smem:$0x3FB9] =	sst s10  }
0x32: {  	s10 =	sld [smem:$0x3FB7];
	_ =	sdelay $0x3  }
0x33: {  	p0 =	seq.s32 s10, $0x1;
	s10 =	sld [smem:$0x3FB9];
	_ =	sdelay $0x3  }
0x34: {  	[smem:$0x3FB9] =	sst s10  }
0x35: {  	s10 =	sld [smem:$0x3FB8];
	_ =	sdelay $0x3  }
0x36: {  	p1 =	seq.s32 s10, $0x1;
	s10 =	sld [smem:$0x3FB9];
	_ =	sdelay $0x3  }
0x37: {  	[smem:$0x3FB9] =	sst s10  }
0x38: {  	s10 =	sld [smem:$0x3FBA]  }
0x39: {  	_ = 	snop;
	(pc) =	sbr.ind lr, $3  }
0x3a: {  	_ = 	snop  }
0x3b: {  	_ = 	snop  }
0x3c: {  	p2 =	seq.s32 s10, $0x1;
	s10 =	sld [smem:$0x3FB9]  }
0x3d: {  	_ =	shalt  }
0x3e: {  	_ =	shalt  }
0x3f: {  	_ =	shalt  }
0x40: {  	_ =	shalt  }
0x41: {  	_ =	shalt  }
0x42: {  	_ =	shalt  }
0x43: {  	_ =	shalt  }
0x44: {  	_ =	shalt  }
0x45: {  	_ =	shalt  }
0x46: {  	_ =	shalt  }
0x47: {  	_ =	shalt  }
0x48: {  	_ =	shalt  }
0x49: {  	_ =	shalt  }
0x4a: {  	_ =	shalt  }
0x4b: {  	_ =	shalt  }
0x4c: {  	_ =	shalt  }
0x4d: {  	_ =	shalt  }
0x4e: {  	_ =	shalt  }
0x4f: {  	_ =	shalt  }
0x50: {  	_ =	shalt  }
0x51: {  	_ =	shalt  }
0x52: {  	_ =	shalt  }
0x53: {  	_ =	shalt  }
0x54: {  	_ =	shalt  }
0x55: {  	_ =	shalt  }
0x56: {  	_ =	shalt  }
0x57: {  	_ =	shalt  }
0x58: {  	_ =	shalt  }
0x59: {  	_ =	shalt  }
0x5a: {  	_ =	shalt  }
0x5b: {  	_ =	shalt  }
0x5c: {  	_ =	shalt  }
0x5d: {  	_ =	shalt  }
0x5e: {  	_ =	shalt  }
0x5f: {  	_ =	shalt  }
0x60: {  	_ =	shalt  }
0x61: {  	_ =	shalt  }
0x62: {  	_ =	shalt  }
0x63: {  	_ =	shalt  }
0x64: {  	_ =	shalt  }
0x65: {  	_ =	shalt  }
0x66: {  	_ =	shalt  }
0x67: {  	_ =	shalt  }
0x68: {  	_ =	shalt  }
0x69: {  	_ =	shalt  }
0x6a: {  	_ =	shalt  }
0x6b: {  	_ =	shalt  }
0x6c: {  	_ =	shalt  }
0x6d: {  	_ =	shalt  }
0x6e: {  	_ =	shalt  }
0x6f: {  	_ =	shalt  }
0x70: {  	_ =	shalt  }
0x71: {  	_ =	shalt  }
0x72: {  	_ =	shalt  }
0x73: {  	_ =	shalt  }
0x74: {  	_ =	shalt  }
0x75: {  	_ =	shalt  }
0x76: {  	_ =	shalt  }
0x77: {  	_ =	shalt  }
0x78: {  	_ =	shalt  }
0x79: {  	_ =	shalt  }
0x7a: {  	_ =	shalt  }
0x7b: {  	_ =	shalt  }
0x7c: {  	_ =	shalt  }
0x7d: {  	_ =	shalt  }
0x7e: {  	_ =	shalt  }
0x7f: {  	_ =	shalt  }
0x80: {  	_ =	shalt  }
0x81: {  	_ =	shalt  }
0x82: {  	_ =	shalt  }
0x83: {  	_ =	shalt  }
0x84: {  	_ =	shalt  }
0x85: {  	_ =	shalt  }
0x86: {  	_ =	shalt  }
0x87: {  	_ =	shalt  }
.Lfunc_end0:
.L_simem_size_0:
called_computation_lowered:
.L_overlay_start_0:
0x88: {  	s2 =	sld [smem:$0x3FD9]  }
0x89: {  	s3 =	sld [smem:$0x3FFE];
	_ =	sdelay $0x1  }
0x8a: {  	s1 =	srdreg.scid  }
0x8b: {  	s0 =	sand.u32 $0x1, s1  }
0x8c: {  	s17 =	sshll.u32 s0, $0xA;
	s2 =	sadd.s32 s3, s2  }
0x8d: {  	s2 =	sadd.s32 s2, s17  }
0x8e: {  	[smem:$0x3FC5] =	sst s2  }
0x8f: {  	_ = 	snop  }
0x90: {  	s2 =	sld [smem:$0x3FC8]  }
0x91: {  	s18 =	sld [smem:$0x3FC7]  }
0x92: {  	s4 =	sld [smem:$0x3FD0];
	(tm) =	ssettm $0x1  }
0x93: {  	s5 =	sld [smem:$0x3FFB];
	_ =	sdelay $0x3  }
0x94: {  	_ =	strace s5  }
0x95: {  	s5 =	sld [smem:$0x3FFC];
	_ =	sdelay $0x3  }
0x96: {  	_ =	strace s5  }
0x97: {  	s5 =	sld [smem:$0x3FFD];
	_ =	sdelay $0x3  }
0x98: {  	_ =	strace s5  }
0x99: {  	_ =	strace $0x8FFFFFFF  }
0x9a: {  	s19 =	sld [smem:$0x3FDB];
	_ =	sdelay $0x1  }
0x9b: {  	s6 =	simm.s32 $_scs_section_size  }
0x9c: {  	s7 =	simm.s32 $_size__tile_overlayer_lowered;
	s8 =	simm.s32 $_tile_overlayer_lowered  }
0x9d: {  	s22 =	simm.s32 $0x1BFF;
	s21 =	sshll.u32 s8, $0x1;
	s5 =	sadd.s32 s6, s19  }
0x9e: {  	s9 =	simm.s32 $0x0;
	s20 =	sshll.u32 s7, $0x1;
	s7 =	sadd.s32 s21, s5  }
0x9f: {  	[timem:s9], [sflag:s22] =	dma.local [hbm:s7], s20  }
0xa0: {  	_ =	swait.ge [sflag:s22], s20  }
0xa1: {  	s6 =	ssub.s32 $0x0, s20;
	[sflag:s22] =	ssyncset.done $0x0  }
0xa2: {  	[sflag:s22] =	ssyncadd.s32 s6;
	_ =	sdelay $0x1  }
0xa3: {  	s23 =	simm.s32 $0x1B8B  }
0xa4: {  	_ =	swait.ge [sflag:s23], $0x1  }
0xa5: {  	[sflag:s23] =	ssyncset.done $0x0  }
0xa6: {  	s25 =	simm.s32 $0x1B8E;
	s24 =	sld [smem:$0x3FFE];
	[sflag:s23] =	ssyncadd.s32 $0xFFFFFFFF  }
0xa7: {  	s26 =	simm.s32 $execute0_lowered;
	[smem:$0x3FD2] =	sst s25  }
0xa8: {  	s7 =	sshll.u32 s26, $0x1;
	_ =	strace $0x80000046;
	[dreg:$0x1] =	wrdreg $0xFFFFFFFF  }
0xa9: {  	s28 =	simm.s32 $_size_execute0_lowered;
	s5 =	sadd.s32 s5, s7;
	[dreg:$0x0] =	wrdreg $0x0  }
0xaa: {  	s7 =	sshll.u32 s28, $0x1;
	[dreg:$0x2] =	wrdreg s5  }
0xab: {  	[dreg:$0x3] =	wrdreg s7  }
0xac: {  	[dreg:$0x4] =	wrdreg $0xC0  }
0xad: {  	_ =	task [dreg:s9], $0x5FFFF  }
0xae: {  	[dreg:$0x1] =	wrdreg $0xFFFFFFFF  }
0xaf: {  	[dreg:$0x0] =	wrdreg $0x60  }
0xb0: {  	[dreg:$0x2] =	wrdreg s24  }
0xb1: {  	[dreg:$0x3] =	wrdreg s2  }
0xb2: {  	[dreg:$0x4] =	wrdreg s18  }
0xb3: {  	[dreg:$0x5] =	wrdreg s4  }
0xb4: {  	[dreg:$0x6] =	wrdreg $0x9  }
0xb5: {  	_ =	task.clear_ibuf [dreg:s9], $0x7FFFF;
	_ =	strace $0x90000046  }
0xb6: {  	s29 =	simm.s32 $0x9;
	_ =	strace $0x80000048  }
0xb7: {  	_ =	swait.ge [sflag:s29], $0x1  }
0xb8: {  	[sflag:s29] =	ssyncadd.s32 $0xFFFFFFFF  }
0xb9: {  	_ =	strace $0x90000048  }
0xba: {  	_ =	sfence  }
0xbb: {  	s30 =	sld [smem:$0x0];
	_ =	sdelay $0x2  }
0xbc: {  	s31 =	sshll.u32 s1, $0xD;
	s1 =	sshrl.u32 s1, $0x2  }
0xbd: {  	s3 =	sand.u32 $0x4000, s31;
	s1 =	sadd.s32 s1, s30  }
0xbe: {  	s0 =	sor.u32 s3, s0;
	s1 =	sshll.u32 s1, $0x11  }
0xbf: {  	s0 =	sor.u32 s1, s0  }
0xc0: {  	s0 =	sadd.s32 $0x8F2B, s0  }
0xc1: {  	[sflag:s0] =	ssyncadd.remote.s32 $0x1  }
0xc2: {  	_ =	sfence.sel $0xFFFF  }
0xc3: {  	[dreg:$0x0] =	wrdreg $0xFFFFFFFF;
	(pc) =	sbr.abs _section_cstart, $3  }
0xc4: {  	[dreg:$0x1] =	wrdreg $0xFFFFFFFF  }
0xc5: {  	_ =	task.clear_ibuf [dreg:s9], $0x2FFFF;
	_ =	strace $0x9FFFFFFF  }
0xc6: {  	(tm) =	ssettm $0x7FFFFFFF  }
0xc7: {  	_ =	shalt  }
tec
execute0_lowered:
.L_overlay_start_1:
0x0: {  	(tag) =	ssettag $0x1  }
0x1: {  	s0 =	rddreg [dreg:$0x0]  }
0x2: {  	s1 =	rddreg [dreg:$0x1]  }
0x3: {  	s2 =	rddreg [dreg:$0x2]  }
0x4: {  	s4 =	srdreg.scid;
	s12 =	stileid.u32  }
0x5: {  	s3 =	rddreg [dreg:$0x3];
	s4 =	sand.u32 $0x1, s4;
	s7 =	sshll.u32 s12, $0x1  }
0x6: {  	s5 =	simm.s32 $0x0;
	s6 =	ssub.s32 $0x2, s4;
	s7 =	sor.u32 s4, s7  }
0x7: {  	s0 =	sadd.s32 $0x400, s0;
	s8 =	sshrl.u32 s6, $0x1;
	s18 =	sshll.u32 s7, $0x6  }
0x8: {  	[smem:$0x7FF] =	sst s5;
	s11 =	ssub.s32 s6, s8;
	s8 =	sadd.s32 s0, s18  }
0x9: {  	_ =	strace $0x80000047;
	s6 =	sand.u32 $0x7, s7;
	[dreg:$0x5] =	wrdreg s8  }
0xa: {  	s7 =	sshll.u32 s7, $0x10;
	s31 =	smax.u32 s11, $0x1;
	[smem:$0x7FC] =	sst s6  }
0xb: {  	s13 =	sadd.s32 s3, s7;
	[dreg:$0x13] =	wrdreg s31  }
0xc: {  	s7 =	sadd.s32 $0x800, s13;
	[dreg:$0x6] =	wrdreg s13  }
0xd: {  	s19 =	sadd.s32 $0x1000, s13;
	[dreg:$0x7] =	wrdreg s7  }
0xe: {  	s20 =	sadd.s32 $0x1800, s13;
	[dreg:$0x8] =	wrdreg s19  }
0xf: {  	s21 =	sadd.s32 $0x2000, s13;
	[dreg:$0x9] =	wrdreg s20  }
0x10: {  	s22 =	sadd.s32 $0x2800, s13;
	[dreg:$0xa] =	wrdreg s21  }
0x11: {  	s23 =	sadd.s32 $0x3000, s13;
	[dreg:$0xb] =	wrdreg s22  }
0x12: {  	s24 =	sadd.s32 $0x3800, s13;
	[dreg:$0xc] =	wrdreg s23  }
0x13: {  	s25 =	sadd.s32 $0x4000, s13;
	[dreg:$0xd] =	wrdreg s24  }
0x14: {  	s14 =	sadd.s32 $0x4800, s13;
	[dreg:$0xe] =	wrdreg s25  }
0x15: {  	s28 =	sadd.s32 $0x5000, s13;
	[dreg:$0xf] =	wrdreg s14  }
0x16: {  	s30 =	sadd.s32 $0x5800, s13;
	[dreg:$0x10] =	wrdreg s28  }
0x17: {  	s26 =	sshll.u32 s12, $0x7;
	s11 =	sadd.s32 $0x7000, s13;
	[dreg:$0x12] =	wrdreg s30  }
0x18: {  	s29 =	sshll.u32 s12, $0x11;
	s12 =	sadd.s32 $0x7800, s13;
	[dreg:$0x16] =	wrdreg s11  }
0x19: {  	s15 =	sadd.s32 $0x8800, s13;
	[dreg:$0x17] =	wrdreg s12  }
0x1a: {  	s17 =	sadd.s32 $0x9000, s13;
	[dreg:$0x19] =	wrdreg s15  }
0x1b: {  	s18 =	sadd.s32 $0x9800, s13;
	[dreg:$0x1a] =	wrdreg s17  }
0x1c: {  	s31 =	sadd.s32 $0xF800, s13;
	[dreg:$0x1b] =	wrdreg s18  }
0x1d: {  	s14 =	sadd.s32 $0x8000, s13;
	[smem:$0x7FB] =	sst s31  }
0x1e: {  	s19 =	sadd.s32 $0xA000, s13;
	[dreg:$0x18] =	wrdreg s14  }
0x1f: {  	s9 =	sadd.s32 $0x200, s2;
	s20 =	sadd.s32 $0xA800, s13;
	[dreg:$0x1c] =	wrdreg s19  }
0x20: {  	s10 =	sadd.s32 $0x300, s2;
	s21 =	sadd.s32 $0xB000, s13;
	[dreg:$0x1d] =	wrdreg s20  }
0x21: {  	s4 =	sshll.u32 s4, $0x10;
	s22 =	sadd.s32 $0xB800, s13;
	[dreg:$0x1e] =	wrdreg s21  }
0x22: {  	s8 =	sadd.s32 $0x100, s2;
	s23 =	sadd.s32 $0xC000, s13;
	[dreg:$0x1f] =	wrdreg s22  }
0x23: {  	s7 =	sand.u32 $0x600, s26;
	s24 =	sadd.s32 $0xC800, s13;
	[smem:$0x7F4] =	sst s23  }
0x24: {  	s25 =	sadd.s32 $0xD000, s13;
	s26 =	sadd.s32 $0xD800, s13;
	[smem:$0x7F5] =	sst s24  }
0x25: {  	s28 =	sadd.s32 $0xE000, s13;
	s30 =	sadd.s32 $0xF000, s13;
	[smem:$0x7F6] =	sst s25  }
0x26: {  	s11 =	simm.s32 $0x400;
	s15 =	simm.s32 $0x1C00;
	[smem:$0x7F7] =	sst s26  }
0x27: {  	s17 =	simm.s32 $0x2400;
	s18 =	simm.s32 $0x2C00;
	[smem:$0x7F8] =	sst s28  }
0x28: {  	s16 =	sadd.s32 s0, s7;
	s0 =	sor.u32 s4, s29;
	[smem:$0x7FA] =	sst s30  }
.Ltmp0:
0x29: {  	s4 =	sadd.s32 $0x6000, s13;
	[dreg:$0x11] =	wrdreg s0;
	(pc) =	sbr.rel .LBB2_1-.Ltmp0, $4  }
0x2a: {  	s7 =	sadd.s32 $0x6800, s13;
	s29 =	sadd.s32 $0xE800, s13;
	[dreg:$0x14] =	wrdreg s4  }
0x2b: {  	v0 =	vlaneseq.u32;
	s25 =	simm.s32 $0xF;
	s13 =	simm.s32 $0xC00;
	[dreg:$0x15] =	wrdreg s7  }
0x2c: {  	vm0 =	vmmov $0xffff;
	v4 =	vimm.s32 $0x0;
	v2 =	vshrl.u32 v0, $0x3;
	s14 =	simm.s32 $0x1400;
	s19 =	simm.s32 $0x3400;
	[smem:$0x7F9] =	sst s29  }
0x2d: {  	v1 =	vand.u32 $0x7, v0;
	v3 =	vor.u32 $0x8, v0;
	v2 =	vmul.u32 $0x8, v2;
	s0 =	simm.s32 $0xC400;
	s7 =	simm.s32 $0x0;
	[smem:$0x7FD] =	sst s16  }
.LBB2_13:
0x2e: {  	s7 =	sld [smem:$0x7F3];
	_ =	sdelay $0x2  }
0x2f: {  	s4 =	rddreg [dreg:$0x13];
	s7 =	sadd.s32 $0x1, s7  }
0x30: {  	p0 =	sne.s32 s7, s4  }
.Ltmp1:
0x31: {  	_ = 	snop;
	(pc) =	sbr.rel @!p0 .LBB2_14-.Ltmp1, $4  }
0x32: {  	_ = 	snop  }
0x33: {  	s11 =	simm.s32 $0x400  }
0x34: {  	s13 =	simm.s32 $0xC00;
	s14 =	simm.s32 $0x1400;
	s15 =	simm.s32 $0x1C00  }
0x35: {  	s17 =	simm.s32 $0x2400;
	s18 =	simm.s32 $0x2C00;
	s19 =	simm.s32 $0x3400  }
.LBB2_1:
0x36: {  	[smem:$0x7F3] =	sst s7  }
0x37: {  	s4 =	rddreg [dreg:$0x5]  }
0x38: {  	[tilespmem:s5], [sflag:$0xF] =	stream.linear.gather [hbm4b:s4+s5], $0x200, $0x38;
	[tilespmem:$0x1C800] =	vst v63  }
0x39: {  	_ =	swait.ge [sflag:s25], $0x200  }
0x3a: {  	[sflag:s25] =	ssyncset.done $0x0  }
0x3b: {  	[sflag:s25] =	ssyncadd.s32 $0xFFFFFE00  }
0x3c: {  	v5 =	vld [tilespmem:$0x0];
	_ =	sdelay $0x4  }
0x3d: {  	v6 =	vshll.u32 v5, $0x3  }
0x3e: {  	v5 =	vand.u32 $0x7, v5;
	v6 =	vand.u32 $0xFFFFFFC0, v6  }
0x3f: {  	v5 =	vor.u32 v5, v6  }
0x40: {  	v6 =	vperm.xlane v5, v1;
	_ =	sdelay $0x1  }
0x41: {  	v6 =	vadd.s32 v2, v6;
	_ =	sdelay $0x4  }
0x42: {  	[tilespmem:s11], [sflag:$0x1] =	stream.indirect_vreg.gather [hbm4b:s2+s5], $0x80, v6, vm0, $0xb8;
	[tilespmem:$0x1C800] =	vst v63  }
0x43: {  	v5 =	vperm.xlane v5, v3  }
0x44: {  	[tilespmem:s13], [sflag:$0x1] =	stream.indirect_vreg.gather [hbm4b:s8+s5], $0x80, v6, vm0, $0xb8;
	[tilespmem:$0x1C800] =	vst v63  }
0x45: {  	v5 =	vadd.s32 v2, v5  }
0x46: {  	[tilespmem:s14], [sflag:$0x1] =	stream.indirect_vreg.gather [hbm4b:s9+s5], $0x80, v6, vm0, $0xb8;
	[tilespmem:$0x1C800] =	vst v63  }
0x47: {  	_ = 	snop  }
0x48: {  	[tilespmem:s15], [sflag:$0x1] =	stream.indirect_vreg.gather [hbm4b:s10+s5], $0x80, v6, vm0, $0xb8;
	[tilespmem:$0x1C800] =	vst v63  }
0x49: {  	_ = 	snop  }
0x4a: {  	[tilespmem:s17], [sflag:$0x1] =	stream.indirect_vreg.gather [hbm4b:s2+s5], $0x80, v5, vm0, $0xb8;
	[tilespmem:$0x1C800] =	vst v63  }
0x4b: {  	_ = 	snop  }
0x4c: {  	[tilespmem:s18], [sflag:$0x1] =	stream.indirect_vreg.gather [hbm4b:s8+s5], $0x80, v5, vm0, $0xb8;
	[tilespmem:$0x1C800] =	vst v63  }
0x4d: {  	_ = 	snop  }
0x4e: {  	[tilespmem:s19], [sflag:$0x1] =	stream.indirect_vreg.gather [hbm4b:s9+s5], $0x80, v5, vm0, $0xb8;
	[tilespmem:$0x1C800] =	vst v63  }
0x4f: {  	s22 =	simm.s32 $0x3C00  }
0x50: {  	[tilespmem:s22], [sflag:$0x1] =	stream.indirect_vreg.gather [hbm4b:s10+s5], $0x80, v5, vm0, $0xb8;
	[tilespmem:$0x1C800] =	vst v63  }
0x51: {  	v5 =	vld [tilespmem:$0x10];
	_ =	sdelay $0x4  }
0x52: {  	v6 =	vshll.u32 v5, $0x3  }
0x53: {  	v5 =	vand.u32 $0x7, v5;
	v6 =	vand.u32 $0xFFFFFFC0, v6  }
0x54: {  	v5 =	vor.u32 v5, v6  }
0x55: {  	v6 =	vperm.xlane v5, v1;
	_ =	sdelay $0x1  }
0x56: {  	v6 =	vadd.s32 v2, v6;
	_ =	sdelay $0x3  }
0x57: {  	s23 =	simm.s32 $0x4400  }
0x58: {  	[tilespmem:s23], [sflag:$0x2] =	stream.indirect_vreg.gather [hbm4b:s2+s5], $0x80, v6, vm0, $0xb8;
	[tilespmem:$0x1C800] =	vst v63  }
0x59: {  	s24 =	simm.s32 $0x4C00;
	v5 =	vperm.xlane v5, v3  }
0x5a: {  	[tilespmem:s24], [sflag:$0x2] =	stream.indirect_vreg.gather [hbm4b:s8+s5], $0x80, v6, vm0, $0xb8;
	[tilespmem:$0x1C800] =	vst v63  }
0x5b: {  	s26 =	simm.s32 $0x5400;
	v5 =	vadd.s32 v2, v5  }
0x5c: {  	[tilespmem:s26], [sflag:$0x2] =	stream.indirect_vreg.gather [hbm4b:s9+s5], $0x80, v6, vm0, $0xb8;
	[tilespmem:$0x1C800] =	vst v63  }
0x5d: {  	s28 =	simm.s32 $0x5C00  }
0x5e: {  	[tilespmem:s28], [sflag:$0x2] =	stream.indirect_vreg.gather [hbm4b:s10+s5], $0x80, v6, vm0, $0xb8;
	[tilespmem:$0x1C800] =	vst v63  }
0x5f: {  	s29 =	simm.s32 $0x6400  }
0x60: {  	[tilespmem:s29], [sflag:$0x2] =	stream.indirect_vreg.gather [hbm4b:s2+s5], $0x80, v5, vm0, $0xb8;
	[tilespmem:$0x1C800] =	vst v63  }
0x61: {  	s30 =	simm.s32 $0x6C00  }
0x62: {  	[tilespmem:s30], [sflag:$0x2] =	stream.indirect_vreg.gather [hbm4b:s8+s5], $0x80, v5, vm0, $0xb8;
	[tilespmem:$0x1C800] =	vst v63  }
0x63: {  	s31 =	simm.s32 $0x7400  }
0x64: {  	[tilespmem:s31], [sflag:$0x2] =	stream.indirect_vreg.gather [hbm4b:s9+s5], $0x80, v5, vm0, $0xb8;
	[tilespmem:$0x1C800] =	vst v63  }
0x65: {  	s6 =	simm.s32 $0x7C00  }
0x66: {  	[tilespmem:s6], [sflag:$0x2] =	stream.indirect_vreg.gather [hbm4b:s10+s5], $0x80, v5, vm0, $0xb8;
	[tilespmem:$0x1C800] =	vst v63  }
0x67: {  	v5 =	vld [tilespmem:$0x20];
	_ =	sdelay $0x4  }
0x68: {  	v6 =	vshll.u32 v5, $0x3  }
0x69: {  	v5 =	vand.u32 $0x7, v5;
	v6 =	vand.u32 $0xFFFFFFC0, v6  }
0x6a: {  	v5 =	vor.u32 v5, v6  }
0x6b: {  	v6 =	vperm.xlane v5, v1;
	_ =	sdelay $0x1  }
0x6c: {  	v6 =	vadd.s32 v2, v6;
	_ =	sdelay $0x3  }
0x6d: {  	s7 =	simm.s32 $0x8400  }
0x6e: {  	[tilespmem:s7], [sflag:$0x3] =	stream.indirect_vreg.gather [hbm4b:s2+s5], $0x80, v6, vm0, $0xb8;
	[tilespmem:$0x1C800] =	vst v63  }
0x6f: {  	s12 =	simm.s32 $0x8C00;
	v5 =	vperm.xlane v5, v3  }
0x70: {  	[tilespmem:s12], [sflag:$0x3] =	stream.indirect_vreg.gather [hbm4b:s8+s5], $0x80, v6, vm0, $0xb8;
	[tilespmem:$0x1C800] =	vst v63  }
0x71: {  	s16 =	simm.s32 $0x9400;
	v5 =	vadd.s32 v2, v5  }
0x72: {  	[tilespmem:s16], [sflag:$0x3] =	stream.indirect_vreg.gather [hbm4b:s9+s5], $0x80, v6, vm0, $0xb8;
	[tilespmem:$0x1C800] =	vst v63  }
0x73: {  	s20 =	simm.s32 $0x9C00  }
0x74: {  	[tilespmem:s20], [sflag:$0x3] =	stream.indirect_vreg.gather [hbm4b:s10+s5], $0x80, v6, vm0, $0xb8;
	[tilespmem:$0x1C800] =	vst v63  }
0x75: {  	s21 =	simm.s32 $0xA400  }
0x76: {  	[tilespmem:s21], [sflag:$0x3] =	stream.indirect_vreg.gather [hbm4b:s2+s5], $0x80, v5, vm0, $0xb8;
	[tilespmem:$0x1C800] =	vst v63  }
0x77: {  	s22 =	simm.s32 $0xAC00  }
0x78: {  	[tilespmem:s22], [sflag:$0x3] =	stream.indirect_vreg.gather [hbm4b:s8+s5], $0x80, v5, vm0, $0xb8;
	[tilespmem:$0x1C800] =	vst v63  }
0x79: {  	s23 =	simm.s32 $0xB400  }
0x7a: {  	[tilespmem:s23], [sflag:$0x3] =	stream.indirect_vreg.gather [hbm4b:s9+s5], $0x80, v5, vm0, $0xb8;
	[tilespmem:$0x1C800] =	vst v63  }
0x7b: {  	s24 =	simm.s32 $0xBC00  }
0x7c: {  	[tilespmem:s24], [sflag:$0x3] =	stream.indirect_vreg.gather [hbm4b:s10+s5], $0x80, v5, vm0, $0xb8;
	[tilespmem:$0x1C800] =	vst v63  }
0x7d: {  	v5 =	vld [tilespmem:$0x30];
	_ =	sdelay $0x4  }
0x7e: {  	v6 =	vshll.u32 v5, $0x3  }
0x7f: {  	v5 =	vand.u32 $0x7, v5;
	v6 =	vand.u32 $0xFFFFFFC0, v6  }
0x80: {  	v5 =	vor.u32 v5, v6  }
0x81: {  	v6 =	vperm.xlane v5, v1;
	_ =	sdelay $0x1  }
0x82: {  	v6 =	vadd.s32 v2, v6;
	_ =	sdelay $0x4  }
0x83: {  	[tilespmem:s0], [sflag:$0x4] =	stream.indirect_vreg.gather [hbm4b:s2+s5], $0x80, v6, vm0, $0xb8;
	[tilespmem:$0x1C800] =	vst v63  }
0x84: {  	s26 =	simm.s32 $0xCC00;
	v5 =	vperm.xlane v5, v3  }
0x85: {  	[tilespmem:s26], [sflag:$0x4] =	stream.indirect_vreg.gather [hbm4b:s8+s5], $0x80, v6, vm0, $0xb8;
	[tilespmem:$0x1C800] =	vst v63  }
0x86: {  	s28 =	simm.s32 $0xD400;
	v5 =	vadd.s32 v2, v5  }
0x87: {  	[tilespmem:s28], [sflag:$0x4] =	stream.indirect_vreg.gather [hbm4b:s9+s5], $0x80, v6, vm0, $0xb8;
	[tilespmem:$0x1C800] =	vst v63  }
0x88: {  	s29 =	simm.s32 $0xDC00  }
0x89: {  	[tilespmem:s29], [sflag:$0x4] =	stream.indirect_vreg.gather [hbm4b:s10+s5], $0x80, v6, vm0, $0xb8;
	[tilespmem:$0x1C800] =	vst v63  }
0x8a: {  	s30 =	simm.s32 $0xE400  }
0x8b: {  	[tilespmem:s30], [sflag:$0x4] =	stream.indirect_vreg.gather [hbm4b:s2+s5], $0x80, v5, vm0, $0xb8;
	[tilespmem:$0x1C800] =	vst v63  }
0x8c: {  	s31 =	simm.s32 $0xEC00  }
0x8d: {  	[tilespmem:s31], [sflag:$0x4] =	stream.indirect_vreg.gather [hbm4b:s8+s5], $0x80, v5, vm0, $0xb8;
	[tilespmem:$0x1C800] =	vst v63  }
0x8e: {  	s0 =	simm.s32 $0xF400  }
0x8f: {  	[tilespmem:s0], [sflag:$0x4] =	stream.indirect_vreg.gather [hbm4b:s9+s5], $0x80, v5, vm0, $0xb8;
	[tilespmem:$0x1C800] =	vst v63  }
0x90: {  	s6 =	simm.s32 $0xFC00  }
0x91: {  	[tilespmem:s6], [sflag:$0x4] =	stream.indirect_vreg.gather [hbm4b:s10+s5], $0x80, v5, vm0, $0xb8;
	[tilespmem:$0x1C800] =	vst v63  }
0x92: {  	v5 =	vld [tilespmem:$0x40];
	_ =	sdelay $0x4  }
0x93: {  	v6 =	vshll.u32 v5, $0x3  }
0x94: {  	v5 =	vand.u32 $0x7, v5;
	v6 =	vand.u32 $0xFFFFFFC0, v6  }
0x95: {  	v5 =	vor.u32 v5, v6  }
0x96: {  	v6 =	vperm.xlane v5, v1;
	_ =	sdelay $0x1  }
0x97: {  	v6 =	vadd.s32 v2, v6;
	_ =	sdelay $0x3  }
0x98: {  	s7 =	simm.s32 $0x10400  }
0x99: {  	[tilespmem:s7], [sflag:$0x5] =	stream.indirect_vreg.gather [hbm4b:s2+s5], $0x80, v6, vm0, $0xb8;
	[tilespmem:$0x1C800] =	vst v63  }
0x9a: {  	s12 =	simm.s32 $0x10C00;
	v5 =	vperm.xlane v5, v3  }
0x9b: {  	[tilespmem:s12], [sflag:$0x5] =	stream.indirect_vreg.gather [hbm4b:s8+s5], $0x80, v6, vm0, $0xb8;
	[tilespmem:$0x1C800] =	vst v63  }
0x9c: {  	s16 =	simm.s32 $0x11400;
	v5 =	vadd.s32 v2, v5  }
0x9d: {  	[tilespmem:s16], [sflag:$0x5] =	stream.indirect_vreg.gather [hbm4b:s9+s5], $0x80, v6, vm0, $0xb8;
	[tilespmem:$0x1C800] =	vst v63  }
0x9e: {  	s20 =	simm.s32 $0x11C00  }
0x9f: {  	[tilespmem:s20], [sflag:$0x5] =	stream.indirect_vreg.gather [hbm4b:s10+s5], $0x80, v6, vm0, $0xb8;
	[tilespmem:$0x1C800] =	vst v63  }
0xa0: {  	s21 =	simm.s32 $0x12400  }
0xa1: {  	[tilespmem:s21], [sflag:$0x5] =	stream.indirect_vreg.gather [hbm4b:s2+s5], $0x80, v5, vm0, $0xb8;
	[tilespmem:$0x1C800] =	vst v63  }
0xa2: {  	s22 =	simm.s32 $0x12C00  }
0xa3: {  	[tilespmem:s22], [sflag:$0x5] =	stream.indirect_vreg.gather [hbm4b:s8+s5], $0x80, v5, vm0, $0xb8;
	[tilespmem:$0x1C800] =	vst v63  }
0xa4: {  	s23 =	simm.s32 $0x13400  }
0xa5: {  	[tilespmem:s23], [sflag:$0x5] =	stream.indirect_vreg.gather [hbm4b:s9+s5], $0x80, v5, vm0, $0xb8;
	[tilespmem:$0x1C800] =	vst v63  }
0xa6: {  	s24 =	simm.s32 $0x13C00;
	s26 =	simm.s32 $0x0  }
0xa7: {  	[tilespmem:s24], [sflag:$0x5] =	stream.indirect_vreg.gather [hbm4b:s10+s5], $0x80, v5, vm0, $0xb8;
	[tilespmem:$0x1C800] =	vst v63  }
0xa8: {  	v5 =	vld [tilespmem:s26+$0x0]  }
0xa9: {  	s28 =	simm.s32 $0x10  }
0xaa: {  	s29 =	simm.s32 $0x20;
	v6 =	vld [tilespmem:s28+$0x0]  }
0xab: {  	v7 =	vld [tilespmem:s29+$0x0];
	_ =	sdelay $0x1  }
0xac: {  	vm1 =	veq.s32 v5, $0x1  }
0xad: {  	v5 =	vsel vm1, $0x1, v4  }
0xae: {  	vm1 =	veq.s32 v6, $0x1;
	(xrf0) =	vadd.scan.msk.s32 $0xffff, v5  }
0xaf: {  	v5 =	vsel vm1, $0x1, v4;
	vm1 =	veq.s32 v7, $0x1  }
0xb0: {  	(xrf0) =	vadd.scan.msk.s32 $0xffff, v5;
	v5 =	vsel vm1, $0x1, v4  }
0xb1: {  	s30 =	simm.s32 $0x30;
	(xrf0) =	vadd.scan.msk.s32 $0xffff, v5  }
0xb2: {  	v6 =	vld [tilespmem:s30+$0x0];
	_ =	sdelay $0x1  }
0xb3: {  	v5, _, _ =	vpop (xrf0)  }
0xb4: {  	(v2sf) =	vpush v5, $0xF  }
0xb5: {  	v5, _, _ =	vpop (xrf0)  }
0xb6: {  	vm1 =	veq.s32 v6, $0x1;
	(v2sf) =	vpush v5, $0xF;
	v6, _, _ =	vpop (xrf0)  }
0xb7: {  	(v2sf) =	vpush v6, $0xF;
	_ =	sdelay $0x5  }
0xb8: {  	s31 =	simm.s32 $0x40;
	v5 =	vsel vm1, $0x1, v4  }
0xb9: {  	(xrf0) =	vadd.scan.msk.s32 $0xffff, v5;
	v5 =	vld [tilespmem:s31+$0x0];
	_ =	sdelay $0x1  }
0xba: {  	s4 =	simm.s32 $0x140;
	s26 =	simm.s32 $0x0  }
.LBB2_2:
0xbb: {  	p0 =	sne.s32 s4, $0x7C0  }
.Ltmp2:
0xbc: {  	s7 =	sshra.s32 s4, $0x2;
	(pc) =	sbr.rel @p0 .LBB2_2-.Ltmp2, $4  }
0xbd: {  	s4 =	sadd.s32 $0x40, s4;
	s12 =	spop (v2sf);
	vm1 =	veq.s32 v5, $0x1  }
0xbe: {  	s26 =	sadd.s32 s26, s12;
	v5 =	vld [tilespmem:s7+$0x0];
	v7 =	vsel vm1, $0x1, v4  }
0xbf: {  	(xrf0) =	vadd.scan.msk.s32 $0xffff, v7;
	v6, _, _ =	vpop (xrf0)  }
0xc0: {  	(v2sf) =	vpush v6, $0xF  }
0xc1: {  	_ =	sdelay $0x1  }
0xc2: {  	vm1 =	veq.s32 v5, $0x1  }
0xc3: {  	v5 =	vsel vm1, $0x1, v4  }
0xc4: {  	(xrf0) =	vadd.scan.msk.s32 $0xffff, v5;
	_ =	sdelay $0x4  }
0xc5: {  	v5, _, _ =	vpop (xrf0)  }
0xc6: {  	(v2sf) =	vpush v5, $0xF;
	v5, _, _ =	vpop (xrf0)  }
0xc7: {  	(v2sf) =	vpush v5, $0xF;
	_ =	sdelay $0xa  }
0xc8: {  	s0 =	spop (v2sf)  }
0xc9: {  	[smem:$0x7EE] =	sst s0;
	s31 =	spop (v2sf)  }
0xca: {  	[smem:$0x7EF] =	sst s31;
	s4 =	spop (v2sf)  }
0xcb: {  	[smem:$0x7F0] =	sst s4;
	s6 =	spop (v2sf)  }
0xcc: {  	[smem:$0x7F1] =	sst s6;
	s7 =	spop (v2sf)  }
0xcd: {  	s12 =	simm.s32 $0x1;
	[smem:$0x7F2] =	sst s7  }
0xce: {  	_ =	swait.ge [sflag:s12], $0x4000  }
0xcf: {  	[sflag:s12] =	ssyncset.done $0x0  }
0xd0: {  	s21 =	simm.s32 $0x0;
	s4 =	rddreg [dreg:$0x6];
	[sflag:s12] =	ssyncadd.s32 $0xFFFFC000  }
0xd1: {  	[hbm4b:s4+s21] =	stream.linear.scatter [tilespmem:s11], [sflag:$0x8], $0x4000, $0x38;
	[tilespmem:$0x1C800] =	vst v63  }
0xd2: {  	v5 =	vld [tilespmem:$0x50];
	_ =	sdelay $0x4  }
0xd3: {  	v6 =	vshll.u32 v5, $0x3  }
0xd4: {  	v5 =	vand.u32 $0x7, v5;
	v6 =	vand.u32 $0xFFFFFFC0, v6  }
0xd5: {  	v5 =	vor.u32 v5, v6  }
0xd6: {  	v6 =	vperm.xlane v5, v1;
	_ =	sdelay $0x1  }
0xd7: {  	v6 =	vadd.s32 v2, v6;
	_ =	sdelay $0x3  }
0xd8: {  	s16 =	simm.s32 $0x14400  }
0xd9: {  	[tilespmem:s16], [sflag:$0x6] =	stream.indirect_vreg.gather [hbm4b:s2+s21], $0x80, v6, vm0, $0xb8;
	[tilespmem:$0x1C800] =	vst v63  }
0xda: {  	s20 =	simm.s32 $0x14C00;
	v5 =	vperm.xlane v5, v3  }
0xdb: {  	[tilespmem:s20], [sflag:$0x6] =	stream.indirect_vreg.gather [hbm4b:s8+s21], $0x80, v6, vm0, $0xb8;
	[tilespmem:$0x1C800] =	vst v63  }
0xdc: {  	s22 =	simm.s32 $0x15400;
	v5 =	vadd.s32 v2, v5  }
0xdd: {  	[tilespmem:s22], [sflag:$0x6] =	stream.indirect_vreg.gather [hbm4b:s9+s21], $0x80, v6, vm0, $0xb8;
	[tilespmem:$0x1C800] =	vst v63  }
0xde: {  	s23 =	simm.s32 $0x15C00  }
0xdf: {  	[tilespmem:s23], [sflag:$0x6] =	stream.indirect_vreg.gather [hbm4b:s10+s21], $0x80, v6, vm0, $0xb8;
	[tilespmem:$0x1C800] =	vst v63  }
0xe0: {  	s24 =	simm.s32 $0x16400  }
0xe1: {  	[tilespmem:s24], [sflag:$0x6] =	stream.indirect_vreg.gather [hbm4b:s2+s21], $0x80, v5, vm0, $0xb8;
	[tilespmem:$0x1C800] =	vst v63  }
0xe2: {  	s28 =	simm.s32 $0x16C00  }
0xe3: {  	[tilespmem:s28], [sflag:$0x6] =	stream.indirect_vreg.gather [hbm4b:s8+s21], $0x80, v5, vm0, $0xb8;
	[tilespmem:$0x1C800] =	vst v63  }
0xe4: {  	s29 =	simm.s32 $0x17400  }
0xe5: {  	[tilespmem:s29], [sflag:$0x6] =	stream.indirect_vreg.gather [hbm4b:s9+s21], $0x80, v5, vm0, $0xb8;
	[tilespmem:$0x1C800] =	vst v63  }
0xe6: {  	s30 =	simm.s32 $0x17C00;
	s31 =	simm.s32 $0x2  }
0xe7: {  	[tilespmem:s30], [sflag:$0x6] =	stream.indirect_vreg.gather [hbm4b:s10+s21], $0x80, v5, vm0, $0xb8;
	[tilespmem:$0x1C800] =	vst v63  }
0xe8: {  	_ =	swait.ge [sflag:s31], $0x4000  }
0xe9: {  	[sflag:s31] =	ssyncset.done $0x0  }
0xea: {  	s6 =	simm.s32 $0x4400;
	s0 =	rddreg [dreg:$0x7];
	[sflag:s31] =	ssyncadd.s32 $0xFFFFC000  }
0xeb: {  	[hbm4b:s0+s21] =	stream.linear.scatter [tilespmem:s6], [sflag:$0x9], $0x4000, $0x38;
	[tilespmem:$0x1C800] =	vst v63  }
0xec: {  	v5 =	vld [tilespmem:$0x60];
	_ =	sdelay $0x4  }
0xed: {  	v6 =	vshll.u32 v5, $0x3  }
0xee: {  	v5 =	vand.u32 $0x7, v5;
	v6 =	vand.u32 $0xFFFFFFC0, v6  }
0xef: {  	v5 =	vor.u32 v5, v6  }
0xf0: {  	v6 =	vperm.xlane v5, v1;
	_ =	sdelay $0x1  }
0xf1: {  	v6 =	vadd.s32 v2, v6;
	_ =	sdelay $0x3  }
0xf2: {  	s7 =	simm.s32 $0x18400  }
0xf3: {  	[tilespmem:s7], [sflag:$0x7] =	stream.indirect_vreg.gather [hbm4b:s2+s21], $0x80, v6, vm0, $0xb8;
	[tilespmem:$0x1C800] =	vst v63  }
0xf4: {  	s12 =	simm.s32 $0x18C00;
	v5 =	vperm.xlane v5, v3  }
0xf5: {  	[tilespmem:s12], [sflag:$0x7] =	stream.indirect_vreg.gather [hbm4b:s8+s21], $0x80, v6, vm0, $0xb8;
	[tilespmem:$0x1C800] =	vst v63  }
0xf6: {  	s16 =	simm.s32 $0x19400;
	v5 =	vadd.s32 v2, v5  }
0xf7: {  	[tilespmem:s16], [sflag:$0x7] =	stream.indirect_vreg.gather [hbm4b:s9+s21], $0x80, v6, vm0, $0xb8;
	[tilespmem:$0x1C800] =	vst v63  }
0xf8: {  	s20 =	simm.s32 $0x19C00  }
0xf9: {  	[tilespmem:s20], [sflag:$0x7] =	stream.indirect_vreg.gather [hbm4b:s10+s21], $0x80, v6, vm0, $0xb8;
	[tilespmem:$0x1C800] =	vst v63  }
0xfa: {  	s22 =	simm.s32 $0x1A400  }
0xfb: {  	[tilespmem:s22], [sflag:$0x7] =	stream.indirect_vreg.gather [hbm4b:s2+s21], $0x80, v5, vm0, $0xb8;
	[tilespmem:$0x1C800] =	vst v63  }
0xfc: {  	s23 =	simm.s32 $0x1AC00  }
0xfd: {  	[tilespmem:s23], [sflag:$0x7] =	stream.indirect_vreg.gather [hbm4b:s8+s21], $0x80, v5, vm0, $0xb8;
	[tilespmem:$0x1C800] =	vst v63  }
0xfe: {  	s24 =	simm.s32 $0x1B400  }
0xff: {  	[tilespmem:s24], [sflag:$0x7] =	stream.indirect_vreg.gather [hbm4b:s9+s21], $0x80, v5, vm0, $0xb8;
	[tilespmem:$0x1C800] =	vst v63  }
0x100: {  	s28 =	simm.s32 $0x1BC00;
	s12 =	simm.s32 $0x3  }
0x101: {  	[tilespmem:s28], [sflag:$0x7] =	stream.indirect_vreg.gather [hbm4b:s10+s21], $0x80, v5, vm0, $0xb8;
	[tilespmem:$0x1C800] =	vst v63  }
0x102: {  	_ =	swait.ge [sflag:s12], $0x4000  }
0x103: {  	[sflag:s12] =	ssyncset.done $0x0  }
0x104: {  	s7 =	simm.s32 $0x8400;
	s29 =	rddreg [dreg:$0x8];
	[sflag:s12] =	ssyncadd.s32 $0xFFFFC000  }
0x105: {  	[hbm4b:s29+s21] =	stream.linear.scatter [tilespmem:s7], [sflag:$0xA], $0x4000, $0x38;
	[tilespmem:$0x1C800] =	vst v63  }
0x106: {  	s7 =	simm.s32 $0x8  }
0x107: {  	_ =	swait.ge [sflag:s7], $0x4000  }
0x108: {  	[sflag:s7] =	ssyncset.done $0x0  }
0x109: {  	[sflag:s7] =	ssyncadd.s32 $0xFFFFC000  }
0x10a: {  	v5 =	vld [tilespmem:$0x70];
	_ =	sdelay $0x4  }
0x10b: {  	v6 =	vshll.u32 v5, $0x3  }
0x10c: {  	v5 =	vand.u32 $0x7, v5;
	v6 =	vand.u32 $0xFFFFFFC0, v6  }
0x10d: {  	v5 =	vor.u32 v5, v6  }
0x10e: {  	v6 =	vperm.xlane v5, v1;
	_ =	sdelay $0x1  }
0x10f: {  	v6 =	vadd.s32 v2, v6;
	_ =	sdelay $0x4  }
0x110: {  	[tilespmem:s11], [sflag:$0x1] =	stream.indirect_vreg.gather [hbm4b:s2+s21], $0x80, v6, vm0, $0xb8;
	[tilespmem:$0x1C800] =	vst v63  }
0x111: {  	v5 =	vperm.xlane v5, v3  }
0x112: {  	[tilespmem:s13], [sflag:$0x1] =	stream.indirect_vreg.gather [hbm4b:s8+s21], $0x80, v6, vm0, $0xb8;
	[tilespmem:$0x1C800] =	vst v63  }
0x113: {  	v5 =	vadd.s32 v2, v5  }
0x114: {  	[tilespmem:s14], [sflag:$0x1] =	stream.indirect_vreg.gather [hbm4b:s9+s21], $0x80, v6, vm0, $0xb8;
	[tilespmem:$0x1C800] =	vst v63  }
0x115: {  	_ = 	snop  }
0x116: {  	[tilespmem:s15], [sflag:$0x1] =	stream.indirect_vreg.gather [hbm4b:s10+s21], $0x80, v6, vm0, $0xb8;
	[tilespmem:$0x1C800] =	vst v63  }
0x117: {  	_ = 	snop  }
0x118: {  	[tilespmem:s17], [sflag:$0x1] =	stream.indirect_vreg.gather [hbm4b:s2+s21], $0x80, v5, vm0, $0xb8;
	[tilespmem:$0x1C800] =	vst v63  }
0x119: {  	_ = 	snop  }
0x11a: {  	[tilespmem:s18], [sflag:$0x1] =	stream.indirect_vreg.gather [hbm4b:s8+s21], $0x80, v5, vm0, $0xb8;
	[tilespmem:$0x1C800] =	vst v63  }
0x11b: {  	_ = 	snop  }
0x11c: {  	[tilespmem:s19], [sflag:$0x1] =	stream.indirect_vreg.gather [hbm4b:s9+s21], $0x80, v5, vm0, $0xb8;
	[tilespmem:$0x1C800] =	vst v63  }
0x11d: {  	s30 =	simm.s32 $0x3C00;
	s14 =	simm.s32 $0x4  }
0x11e: {  	[tilespmem:s30], [sflag:$0x1] =	stream.indirect_vreg.gather [hbm4b:s10+s21], $0x80, v5, vm0, $0xb8;
	[tilespmem:$0x1C800] =	vst v63  }
0x11f: {  	_ =	swait.ge [sflag:s14], $0x4000  }
0x120: {  	[sflag:s14] =	ssyncset.done $0x0  }
0x121: {  	s0 =	simm.s32 $0xC400;
	s31 =	rddreg [dreg:$0x9];
	[sflag:s14] =	ssyncadd.s32 $0xFFFFC000  }
0x122: {  	[hbm4b:s31+s21] =	stream.linear.scatter [tilespmem:s0], [sflag:$0xB], $0x4000, $0x38;
	[tilespmem:$0x1C800] =	vst v63  }
0x123: {  	s31 =	simm.s32 $0x9  }
0x124: {  	_ =	swait.ge [sflag:s31], $0x4000  }
0x125: {  	[sflag:s31] =	ssyncset.done $0x0  }
0x126: {  	[sflag:s31] =	ssyncadd.s32 $0xFFFFC000  }
0x127: {  	v5 =	vld [tilespmem:$0x80];
	_ =	sdelay $0x4  }
0x128: {  	v6 =	vshll.u32 v5, $0x3  }
0x129: {  	v5 =	vand.u32 $0x7, v5;
	v6 =	vand.u32 $0xFFFFFFC0, v6  }
0x12a: {  	v5 =	vor.u32 v5, v6  }
0x12b: {  	v6 =	vperm.xlane v5, v1;
	_ =	sdelay $0x1  }
0x12c: {  	v6 =	vadd.s32 v2, v6;
	_ =	sdelay $0x3  }
0x12d: {  	s6 =	simm.s32 $0x4400  }
0x12e: {  	[tilespmem:s6], [sflag:$0x2] =	stream.indirect_vreg.gather [hbm4b:s2+s21], $0x80, v6, vm0, $0xb8;
	[tilespmem:$0x1C800] =	vst v63  }
0x12f: {  	s4 =	simm.s32 $0x4C00;
	v5 =	vperm.xlane v5, v3  }
0x130: {  	[tilespmem:s4], [sflag:$0x2] =	stream.indirect_vreg.gather [hbm4b:s8+s21], $0x80, v6, vm0, $0xb8;
	[tilespmem:$0x1C800] =	vst v63  }
0x131: {  	v5 =	vadd.s32 v2, v5;
	s6 =	simm.s32 $0x5400  }
0x132: {  	[tilespmem:s6], [sflag:$0x2] =	stream.indirect_vreg.gather [hbm4b:s9+s21], $0x80, v6, vm0, $0xb8;
	[tilespmem:$0x1C800] =	vst v63  }
0x133: {  	s13 =	simm.s32 $0x5C00  }
0x134: {  	[tilespmem:s13], [sflag:$0x2] =	stream.indirect_vreg.gather [hbm4b:s10+s21], $0x80, v6, vm0, $0xb8;
	[tilespmem:$0x1C800] =	vst v63  }
0x135: {  	s16 =	simm.s32 $0x6400  }
0x136: {  	[tilespmem:s16], [sflag:$0x2] =	stream.indirect_vreg.gather [hbm4b:s2+s21], $0x80, v5, vm0, $0xb8;
	[tilespmem:$0x1C800] =	vst v63  }
0x137: {  	s17 =	simm.s32 $0x6C00  }
0x138: {  	[tilespmem:s17], [sflag:$0x2] =	stream.indirect_vreg.gather [hbm4b:s8+s21], $0x80, v5, vm0, $0xb8;
	[tilespmem:$0x1C800] =	vst v63  }
0x139: {  	s18 =	simm.s32 $0x7400  }
0x13a: {  	[tilespmem:s18], [sflag:$0x2] =	stream.indirect_vreg.gather [hbm4b:s9+s21], $0x80, v5, vm0, $0xb8;
	[tilespmem:$0x1C800] =	vst v63  }
0x13b: {  	s22 =	simm.s32 $0x5;
	s19 =	simm.s32 $0x7C00  }
0x13c: {  	[tilespmem:s19], [sflag:$0x2] =	stream.indirect_vreg.gather [hbm4b:s10+s21], $0x80, v5, vm0, $0xb8;
	[tilespmem:$0x1C800] =	vst v63  }
0x13d: {  	_ =	swait.ge [sflag:s22], $0x4000  }
0x13e: {  	s24 =	simm.s32 $0x10400;
	[sflag:s22] =	ssyncset.done $0x0  }
0x13f: {  	s30 =	simm.s32 $0xA;
	s23 =	rddreg [dreg:$0xa];
	[sflag:s22] =	ssyncadd.s32 $0xFFFFC000  }
0x140: {  	[hbm4b:s23+s21] =	stream.linear.scatter [tilespmem:s24], [sflag:$0xC], $0x4000, $0x38;
	[tilespmem:$0x1C800] =	vst v63  }
0x141: {  	_ =	swait.ge [sflag:s30], $0x4000  }
0x142: {  	[sflag:s30] =	ssyncset.done $0x0  }
0x143: {  	[sflag:s30] =	ssyncadd.s32 $0xFFFFC000  }
0x144: {  	v5 =	vld [tilespmem:$0x90];
	_ =	sdelay $0x4  }
0x145: {  	v6 =	vshll.u32 v5, $0x3  }
0x146: {  	v5 =	vand.u32 $0x7, v5;
	v6 =	vand.u32 $0xFFFFFFC0, v6  }
0x147: {  	v5 =	vor.u32 v5, v6  }
0x148: {  	v6 =	vperm.xlane v5, v1;
	_ =	sdelay $0x1  }
0x149: {  	v6 =	vadd.s32 v2, v6;
	_ =	sdelay $0x3  }
0x14a: {  	s20 =	simm.s32 $0x8400  }
0x14b: {  	[tilespmem:s20], [sflag:$0x3] =	stream.indirect_vreg.gather [hbm4b:s2+s21], $0x80, v6, vm0, $0xb8;
	[tilespmem:$0x1C800] =	vst v63  }
0x14c: {  	s28 =	simm.s32 $0x8C00;
	v5 =	vperm.xlane v5, v3  }
0x14d: {  	[tilespmem:s28], [sflag:$0x3] =	stream.indirect_vreg.gather [hbm4b:s8+s21], $0x80, v6, vm0, $0xb8;
	[tilespmem:$0x1C800] =	vst v63  }
0x14e: {  	s29 =	simm.s32 $0x9400;
	v5 =	vadd.s32 v2, v5  }
0x14f: {  	[tilespmem:s29], [sflag:$0x3] =	stream.indirect_vreg.gather [hbm4b:s9+s21], $0x80, v6, vm0, $0xb8;
	[tilespmem:$0x1C800] =	vst v63  }
0x150: {  	s4 =	simm.s32 $0x9C00  }
0x151: {  	[tilespmem:s4], [sflag:$0x3] =	stream.indirect_vreg.gather [hbm4b:s10+s21], $0x80, v6, vm0, $0xb8;
	[tilespmem:$0x1C800] =	vst v63  }
0x152: {  	s6 =	simm.s32 $0xA400  }
0x153: {  	[tilespmem:s6], [sflag:$0x3] =	stream.indirect_vreg.gather [hbm4b:s2+s21], $0x80, v5, vm0, $0xb8;
	[tilespmem:$0x1C800] =	vst v63  }
0x154: {  	s13 =	simm.s32 $0xAC00  }
0x155: {  	[tilespmem:s13], [sflag:$0x3] =	stream.indirect_vreg.gather [hbm4b:s8+s21], $0x80, v5, vm0, $0xb8;
	[tilespmem:$0x1C800] =	vst v63  }
0x156: {  	s16 =	simm.s32 $0xB400  }
0x157: {  	[tilespmem:s16], [sflag:$0x3] =	stream.indirect_vreg.gather [hbm4b:s9+s21], $0x80, v5, vm0, $0xb8;
	[tilespmem:$0x1C800] =	vst v63  }
0x158: {  	s17 =	simm.s32 $0xBC00;
	s20 =	simm.s32 $0x6  }
0x159: {  	[tilespmem:s17], [sflag:$0x3] =	stream.indirect_vreg.gather [hbm4b:s10+s21], $0x80, v5, vm0, $0xb8;
	[tilespmem:$0x1C800] =	vst v63  }
0x15a: {  	_ =	swait.ge [sflag:s20], $0x4000  }
0x15b: {  	s24 =	simm.s32 $0xB;
	[sflag:s20] =	ssyncset.done $0x0  }
0x15c: {  	s17 =	simm.s32 $0x14400;
	s18 =	rddreg [dreg:$0xb];
	[sflag:s20] =	ssyncadd.s32 $0xFFFFC000  }
0x15d: {  	[hbm4b:s18+s21] =	stream.linear.scatter [tilespmem:s17], [sflag:$0xD], $0x4000, $0x38;
	[tilespmem:$0x1C800] =	vst v63  }
0x15e: {  	_ =	swait.ge [sflag:s24], $0x4000  }
0x15f: {  	[sflag:s24] =	ssyncset.done $0x0  }
0x160: {  	[sflag:s24] =	ssyncadd.s32 $0xFFFFC000  }
0x161: {  	v5 =	vld [tilespmem:$0xA0];
	_ =	sdelay $0x4  }
0x162: {  	v6 =	vshll.u32 v5, $0x3  }
0x163: {  	v5 =	vand.u32 $0x7, v5;
	v6 =	vand.u32 $0xFFFFFFC0, v6  }
0x164: {  	v5 =	vor.u32 v5, v6  }
0x165: {  	v6 =	vperm.xlane v5, v1;
	_ =	sdelay $0x1  }
0x166: {  	v6 =	vadd.s32 v2, v6;
	_ =	sdelay $0x3  }
0x167: {  	s15 =	simm.s32 $0xC400  }
0x168: {  	[tilespmem:s15], [sflag:$0x4] =	stream.indirect_vreg.gather [hbm4b:s2+s21], $0x80, v6, vm0, $0xb8;
	[tilespmem:$0x1C800] =	vst v63  }
0x169: {  	s19 =	simm.s32 $0xCC00;
	v5 =	vperm.xlane v5, v3  }
0x16a: {  	[tilespmem:s19], [sflag:$0x4] =	stream.indirect_vreg.gather [hbm4b:s8+s21], $0x80, v6, vm0, $0xb8;
	[tilespmem:$0x1C800] =	vst v63  }
0x16b: {  	s23 =	simm.s32 $0xD400;
	v5 =	vadd.s32 v2, v5  }
0x16c: {  	[tilespmem:s23], [sflag:$0x4] =	stream.indirect_vreg.gather [hbm4b:s9+s21], $0x80, v6, vm0, $0xb8;
	[tilespmem:$0x1C800] =	vst v63  }
0x16d: {  	s28 =	simm.s32 $0xDC00  }
0x16e: {  	[tilespmem:s28], [sflag:$0x4] =	stream.indirect_vreg.gather [hbm4b:s10+s21], $0x80, v6, vm0, $0xb8;
	[tilespmem:$0x1C800] =	vst v63  }
0x16f: {  	s29 =	simm.s32 $0xE400  }
0x170: {  	[tilespmem:s29], [sflag:$0x4] =	stream.indirect_vreg.gather [hbm4b:s2+s21], $0x80, v5, vm0, $0xb8;
	[tilespmem:$0x1C800] =	vst v63  }
0x171: {  	s4 =	simm.s32 $0xEC00  }
0x172: {  	[tilespmem:s4], [sflag:$0x4] =	stream.indirect_vreg.gather [hbm4b:s8+s21], $0x80, v5, vm0, $0xb8;
	[tilespmem:$0x1C800] =	vst v63  }
0x173: {  	s6 =	simm.s32 $0xF400  }
0x174: {  	[tilespmem:s6], [sflag:$0x4] =	stream.indirect_vreg.gather [hbm4b:s9+s21], $0x80, v5, vm0, $0xb8;
	[tilespmem:$0x1C800] =	vst v63  }
0x175: {  	s13 =	simm.s32 $0xFC00;
	s15 =	simm.s32 $0x7  }
0x176: {  	[tilespmem:s13], [sflag:$0x4] =	stream.indirect_vreg.gather [hbm4b:s10+s21], $0x80, v5, vm0, $0xb8;
	[tilespmem:$0x1C800] =	vst v63  }
0x177: {  	_ =	swait.ge [sflag:s15], $0x4000  }
0x178: {  	s18 =	simm.s32 $0xC;
	[sflag:s15] =	ssyncset.done $0x0  }
0x179: {  	s19 =	simm.s32 $0x18400;
	s16 =	rddreg [dreg:$0xc];
	[sflag:s15] =	ssyncadd.s32 $0xFFFFC000  }
0x17a: {  	[hbm4b:s16+s21] =	stream.linear.scatter [tilespmem:s19], [sflag:$0xE], $0x4000, $0x38;
	[tilespmem:$0x1C800] =	vst v63  }
0x17b: {  	_ =	swait.ge [sflag:s18], $0x4000  }
0x17c: {  	[sflag:s18] =	ssyncset.done $0x0  }
0x17d: {  	[sflag:s18] =	ssyncadd.s32 $0xFFFFC000  }
0x17e: {  	v5 =	vld [tilespmem:$0xB0];
	_ =	sdelay $0x4  }
0x17f: {  	v6 =	vshll.u32 v5, $0x3  }
0x180: {  	v5 =	vand.u32 $0x7, v5;
	v6 =	vand.u32 $0xFFFFFFC0, v6  }
0x181: {  	v5 =	vor.u32 v5, v6  }
0x182: {  	v6 =	vperm.xlane v5, v1;
	_ =	sdelay $0x1  }
0x183: {  	v6 =	vadd.s32 v2, v6;
	_ =	sdelay $0x3  }
0x184: {  	s22 =	simm.s32 $0x10400  }
0x185: {  	[tilespmem:s22], [sflag:$0x5] =	stream.indirect_vreg.gather [hbm4b:s2+s21], $0x80, v6, vm0, $0xb8;
	[tilespmem:$0x1C800] =	vst v63  }
0x186: {  	s23 =	simm.s32 $0x10C00;
	v5 =	vperm.xlane v5, v3  }
0x187: {  	[tilespmem:s23], [sflag:$0x5] =	stream.indirect_vreg.gather [hbm4b:s8+s21], $0x80, v6, vm0, $0xb8;
	[tilespmem:$0x1C800] =	vst v63  }
0x188: {  	s28 =	simm.s32 $0x11400;
	v5 =	vadd.s32 v2, v5  }
0x189: {  	[tilespmem:s28], [sflag:$0x5] =	stream.indirect_vreg.gather [hbm4b:s9+s21], $0x80, v6, vm0, $0xb8;
	[tilespmem:$0x1C800] =	vst v63  }
0x18a: {  	s29 =	simm.s32 $0x11C00  }
0x18b: {  	[tilespmem:s29], [sflag:$0x5] =	stream.indirect_vreg.gather [hbm4b:s10+s21], $0x80, v6, vm0, $0xb8;
	[tilespmem:$0x1C800] =	vst v63  }
0x18c: {  	s4 =	simm.s32 $0x12400  }
0x18d: {  	[tilespmem:s4], [sflag:$0x5] =	stream.indirect_vreg.gather [hbm4b:s2+s21], $0x80, v5, vm0, $0xb8;
	[tilespmem:$0x1C800] =	vst v63  }
0x18e: {  	s13 =	simm.s32 $0x12C00  }
0x18f: {  	[tilespmem:s13], [sflag:$0x5] =	stream.indirect_vreg.gather [hbm4b:s8+s21], $0x80, v5, vm0, $0xb8;
	[tilespmem:$0x1C800] =	vst v63  }
0x190: {  	s15 =	simm.s32 $0x13400  }
0x191: {  	[tilespmem:s15], [sflag:$0x5] =	stream.indirect_vreg.gather [hbm4b:s9+s21], $0x80, v5, vm0, $0xb8;
	[tilespmem:$0x1C800] =	vst v63  }
0x192: {  	s16 =	simm.s32 $0x13C00;
	s18 =	simm.s32 $0x1  }
0x193: {  	[tilespmem:s16], [sflag:$0x5] =	stream.indirect_vreg.gather [hbm4b:s10+s21], $0x80, v5, vm0, $0xb8;
	[tilespmem:$0x1C800] =	vst v63  }
0x194: {  	_ =	swait.ge [sflag:s18], $0x4000  }
0x195: {  	[sflag:s18] =	ssyncset.done $0x0  }
0x196: {  	s15 =	simm.s32 $0xD;
	s23 =	rddreg [dreg:$0xd];
	[sflag:s18] =	ssyncadd.s32 $0xFFFFC000  }
0x197: {  	[hbm4b:s23+s21] =	stream.linear.scatter [tilespmem:s11], [sflag:$0x8], $0x4000, $0x38;
	[tilespmem:$0x1C800] =	vst v63  }
0x198: {  	_ =	swait.ge [sflag:s15], $0x4000  }
0x199: {  	[sflag:s15] =	ssyncset.done $0x0  }
0x19a: {  	[sflag:s15] =	ssyncadd.s32 $0xFFFFC000  }
0x19b: {  	v5 =	vld [tilespmem:$0xC0];
	_ =	sdelay $0x4  }
0x19c: {  	v6 =	vshll.u32 v5, $0x3  }
0x19d: {  	v5 =	vand.u32 $0x7, v5;
	v6 =	vand.u32 $0xFFFFFFC0, v6  }
0x19e: {  	v5 =	vor.u32 v5, v6  }
0x19f: {  	v6 =	vperm.xlane v5, v1;
	_ =	sdelay $0x1  }
0x1a0: {  	v6 =	vadd.s32 v2, v6;
	_ =	sdelay $0x4  }
0x1a1: {  	[tilespmem:s17], [sflag:$0x6] =	stream.indirect_vreg.gather [hbm4b:s2+s21], $0x80, v6, vm0, $0xb8;
	[tilespmem:$0x1C800] =	vst v63  }
0x1a2: {  	s28 =	simm.s32 $0x14C00;
	v5 =	vperm.xlane v5, v3  }
0x1a3: {  	[tilespmem:s28], [sflag:$0x6] =	stream.indirect_vreg.gather [hbm4b:s8+s21], $0x80, v6, vm0, $0xb8;
	[tilespmem:$0x1C800] =	vst v63  }
0x1a4: {  	s4 =	simm.s32 $0x15400;
	v5 =	vadd.s32 v2, v5  }
0x1a5: {  	[tilespmem:s4], [sflag:$0x6] =	stream.indirect_vreg.gather [hbm4b:s9+s21], $0x80, v6, vm0, $0xb8;
	[tilespmem:$0x1C800] =	vst v63  }
0x1a6: {  	s13 =	simm.s32 $0x15C00  }
0x1a7: {  	[tilespmem:s13], [sflag:$0x6] =	stream.indirect_vreg.gather [hbm4b:s10+s21], $0x80, v6, vm0, $0xb8;
	[tilespmem:$0x1C800] =	vst v63  }
0x1a8: {  	s16 =	simm.s32 $0x16400  }
0x1a9: {  	[tilespmem:s16], [sflag:$0x6] =	stream.indirect_vreg.gather [hbm4b:s2+s21], $0x80, v5, vm0, $0xb8;
	[tilespmem:$0x1C800] =	vst v63  }
0x1aa: {  	s17 =	simm.s32 $0x16C00  }
0x1ab: {  	[tilespmem:s17], [sflag:$0x6] =	stream.indirect_vreg.gather [hbm4b:s8+s21], $0x80, v5, vm0, $0xb8;
	[tilespmem:$0x1C800] =	vst v63  }
0x1ac: {  	s18 =	simm.s32 $0x17400  }
0x1ad: {  	[tilespmem:s18], [sflag:$0x6] =	stream.indirect_vreg.gather [hbm4b:s9+s21], $0x80, v5, vm0, $0xb8;
	[tilespmem:$0x1C800] =	vst v63  }
0x1ae: {  	s23 =	simm.s32 $0x17C00;
	s28 =	simm.s32 $0x2  }
0x1af: {  	[tilespmem:s23], [sflag:$0x6] =	stream.indirect_vreg.gather [hbm4b:s10+s21], $0x80, v5, vm0, $0xb8;
	[tilespmem:$0x1C800] =	vst v63  }
0x1b0: {  	_ =	swait.ge [sflag:s28], $0x4000  }
0x1b1: {  	s13 =	simm.s32 $0x4400;
	[sflag:s28] =	ssyncset.done $0x0  }
0x1b2: {  	s17 =	simm.s32 $0xE;
	s0 =	rddreg [dreg:$0xe];
	[sflag:s28] =	ssyncadd.s32 $0xFFFFC000  }
0x1b3: {  	[hbm4b:s0+s21] =	stream.linear.scatter [tilespmem:s13], [sflag:$0x9], $0x4000, $0x38;
	[tilespmem:$0x1C800] =	vst v63  }
0x1b4: {  	_ =	swait.ge [sflag:s17], $0x4000  }
0x1b5: {  	[sflag:s17] =	ssyncset.done $0x0  }
0x1b6: {  	[sflag:s17] =	ssyncadd.s32 $0xFFFFC000  }
0x1b7: {  	v5 =	vld [tilespmem:$0xD0];
	_ =	sdelay $0x4  }
0x1b8: {  	v6 =	vshll.u32 v5, $0x3  }
0x1b9: {  	v5 =	vand.u32 $0x7, v5;
	v6 =	vand.u32 $0xFFFFFFC0, v6  }
0x1ba: {  	v5 =	vor.u32 v5, v6  }
0x1bb: {  	v6 =	vperm.xlane v5, v1;
	_ =	sdelay $0x1  }
0x1bc: {  	v6 =	vadd.s32 v2, v6;
	_ =	sdelay $0x4  }
0x1bd: {  	[tilespmem:s19], [sflag:$0x7] =	stream.indirect_vreg.gather [hbm4b:s2+s21], $0x80, v6, vm0, $0xb8;
	[tilespmem:$0x1C800] =	vst v63  }
0x1be: {  	s16 =	simm.s32 $0x18C00;
	v5 =	vperm.xlane v5, v3  }
0x1bf: {  	[tilespmem:s16], [sflag:$0x7] =	stream.indirect_vreg.gather [hbm4b:s8+s21], $0x80, v6, vm0, $0xb8;
	[tilespmem:$0x1C800] =	vst v63  }
0x1c0: {  	s18 =	simm.s32 $0x19400;
	v5 =	vadd.s32 v2, v5  }
0x1c1: {  	[tilespmem:s18], [sflag:$0x7] =	stream.indirect_vreg.gather [hbm4b:s9+s21], $0x80, v6, vm0, $0xb8;
	[tilespmem:$0x1C800] =	vst v63  }
0x1c2: {  	s19 =	simm.s32 $0x19C00  }
0x1c3: {  	[tilespmem:s19], [sflag:$0x7] =	stream.indirect_vreg.gather [hbm4b:s10+s21], $0x80, v6, vm0, $0xb8;
	[tilespmem:$0x1C800] =	vst v63  }
0x1c4: {  	s4 =	simm.s32 $0x1A400  }
0x1c5: {  	[tilespmem:s4], [sflag:$0x7] =	stream.indirect_vreg.gather [hbm4b:s2+s21], $0x80, v5, vm0, $0xb8;
	[tilespmem:$0x1C800] =	vst v63  }
0x1c6: {  	s16 =	simm.s32 $0x1AC00  }
0x1c7: {  	[tilespmem:s16], [sflag:$0x7] =	stream.indirect_vreg.gather [hbm4b:s8+s21], $0x80, v5, vm0, $0xb8;
	[tilespmem:$0x1C800] =	vst v63  }
0x1c8: {  	s18 =	simm.s32 $0x1B400  }
0x1c9: {  	[tilespmem:s18], [sflag:$0x7] =	stream.indirect_vreg.gather [hbm4b:s9+s21], $0x80, v5, vm0, $0xb8;
	[tilespmem:$0x1C800] =	vst v63  }
0x1ca: {  	s19 =	simm.s32 $0x1BC00  }
0x1cb: {  	[tilespmem:s19], [sflag:$0x7] =	stream.indirect_vreg.gather [hbm4b:s10+s21], $0x80, v5, vm0, $0xb8;
	[tilespmem:$0x1C800] =	vst v63  }
0x1cc: {  	_ =	swait.ge [sflag:s12], $0x4000  }
0x1cd: {  	[sflag:s12] =	ssyncset.done $0x0  }
0x1ce: {  	s18 =	simm.s32 $0x8400;
	s0 =	rddreg [dreg:$0xf];
	[sflag:s12] =	ssyncadd.s32 $0xFFFFC000  }
0x1cf: {  	[hbm4b:s0+s21] =	stream.linear.scatter [tilespmem:s18], [sflag:$0xA], $0x4000, $0x38;
	[tilespmem:$0x1C800] =	vst v63  }
0x1d0: {  	_ =	swait.ge [sflag:s7], $0x4000  }
0x1d1: {  	[sflag:s7] =	ssyncset.done $0x0  }
0x1d2: {  	[sflag:s7] =	ssyncadd.s32 $0xFFFFC000  }
0x1d3: {  	v5 =	vld [tilespmem:$0xE0];
	_ =	sdelay $0x4  }
0x1d4: {  	v6 =	vshll.u32 v5, $0x3  }
0x1d5: {  	v5 =	vand.u32 $0x7, v5;
	v6 =	vand.u32 $0xFFFFFFC0, v6  }
0x1d6: {  	v5 =	vor.u32 v5, v6  }
0x1d7: {  	v6 =	vperm.xlane v5, v1;
	_ =	sdelay $0x1  }
0x1d8: {  	v6 =	vadd.s32 v2, v6;
	_ =	sdelay $0x4  }
0x1d9: {  	[tilespmem:s11], [sflag:$0x1] =	stream.indirect_vreg.gather [hbm4b:s2+s21], $0x80, v6, vm0, $0xb8;
	[tilespmem:$0x1C800] =	vst v63  }
0x1da: {  	s28 =	simm.s32 $0xC00;
	v5 =	vperm.xlane v5, v3  }
0x1db: {  	[tilespmem:s28], [sflag:$0x1] =	stream.indirect_vreg.gather [hbm4b:s8+s21], $0x80, v6, vm0, $0xb8;
	[tilespmem:$0x1C800] =	vst v63  }
0x1dc: {  	s19 =	simm.s32 $0x1400;
	v5 =	vadd.s32 v2, v5  }
0x1dd: {  	[tilespmem:s19], [sflag:$0x1] =	stream.indirect_vreg.gather [hbm4b:s9+s21], $0x80, v6, vm0, $0xb8;
	[tilespmem:$0x1C800] =	vst v63  }
0x1de: {  	s29 =	simm.s32 $0x1C00  }
0x1df: {  	[tilespmem:s29], [sflag:$0x1] =	stream.indirect_vreg.gather [hbm4b:s10+s21], $0x80, v6, vm0, $0xb8;
	[tilespmem:$0x1C800] =	vst v63  }
0x1e0: {  	s23 =	simm.s32 $0x2400  }
0x1e1: {  	[tilespmem:s23], [sflag:$0x1] =	stream.indirect_vreg.gather [hbm4b:s2+s21], $0x80, v5, vm0, $0xb8;
	[tilespmem:$0x1C800] =	vst v63  }
0x1e2: {  	s16 =	simm.s32 $0x2C00  }
0x1e3: {  	[tilespmem:s16], [sflag:$0x1] =	stream.indirect_vreg.gather [hbm4b:s8+s21], $0x80, v5, vm0, $0xb8;
	[tilespmem:$0x1C800] =	vst v63  }
0x1e4: {  	s6 =	simm.s32 $0x3400  }
0x1e5: {  	[tilespmem:s6], [sflag:$0x1] =	stream.indirect_vreg.gather [hbm4b:s9+s21], $0x80, v5, vm0, $0xb8;
	[tilespmem:$0x1C800] =	vst v63  }
0x1e6: {  	s23 =	simm.s32 $0x3C00  }
0x1e7: {  	[tilespmem:s23], [sflag:$0x1] =	stream.indirect_vreg.gather [hbm4b:s10+s21], $0x80, v5, vm0, $0xb8;
	[tilespmem:$0x1C800] =	vst v63  }
0x1e8: {  	_ =	swait.ge [sflag:s14], $0x4000  }
0x1e9: {  	[sflag:s14] =	ssyncset.done $0x0  }
0x1ea: {  	s0 =	simm.s32 $0xC400;
	s28 =	rddreg [dreg:$0x10];
	[sflag:s14] =	ssyncadd.s32 $0xFFFFC000  }
0x1eb: {  	[hbm4b:s28+s21] =	stream.linear.scatter [tilespmem:s0], [sflag:$0xB], $0x4000, $0x38;
	[tilespmem:$0x1C800] =	vst v63  }
0x1ec: {  	_ =	swait.ge [sflag:s31], $0x4000  }
0x1ed: {  	[sflag:s31] =	ssyncset.done $0x0  }
0x1ee: {  	[sflag:s31] =	ssyncadd.s32 $0xFFFFC000  }
0x1ef: {  	v5 =	vld [tilespmem:$0xF0];
	_ =	sdelay $0x4  }
0x1f0: {  	v6 =	vshll.u32 v5, $0x3  }
0x1f1: {  	v5 =	vand.u32 $0x7, v5;
	v6 =	vand.u32 $0xFFFFFFC0, v6  }
0x1f2: {  	v5 =	vor.u32 v5, v6  }
0x1f3: {  	v6 =	vperm.xlane v5, v1;
	_ =	sdelay $0x1  }
0x1f4: {  	v6 =	vadd.s32 v2, v6;
	_ =	sdelay $0x4  }
0x1f5: {  	[tilespmem:s13], [sflag:$0x2] =	stream.indirect_vreg.gather [hbm4b:s2+s21], $0x80, v6, vm0, $0xb8;
	[tilespmem:$0x1C800] =	vst v63  }
0x1f6: {  	s29 =	simm.s32 $0x4C00;
	v5 =	vperm.xlane v5, v3  }
0x1f7: {  	[tilespmem:s29], [sflag:$0x2] =	stream.indirect_vreg.gather [hbm4b:s8+s21], $0x80, v6, vm0, $0xb8;
	[tilespmem:$0x1C800] =	vst v63  }
0x1f8: {  	s6 =	simm.s32 $0x5400;
	v5 =	vadd.s32 v2, v5  }
0x1f9: {  	[tilespmem:s6], [sflag:$0x2] =	stream.indirect_vreg.gather [hbm4b:s9+s21], $0x80, v6, vm0, $0xb8;
	[tilespmem:$0x1C800] =	vst v63  }
0x1fa: {  	s19 =	simm.s32 $0x5C00  }
0x1fb: {  	[tilespmem:s19], [sflag:$0x2] =	stream.indirect_vreg.gather [hbm4b:s10+s21], $0x80, v6, vm0, $0xb8;
	[tilespmem:$0x1C800] =	vst v63  }
0x1fc: {  	s23 =	simm.s32 $0x6400  }
0x1fd: {  	[tilespmem:s23], [sflag:$0x2] =	stream.indirect_vreg.gather [hbm4b:s2+s21], $0x80, v5, vm0, $0xb8;
	[tilespmem:$0x1C800] =	vst v63  }
0x1fe: {  	s28 =	simm.s32 $0x6C00  }
0x1ff: {  	[tilespmem:s28], [sflag:$0x2] =	stream.indirect_vreg.gather [hbm4b:s8+s21], $0x80, v5, vm0, $0xb8;
	[tilespmem:$0x1C800] =	vst v63  }
0x200: {  	s29 =	simm.s32 $0x7400  }
0x201: {  	[tilespmem:s29], [sflag:$0x2] =	stream.indirect_vreg.gather [hbm4b:s9+s21], $0x80, v5, vm0, $0xb8;
	[tilespmem:$0x1C800] =	vst v63  }
0x202: {  	s6 =	simm.s32 $0x7C00;
	s19 =	simm.s32 $0x5  }
0x203: {  	[tilespmem:s6], [sflag:$0x2] =	stream.indirect_vreg.gather [hbm4b:s10+s21], $0x80, v5, vm0, $0xb8;
	[tilespmem:$0x1C800] =	vst v63  }
0x204: {  	_ =	swait.ge [sflag:s19], $0x4000  }
0x205: {  	[sflag:s19] =	ssyncset.done $0x0  }
0x206: {  	s23 =	rddreg [dreg:$0x12];
	[sflag:s19] =	ssyncadd.s32 $0xFFFFC000  }
0x207: {  	[hbm4b:s23+s21] =	stream.linear.scatter [tilespmem:s22], [sflag:$0xC], $0x4000, $0x38;
	[tilespmem:$0x1C800] =	vst v63  }
0x208: {  	_ =	swait.ge [sflag:s30], $0x4000  }
0x209: {  	[sflag:s30] =	ssyncset.done $0x0  }
0x20a: {  	[sflag:s30] =	ssyncadd.s32 $0xFFFFC000  }
0x20b: {  	v5 =	vld [tilespmem:$0x100];
	_ =	sdelay $0x4  }
0x20c: {  	v6 =	vshll.u32 v5, $0x3  }
0x20d: {  	v5 =	vand.u32 $0x7, v5;
	v6 =	vand.u32 $0xFFFFFFC0, v6  }
0x20e: {  	v5 =	vor.u32 v5, v6  }
0x20f: {  	v6 =	vperm.xlane v5, v1;
	_ =	sdelay $0x1  }
0x210: {  	v6 =	vadd.s32 v2, v6;
	_ =	sdelay $0x4  }
0x211: {  	[tilespmem:s18], [sflag:$0x3] =	stream.indirect_vreg.gather [hbm4b:s2+s21], $0x80, v6, vm0, $0xb8;
	[tilespmem:$0x1C800] =	vst v63  }
0x212: {  	s29 =	simm.s32 $0x8C00;
	v5 =	vperm.xlane v5, v3  }
0x213: {  	[tilespmem:s29], [sflag:$0x3] =	stream.indirect_vreg.gather [hbm4b:s8+s21], $0x80, v6, vm0, $0xb8;
	[tilespmem:$0x1C800] =	vst v63  }
0x214: {  	s6 =	simm.s32 $0x9400;
	v5 =	vadd.s32 v2, v5  }
0x215: {  	[tilespmem:s6], [sflag:$0x3] =	stream.indirect_vreg.gather [hbm4b:s9+s21], $0x80, v6, vm0, $0xb8;
	[tilespmem:$0x1C800] =	vst v63  }
0x216: {  	s19 =	simm.s32 $0x9C00  }
0x217: {  	[tilespmem:s19], [sflag:$0x3] =	stream.indirect_vreg.gather [hbm4b:s10+s21], $0x80, v6, vm0, $0xb8;
	[tilespmem:$0x1C800] =	vst v63  }
0x218: {  	s23 =	simm.s32 $0xA400  }
0x219: {  	[tilespmem:s23], [sflag:$0x3] =	stream.indirect_vreg.gather [hbm4b:s2+s21], $0x80, v5, vm0, $0xb8;
	[tilespmem:$0x1C800] =	vst v63  }
0x21a: {  	s29 =	simm.s32 $0xAC00  }
0x21b: {  	[tilespmem:s29], [sflag:$0x3] =	stream.indirect_vreg.gather [hbm4b:s8+s21], $0x80, v5, vm0, $0xb8;
	[tilespmem:$0x1C800] =	vst v63  }
0x21c: {  	s6 =	simm.s32 $0xB400  }
0x21d: {  	[tilespmem:s6], [sflag:$0x3] =	stream.indirect_vreg.gather [hbm4b:s9+s21], $0x80, v5, vm0, $0xb8;
	[tilespmem:$0x1C800] =	vst v63  }
0x21e: {  	s19 =	simm.s32 $0xBC00  }
0x21f: {  	[tilespmem:s19], [sflag:$0x3] =	stream.indirect_vreg.gather [hbm4b:s10+s21], $0x80, v5, vm0, $0xb8;
	[tilespmem:$0x1C800] =	vst v63  }
0x220: {  	_ =	swait.ge [sflag:s20], $0x4000  }
0x221: {  	[sflag:s20] =	ssyncset.done $0x0  }
0x222: {  	s29 =	simm.s32 $0x14400;
	s23 =	rddreg [dreg:$0x14];
	[sflag:s20] =	ssyncadd.s32 $0xFFFFC000  }
0x223: {  	[hbm4b:s23+s21] =	stream.linear.scatter [tilespmem:s29], [sflag:$0xD], $0x4000, $0x38;
	[tilespmem:$0x1C800] =	vst v63  }
0x224: {  	_ =	swait.ge [sflag:s24], $0x4000  }
0x225: {  	[sflag:s24] =	ssyncset.done $0x0  }
0x226: {  	[sflag:s24] =	ssyncadd.s32 $0xFFFFC000  }
0x227: {  	v5 =	vld [tilespmem:$0x110];
	_ =	sdelay $0x4  }
0x228: {  	v6 =	vshll.u32 v5, $0x3  }
0x229: {  	v5 =	vand.u32 $0x7, v5;
	v6 =	vand.u32 $0xFFFFFFC0, v6  }
0x22a: {  	v5 =	vor.u32 v5, v6  }
0x22b: {  	v6 =	vperm.xlane v5, v1;
	_ =	sdelay $0x1  }
0x22c: {  	v6 =	vadd.s32 v2, v6;
	_ =	sdelay $0x4  }
0x22d: {  	[tilespmem:s0], [sflag:$0x4] =	stream.indirect_vreg.gather [hbm4b:s2+s21], $0x80, v6, vm0, $0xb8;
	[tilespmem:$0x1C800] =	vst v63  }
0x22e: {  	s6 =	simm.s32 $0xCC00;
	v5 =	vperm.xlane v5, v3  }
0x22f: {  	[tilespmem:s6], [sflag:$0x4] =	stream.indirect_vreg.gather [hbm4b:s8+s21], $0x80, v6, vm0, $0xb8;
	[tilespmem:$0x1C800] =	vst v63  }
0x230: {  	s23 =	simm.s32 $0xD400;
	v5 =	vadd.s32 v2, v5  }
0x231: {  	[tilespmem:s23], [sflag:$0x4] =	stream.indirect_vreg.gather [hbm4b:s9+s21], $0x80, v6, vm0, $0xb8;
	[tilespmem:$0x1C800] =	vst v63  }
0x232: {  	s4 =	simm.s32 $0xDC00  }
0x233: {  	[tilespmem:s4], [sflag:$0x4] =	stream.indirect_vreg.gather [hbm4b:s10+s21], $0x80, v6, vm0, $0xb8;
	[tilespmem:$0x1C800] =	vst v63  }
0x234: {  	s6 =	simm.s32 $0xE400  }
0x235: {  	[tilespmem:s6], [sflag:$0x4] =	stream.indirect_vreg.gather [hbm4b:s2+s21], $0x80, v5, vm0, $0xb8;
	[tilespmem:$0x1C800] =	vst v63  }
0x236: {  	s23 =	simm.s32 $0xEC00  }
0x237: {  	[tilespmem:s23], [sflag:$0x4] =	stream.indirect_vreg.gather [hbm4b:s8+s21], $0x80, v5, vm0, $0xb8;
	[tilespmem:$0x1C800] =	vst v63  }
0x238: {  	s4 =	simm.s32 $0xF400  }
0x239: {  	[tilespmem:s4], [sflag:$0x4] =	stream.indirect_vreg.gather [hbm4b:s9+s21], $0x80, v5, vm0, $0xb8;
	[tilespmem:$0x1C800] =	vst v63  }
0x23a: {  	s6 =	simm.s32 $0xFC00;
	s23 =	simm.s32 $0x7  }
0x23b: {  	[tilespmem:s6], [sflag:$0x4] =	stream.indirect_vreg.gather [hbm4b:s10+s21], $0x80, v5, vm0, $0xb8;
	[tilespmem:$0x1C800] =	vst v63  }
0x23c: {  	_ =	swait.ge [sflag:s23], $0x4000  }
0x23d: {  	s4 =	simm.s32 $0xC;
	[sflag:s23] =	ssyncset.done $0x0  }
0x23e: {  	s6 =	simm.s32 $0x18400;
	s0 =	rddreg [dreg:$0x15];
	[sflag:s23] =	ssyncadd.s32 $0xFFFFC000  }
0x23f: {  	[hbm4b:s0+s21] =	stream.linear.scatter [tilespmem:s6], [sflag:$0xE], $0x4000, $0x38;
	[tilespmem:$0x1C800] =	vst v63  }
0x240: {  	_ =	swait.ge [sflag:s4], $0x4000  }
0x241: {  	[sflag:s4] =	ssyncset.done $0x0  }
0x242: {  	[sflag:s4] =	ssyncadd.s32 $0xFFFFC000  }
0x243: {  	v5 =	vld [tilespmem:$0x120];
	_ =	sdelay $0x4  }
0x244: {  	v6 =	vshll.u32 v5, $0x3  }
0x245: {  	v5 =	vand.u32 $0x7, v5;
	v6 =	vand.u32 $0xFFFFFFC0, v6  }
0x246: {  	v5 =	vor.u32 v5, v6  }
0x247: {  	v6 =	vperm.xlane v5, v1;
	_ =	sdelay $0x1  }
0x248: {  	v6 =	vadd.s32 v2, v6;
	_ =	sdelay $0x4  }
0x249: {  	[tilespmem:s22], [sflag:$0x5] =	stream.indirect_vreg.gather [hbm4b:s2+s21], $0x80, v6, vm0, $0xb8;
	[tilespmem:$0x1C800] =	vst v63  }
0x24a: {  	s4 =	simm.s32 $0x10C00;
	v5 =	vperm.xlane v5, v3  }
0x24b: {  	[tilespmem:s4], [sflag:$0x5] =	stream.indirect_vreg.gather [hbm4b:s8+s21], $0x80, v6, vm0, $0xb8;
	[tilespmem:$0x1C800] =	vst v63  }
0x24c: {  	v5 =	vadd.s32 v2, v5;
	s22 =	simm.s32 $0x11400  }
0x24d: {  	[tilespmem:s22], [sflag:$0x5] =	stream.indirect_vreg.gather [hbm4b:s9+s21], $0x80, v6, vm0, $0xb8;
	[tilespmem:$0x1C800] =	vst v63  }
0x24e: {  	s4 =	simm.s32 $0x11C00  }
0x24f: {  	[tilespmem:s4], [sflag:$0x5] =	stream.indirect_vreg.gather [hbm4b:s10+s21], $0x80, v6, vm0, $0xb8;
	[tilespmem:$0x1C800] =	vst v63  }
0x250: {  	s22 =	simm.s32 $0x12400  }
0x251: {  	[tilespmem:s22], [sflag:$0x5] =	stream.indirect_vreg.gather [hbm4b:s2+s21], $0x80, v5, vm0, $0xb8;
	[tilespmem:$0x1C800] =	vst v63  }
0x252: {  	s4 =	simm.s32 $0x12C00  }
0x253: {  	[tilespmem:s4], [sflag:$0x5] =	stream.indirect_vreg.gather [hbm4b:s8+s21], $0x80, v5, vm0, $0xb8;
	[tilespmem:$0x1C800] =	vst v63  }
0x254: {  	s22 =	simm.s32 $0x13400  }
0x255: {  	[tilespmem:s22], [sflag:$0x5] =	stream.indirect_vreg.gather [hbm4b:s9+s21], $0x80, v5, vm0, $0xb8;
	[tilespmem:$0x1C800] =	vst v63  }
0x256: {  	s4 =	simm.s32 $0x13C00;
	s22 =	simm.s32 $0x1  }
0x257: {  	[tilespmem:s4], [sflag:$0x5] =	stream.indirect_vreg.gather [hbm4b:s10+s21], $0x80, v5, vm0, $0xb8;
	[tilespmem:$0x1C800] =	vst v63  }
0x258: {  	_ =	swait.ge [sflag:s22], $0x4000  }
0x259: {  	[sflag:s22] =	ssyncset.done $0x0  }
0x25a: {  	s0 =	rddreg [dreg:$0x16];
	[sflag:s22] =	ssyncadd.s32 $0xFFFFC000  }
0x25b: {  	[hbm4b:s0+s21] =	stream.linear.scatter [tilespmem:s11], [sflag:$0x8], $0x4000, $0x38;
	[tilespmem:$0x1C800] =	vst v63  }
0x25c: {  	_ =	swait.ge [sflag:s15], $0x4000  }
0x25d: {  	[sflag:s15] =	ssyncset.done $0x0  }
0x25e: {  	[sflag:s15] =	ssyncadd.s32 $0xFFFFC000  }
0x25f: {  	v5 =	vld [tilespmem:$0x130];
	_ =	sdelay $0x4  }
0x260: {  	v6 =	vshll.u32 v5, $0x3  }
0x261: {  	v5 =	vand.u32 $0x7, v5;
	v6 =	vand.u32 $0xFFFFFFC0, v6  }
0x262: {  	v5 =	vor.u32 v5, v6  }
0x263: {  	v6 =	vperm.xlane v5, v1;
	_ =	sdelay $0x1  }
0x264: {  	v6 =	vadd.s32 v2, v6;
	_ =	sdelay $0x4  }
0x265: {  	[tilespmem:s29], [sflag:$0x6] =	stream.indirect_vreg.gather [hbm4b:s2+s21], $0x80, v6, vm0, $0xb8;
	[tilespmem:$0x1C800] =	vst v63  }
0x266: {  	s22 =	simm.s32 $0x14C00;
	v5 =	vperm.xlane v5, v3  }
0x267: {  	[tilespmem:s22], [sflag:$0x6] =	stream.indirect_vreg.gather [hbm4b:s8+s21], $0x80, v6, vm0, $0xb8;
	[tilespmem:$0x1C800] =	vst v63  }
0x268: {  	v5 =	vadd.s32 v2, v5;
	s29 =	simm.s32 $0x15400  }
0x269: {  	[tilespmem:s29], [sflag:$0x6] =	stream.indirect_vreg.gather [hbm4b:s9+s21], $0x80, v6, vm0, $0xb8;
	[tilespmem:$0x1C800] =	vst v63  }
0x26a: {  	s4 =	simm.s32 $0x15C00  }
0x26b: {  	[tilespmem:s4], [sflag:$0x6] =	stream.indirect_vreg.gather [hbm4b:s10+s21], $0x80, v6, vm0, $0xb8;
	[tilespmem:$0x1C800] =	vst v63  }
0x26c: {  	s22 =	simm.s32 $0x16400  }
0x26d: {  	[tilespmem:s22], [sflag:$0x6] =	stream.indirect_vreg.gather [hbm4b:s2+s21], $0x80, v5, vm0, $0xb8;
	[tilespmem:$0x1C800] =	vst v63  }
0x26e: {  	s29 =	simm.s32 $0x16C00  }
0x26f: {  	[tilespmem:s29], [sflag:$0x6] =	stream.indirect_vreg.gather [hbm4b:s8+s21], $0x80, v5, vm0, $0xb8;
	[tilespmem:$0x1C800] =	vst v63  }
0x270: {  	s4 =	simm.s32 $0x17400  }
0x271: {  	[tilespmem:s4], [sflag:$0x6] =	stream.indirect_vreg.gather [hbm4b:s9+s21], $0x80, v5, vm0, $0xb8;
	[tilespmem:$0x1C800] =	vst v63  }
0x272: {  	s22 =	simm.s32 $0x17C00;
	s29 =	simm.s32 $0x2  }
0x273: {  	[tilespmem:s22], [sflag:$0x6] =	stream.indirect_vreg.gather [hbm4b:s10+s21], $0x80, v5, vm0, $0xb8;
	[tilespmem:$0x1C800] =	vst v63  }
0x274: {  	_ =	swait.ge [sflag:s29], $0x4000  }
0x275: {  	[sflag:s29] =	ssyncset.done $0x0  }
0x276: {  	s13 =	simm.s32 $0x4400;
	s0 =	rddreg [dreg:$0x17];
	[sflag:s29] =	ssyncadd.s32 $0xFFFFC000  }
0x277: {  	[hbm4b:s0+s21] =	stream.linear.scatter [tilespmem:s13], [sflag:$0x9], $0x4000, $0x38;
	[tilespmem:$0x1C800] =	vst v63  }
0x278: {  	_ =	swait.ge [sflag:s17], $0x4000  }
0x279: {  	[sflag:s17] =	ssyncset.done $0x0  }
0x27a: {  	[sflag:s17] =	ssyncadd.s32 $0xFFFFC000  }
0x27b: {  	v5 =	vld [tilespmem:$0x140];
	_ =	sdelay $0x4  }
0x27c: {  	v6 =	vshll.u32 v5, $0x3  }
0x27d: {  	v5 =	vand.u32 $0x7, v5;
	v6 =	vand.u32 $0xFFFFFFC0, v6  }
0x27e: {  	v5 =	vor.u32 v5, v6  }
0x27f: {  	v6 =	vperm.xlane v5, v1;
	_ =	sdelay $0x1  }
0x280: {  	v6 =	vadd.s32 v2, v6;
	_ =	sdelay $0x4  }
0x281: {  	[tilespmem:s6], [sflag:$0x7] =	stream.indirect_vreg.gather [hbm4b:s2+s21], $0x80, v6, vm0, $0xb8;
	[tilespmem:$0x1C800] =	vst v63  }
0x282: {  	s22 =	simm.s32 $0x18C00;
	v5 =	vperm.xlane v5, v3  }
0x283: {  	[tilespmem:s22], [sflag:$0x7] =	stream.indirect_vreg.gather [hbm4b:s8+s21], $0x80, v6, vm0, $0xb8;
	[tilespmem:$0x1C800] =	vst v63  }
0x284: {  	s4 =	simm.s32 $0x19400;
	v5 =	vadd.s32 v2, v5  }
0x285: {  	[tilespmem:s4], [sflag:$0x7] =	stream.indirect_vreg.gather [hbm4b:s9+s21], $0x80, v6, vm0, $0xb8;
	[tilespmem:$0x1C800] =	vst v63  }
0x286: {  	s6 =	simm.s32 $0x19C00  }
0x287: {  	[tilespmem:s6], [sflag:$0x7] =	stream.indirect_vreg.gather [hbm4b:s10+s21], $0x80, v6, vm0, $0xb8;
	[tilespmem:$0x1C800] =	vst v63  }
0x288: {  	s22 =	simm.s32 $0x1A400  }
0x289: {  	[tilespmem:s22], [sflag:$0x7] =	stream.indirect_vreg.gather [hbm4b:s2+s21], $0x80, v5, vm0, $0xb8;
	[tilespmem:$0x1C800] =	vst v63  }
0x28a: {  	s4 =	simm.s32 $0x1AC00  }
0x28b: {  	[tilespmem:s4], [sflag:$0x7] =	stream.indirect_vreg.gather [hbm4b:s8+s21], $0x80, v5, vm0, $0xb8;
	[tilespmem:$0x1C800] =	vst v63  }
0x28c: {  	s6 =	simm.s32 $0x1B400  }
0x28d: {  	[tilespmem:s6], [sflag:$0x7] =	stream.indirect_vreg.gather [hbm4b:s9+s21], $0x80, v5, vm0, $0xb8;
	[tilespmem:$0x1C800] =	vst v63  }
0x28e: {  	s22 =	simm.s32 $0x1BC00  }
0x28f: {  	[tilespmem:s22], [sflag:$0x7] =	stream.indirect_vreg.gather [hbm4b:s10+s21], $0x80, v5, vm0, $0xb8;
	[tilespmem:$0x1C800] =	vst v63  }
0x290: {  	_ =	swait.ge [sflag:s12], $0x4000  }
0x291: {  	[sflag:s12] =	ssyncset.done $0x0  }
0x292: {  	s18 =	simm.s32 $0x8400;
	s0 =	rddreg [dreg:$0x18];
	[sflag:s12] =	ssyncadd.s32 $0xFFFFC000  }
0x293: {  	[hbm4b:s0+s21] =	stream.linear.scatter [tilespmem:s18], [sflag:$0xA], $0x4000, $0x38;
	[tilespmem:$0x1C800] =	vst v63  }
0x294: {  	_ =	swait.ge [sflag:s7], $0x4000  }
0x295: {  	[sflag:s7] =	ssyncset.done $0x0  }
0x296: {  	[sflag:s7] =	ssyncadd.s32 $0xFFFFC000  }
0x297: {  	v5 =	vld [tilespmem:$0x150];
	_ =	sdelay $0x4  }
0x298: {  	v6 =	vshll.u32 v5, $0x3  }
0x299: {  	v5 =	vand.u32 $0x7, v5;
	v6 =	vand.u32 $0xFFFFFFC0, v6  }
0x29a: {  	v5 =	vor.u32 v5, v6  }
0x29b: {  	v6 =	vperm.xlane v5, v1;
	_ =	sdelay $0x1  }
0x29c: {  	v6 =	vadd.s32 v2, v6;
	_ =	sdelay $0x4  }
0x29d: {  	[tilespmem:s11], [sflag:$0x1] =	stream.indirect_vreg.gather [hbm4b:s2+s21], $0x80, v6, vm0, $0xb8;
	[tilespmem:$0x1C800] =	vst v63  }
0x29e: {  	s4 =	simm.s32 $0xC00;
	v5 =	vperm.xlane v5, v3  }
0x29f: {  	[tilespmem:s4], [sflag:$0x1] =	stream.indirect_vreg.gather [hbm4b:s8+s21], $0x80, v6, vm0, $0xb8;
	[tilespmem:$0x1C800] =	vst v63  }
0x2a0: {  	s6 =	simm.s32 $0x1400;
	v5 =	vadd.s32 v2, v5  }
0x2a1: {  	[tilespmem:s6], [sflag:$0x1] =	stream.indirect_vreg.gather [hbm4b:s9+s21], $0x80, v6, vm0, $0xb8;
	[tilespmem:$0x1C800] =	vst v63  }
0x2a2: {  	s22 =	simm.s32 $0x1C00  }
0x2a3: {  	[tilespmem:s22], [sflag:$0x1] =	stream.indirect_vreg.gather [hbm4b:s10+s21], $0x80, v6, vm0, $0xb8;
	[tilespmem:$0x1C800] =	vst v63  }
0x2a4: {  	s4 =	simm.s32 $0x2400  }
0x2a5: {  	[tilespmem:s4], [sflag:$0x1] =	stream.indirect_vreg.gather [hbm4b:s2+s21], $0x80, v5, vm0, $0xb8;
	[tilespmem:$0x1C800] =	vst v63  }
0x2a6: {  	_ = 	snop  }
0x2a7: {  	[tilespmem:s16], [sflag:$0x1] =	stream.indirect_vreg.gather [hbm4b:s8+s21], $0x80, v5, vm0, $0xb8;
	[tilespmem:$0x1C800] =	vst v63  }
0x2a8: {  	s6 =	simm.s32 $0x3400  }
0x2a9: {  	[tilespmem:s6], [sflag:$0x1] =	stream.indirect_vreg.gather [hbm4b:s9+s21], $0x80, v5, vm0, $0xb8;
	[tilespmem:$0x1C800] =	vst v63  }
0x2aa: {  	s22 =	simm.s32 $0x3C00  }
0x2ab: {  	[tilespmem:s22], [sflag:$0x1] =	stream.indirect_vreg.gather [hbm4b:s10+s21], $0x80, v5, vm0, $0xb8;
	[tilespmem:$0x1C800] =	vst v63  }
0x2ac: {  	_ =	swait.ge [sflag:s14], $0x4000  }
0x2ad: {  	[sflag:s14] =	ssyncset.done $0x0  }
0x2ae: {  	s19 =	simm.s32 $0xC400;
	s0 =	rddreg [dreg:$0x19];
	[sflag:s14] =	ssyncadd.s32 $0xFFFFC000  }
0x2af: {  	[hbm4b:s0+s21] =	stream.linear.scatter [tilespmem:s19], [sflag:$0xB], $0x4000, $0x38;
	[tilespmem:$0x1C800] =	vst v63  }
0x2b0: {  	_ =	swait.ge [sflag:s31], $0x4000  }
0x2b1: {  	[sflag:s31] =	ssyncset.done $0x0  }
0x2b2: {  	[sflag:s31] =	ssyncadd.s32 $0xFFFFC000  }
0x2b3: {  	v5 =	vld [tilespmem:$0x160];
	_ =	sdelay $0x4  }
0x2b4: {  	v6 =	vshll.u32 v5, $0x3  }
0x2b5: {  	v5 =	vand.u32 $0x7, v5;
	v6 =	vand.u32 $0xFFFFFFC0, v6  }
0x2b6: {  	v5 =	vor.u32 v5, v6  }
0x2b7: {  	v6 =	vperm.xlane v5, v1;
	_ =	sdelay $0x1  }
0x2b8: {  	v6 =	vadd.s32 v2, v6;
	_ =	sdelay $0x4  }
0x2b9: {  	[tilespmem:s13], [sflag:$0x2] =	stream.indirect_vreg.gather [hbm4b:s2+s21], $0x80, v6, vm0, $0xb8;
	[tilespmem:$0x1C800] =	vst v63  }
0x2ba: {  	s4 =	simm.s32 $0x4C00;
	v5 =	vperm.xlane v5, v3  }
0x2bb: {  	[tilespmem:s4], [sflag:$0x2] =	stream.indirect_vreg.gather [hbm4b:s8+s21], $0x80, v6, vm0, $0xb8;
	[tilespmem:$0x1C800] =	vst v63  }
0x2bc: {  	s6 =	simm.s32 $0x5400;
	v5 =	vadd.s32 v2, v5  }
0x2bd: {  	[tilespmem:s6], [sflag:$0x2] =	stream.indirect_vreg.gather [hbm4b:s9+s21], $0x80, v6, vm0, $0xb8;
	[tilespmem:$0x1C800] =	vst v63  }
0x2be: {  	s13 =	simm.s32 $0x5C00  }
0x2bf: {  	[tilespmem:s13], [sflag:$0x2] =	stream.indirect_vreg.gather [hbm4b:s10+s21], $0x80, v6, vm0, $0xb8;
	[tilespmem:$0x1C800] =	vst v63  }
0x2c0: {  	s22 =	simm.s32 $0x6400  }
0x2c1: {  	[tilespmem:s22], [sflag:$0x2] =	stream.indirect_vreg.gather [hbm4b:s2+s21], $0x80, v5, vm0, $0xb8;
	[tilespmem:$0x1C800] =	vst v63  }
0x2c2: {  	s0 =	simm.s32 $0x6C00  }
0x2c3: {  	[tilespmem:s0], [sflag:$0x2] =	stream.indirect_vreg.gather [hbm4b:s8+s21], $0x80, v5, vm0, $0xb8;
	[tilespmem:$0x1C800] =	vst v63  }
0x2c4: {  	s6 =	simm.s32 $0x7400  }
0x2c5: {  	[tilespmem:s6], [sflag:$0x2] =	stream.indirect_vreg.gather [hbm4b:s9+s21], $0x80, v5, vm0, $0xb8;
	[tilespmem:$0x1C800] =	vst v63  }
0x2c6: {  	s28 =	simm.s32 $0x5;
	s13 =	simm.s32 $0x7C00  }
0x2c7: {  	[tilespmem:s13], [sflag:$0x2] =	stream.indirect_vreg.gather [hbm4b:s10+s21], $0x80, v5, vm0, $0xb8;
	[tilespmem:$0x1C800] =	vst v63  }
0x2c8: {  	_ =	swait.ge [sflag:s28], $0x4000  }
0x2c9: {  	[sflag:s28] =	ssyncset.done $0x0  }
0x2ca: {  	s13 =	simm.s32 $0x10400;
	s22 =	rddreg [dreg:$0x1a];
	[sflag:s28] =	ssyncadd.s32 $0xFFFFC000  }
0x2cb: {  	[hbm4b:s22+s21] =	stream.linear.scatter [tilespmem:s13], [sflag:$0xC], $0x4000, $0x38;
	[tilespmem:$0x1C800] =	vst v63  }
0x2cc: {  	_ =	swait.ge [sflag:s30], $0x4000  }
0x2cd: {  	[sflag:s30] =	ssyncset.done $0x0  }
0x2ce: {  	[sflag:s30] =	ssyncadd.s32 $0xFFFFC000  }
0x2cf: {  	v5 =	vld [tilespmem:$0x170];
	_ =	sdelay $0x4  }
0x2d0: {  	v6 =	vshll.u32 v5, $0x3  }
0x2d1: {  	v5 =	vand.u32 $0x7, v5;
	v6 =	vand.u32 $0xFFFFFFC0, v6  }
0x2d2: {  	v5 =	vor.u32 v5, v6  }
0x2d3: {  	v6 =	vperm.xlane v5, v1;
	_ =	sdelay $0x1  }
0x2d4: {  	v6 =	vadd.s32 v2, v6;
	_ =	sdelay $0x4  }
0x2d5: {  	[tilespmem:s18], [sflag:$0x3] =	stream.indirect_vreg.gather [hbm4b:s2+s21], $0x80, v6, vm0, $0xb8;
	[tilespmem:$0x1C800] =	vst v63  }
0x2d6: {  	s0 =	simm.s32 $0x8C00;
	v5 =	vperm.xlane v5, v3  }
0x2d7: {  	[tilespmem:s0], [sflag:$0x3] =	stream.indirect_vreg.gather [hbm4b:s8+s21], $0x80, v6, vm0, $0xb8;
	[tilespmem:$0x1C800] =	vst v63  }
0x2d8: {  	s4 =	simm.s32 $0x9400;
	v5 =	vadd.s32 v2, v5  }
0x2d9: {  	[tilespmem:s4], [sflag:$0x3] =	stream.indirect_vreg.gather [hbm4b:s9+s21], $0x80, v6, vm0, $0xb8;
	[tilespmem:$0x1C800] =	vst v63  }
0x2da: {  	s6 =	simm.s32 $0x9C00  }
0x2db: {  	[tilespmem:s6], [sflag:$0x3] =	stream.indirect_vreg.gather [hbm4b:s10+s21], $0x80, v6, vm0, $0xb8;
	[tilespmem:$0x1C800] =	vst v63  }
0x2dc: {  	s18 =	simm.s32 $0xA400  }
0x2dd: {  	[tilespmem:s18], [sflag:$0x3] =	stream.indirect_vreg.gather [hbm4b:s2+s21], $0x80, v5, vm0, $0xb8;
	[tilespmem:$0x1C800] =	vst v63  }
0x2de: {  	s22 =	simm.s32 $0xAC00  }
0x2df: {  	[tilespmem:s22], [sflag:$0x3] =	stream.indirect_vreg.gather [hbm4b:s8+s21], $0x80, v5, vm0, $0xb8;
	[tilespmem:$0x1C800] =	vst v63  }
0x2e0: {  	s0 =	simm.s32 $0xB400  }
0x2e1: {  	[tilespmem:s0], [sflag:$0x3] =	stream.indirect_vreg.gather [hbm4b:s9+s21], $0x80, v5, vm0, $0xb8;
	[tilespmem:$0x1C800] =	vst v63  }
0x2e2: {  	s6 =	simm.s32 $0xBC00  }
0x2e3: {  	[tilespmem:s6], [sflag:$0x3] =	stream.indirect_vreg.gather [hbm4b:s10+s21], $0x80, v5, vm0, $0xb8;
	[tilespmem:$0x1C800] =	vst v63  }
0x2e4: {  	_ =	swait.ge [sflag:s20], $0x4000  }
0x2e5: {  	[sflag:s20] =	ssyncset.done $0x0  }
0x2e6: {  	s6 =	simm.s32 $0x14400;
	s18 =	rddreg [dreg:$0x1b];
	[sflag:s20] =	ssyncadd.s32 $0xFFFFC000  }
0x2e7: {  	[hbm4b:s18+s21] =	stream.linear.scatter [tilespmem:s6], [sflag:$0xD], $0x4000, $0x38;
	[tilespmem:$0x1C800] =	vst v63  }
0x2e8: {  	_ =	swait.ge [sflag:s24], $0x4000  }
0x2e9: {  	[sflag:s24] =	ssyncset.done $0x0  }
0x2ea: {  	[sflag:s24] =	ssyncadd.s32 $0xFFFFC000  }
0x2eb: {  	v5 =	vld [tilespmem:$0x180];
	_ =	sdelay $0x4  }
0x2ec: {  	v6 =	vshll.u32 v5, $0x3  }
0x2ed: {  	v5 =	vand.u32 $0x7, v5;
	v6 =	vand.u32 $0xFFFFFFC0, v6  }
0x2ee: {  	v5 =	vor.u32 v5, v6  }
0x2ef: {  	v6 =	vperm.xlane v5, v1;
	_ =	sdelay $0x1  }
0x2f0: {  	v6 =	vadd.s32 v2, v6;
	_ =	sdelay $0x4  }
0x2f1: {  	[tilespmem:s19], [sflag:$0x4] =	stream.indirect_vreg.gather [hbm4b:s2+s21], $0x80, v6, vm0, $0xb8;
	[tilespmem:$0x1C800] =	vst v63  }
0x2f2: {  	v5 =	vperm.xlane v5, v3;
	s19 =	simm.s32 $0xCC00  }
0x2f3: {  	[tilespmem:s19], [sflag:$0x4] =	stream.indirect_vreg.gather [hbm4b:s8+s21], $0x80, v6, vm0, $0xb8;
	[tilespmem:$0x1C800] =	vst v63  }
0x2f4: {  	s22 =	simm.s32 $0xD400;
	v5 =	vadd.s32 v2, v5  }
0x2f5: {  	[tilespmem:s22], [sflag:$0x4] =	stream.indirect_vreg.gather [hbm4b:s9+s21], $0x80, v6, vm0, $0xb8;
	[tilespmem:$0x1C800] =	vst v63  }
0x2f6: {  	s0 =	simm.s32 $0xDC00  }
0x2f7: {  	[tilespmem:s0], [sflag:$0x4] =	stream.indirect_vreg.gather [hbm4b:s10+s21], $0x80, v6, vm0, $0xb8;
	[tilespmem:$0x1C800] =	vst v63  }
0x2f8: {  	s18 =	simm.s32 $0xE400  }
0x2f9: {  	[tilespmem:s18], [sflag:$0x4] =	stream.indirect_vreg.gather [hbm4b:s2+s21], $0x80, v5, vm0, $0xb8;
	[tilespmem:$0x1C800] =	vst v63  }
0x2fa: {  	s19 =	simm.s32 $0xEC00  }
0x2fb: {  	[tilespmem:s19], [sflag:$0x4] =	stream.indirect_vreg.gather [hbm4b:s8+s21], $0x80, v5, vm0, $0xb8;
	[tilespmem:$0x1C800] =	vst v63  }
0x2fc: {  	s22 =	simm.s32 $0xF400  }
0x2fd: {  	[tilespmem:s22], [sflag:$0x4] =	stream.indirect_vreg.gather [hbm4b:s9+s21], $0x80, v5, vm0, $0xb8;
	[tilespmem:$0x1C800] =	vst v63  }
0x2fe: {  	s23 =	simm.s32 $0x7;
	s0 =	simm.s32 $0xFC00  }
0x2ff: {  	[tilespmem:s0], [sflag:$0x4] =	stream.indirect_vreg.gather [hbm4b:s10+s21], $0x80, v5, vm0, $0xb8;
	[tilespmem:$0x1C800] =	vst v63  }
0x300: {  	_ =	swait.ge [sflag:s23], $0x4000  }
0x301: {  	s19 =	simm.s32 $0xC;
	[sflag:s23] =	ssyncset.done $0x0  }
0x302: {  	s22 =	simm.s32 $0x18400;
	s18 =	rddreg [dreg:$0x1c];
	[sflag:s23] =	ssyncadd.s32 $0xFFFFC000  }
0x303: {  	[hbm4b:s18+s21] =	stream.linear.scatter [tilespmem:s22], [sflag:$0xE], $0x4000, $0x38;
	[tilespmem:$0x1C800] =	vst v63  }
0x304: {  	_ =	swait.ge [sflag:s19], $0x4000  }
0x305: {  	[sflag:s19] =	ssyncset.done $0x0  }
0x306: {  	[sflag:s19] =	ssyncadd.s32 $0xFFFFC000  }
0x307: {  	v5 =	vld [tilespmem:$0x190];
	_ =	sdelay $0x4  }
0x308: {  	v6 =	vshll.u32 v5, $0x3  }
0x309: {  	v5 =	vand.u32 $0x7, v5;
	v6 =	vand.u32 $0xFFFFFFC0, v6  }
0x30a: {  	v5 =	vor.u32 v5, v6  }
0x30b: {  	v6 =	vperm.xlane v5, v1;
	_ =	sdelay $0x1  }
0x30c: {  	v6 =	vadd.s32 v2, v6;
	_ =	sdelay $0x4  }
0x30d: {  	[tilespmem:s13], [sflag:$0x5] =	stream.indirect_vreg.gather [hbm4b:s2+s21], $0x80, v6, vm0, $0xb8;
	[tilespmem:$0x1C800] =	vst v63  }
0x30e: {  	s4 =	simm.s32 $0x10C00;
	v5 =	vperm.xlane v5, v3  }
0x30f: {  	[tilespmem:s4], [sflag:$0x5] =	stream.indirect_vreg.gather [hbm4b:s8+s21], $0x80, v6, vm0, $0xb8;
	[tilespmem:$0x1C800] =	vst v63  }
0x310: {  	v5 =	vadd.s32 v2, v5;
	s13 =	simm.s32 $0x11400  }
0x311: {  	[tilespmem:s13], [sflag:$0x5] =	stream.indirect_vreg.gather [hbm4b:s9+s21], $0x80, v6, vm0, $0xb8;
	[tilespmem:$0x1C800] =	vst v63  }
0x312: {  	s4 =	simm.s32 $0x11C00  }
0x313: {  	[tilespmem:s4], [sflag:$0x5] =	stream.indirect_vreg.gather [hbm4b:s10+s21], $0x80, v6, vm0, $0xb8;
	[tilespmem:$0x1C800] =	vst v63  }
0x314: {  	s13 =	simm.s32 $0x12400  }
0x315: {  	[tilespmem:s13], [sflag:$0x5] =	stream.indirect_vreg.gather [hbm4b:s2+s21], $0x80, v5, vm0, $0xb8;
	[tilespmem:$0x1C800] =	vst v63  }
0x316: {  	s4 =	simm.s32 $0x12C00  }
0x317: {  	[tilespmem:s4], [sflag:$0x5] =	stream.indirect_vreg.gather [hbm4b:s8+s21], $0x80, v5, vm0, $0xb8;
	[tilespmem:$0x1C800] =	vst v63  }
0x318: {  	s13 =	simm.s32 $0x13400  }
0x319: {  	[tilespmem:s13], [sflag:$0x5] =	stream.indirect_vreg.gather [hbm4b:s9+s21], $0x80, v5, vm0, $0xb8;
	[tilespmem:$0x1C800] =	vst v63  }
0x31a: {  	s4 =	simm.s32 $0x13C00;
	s13 =	simm.s32 $0x1  }
0x31b: {  	[tilespmem:s4], [sflag:$0x5] =	stream.indirect_vreg.gather [hbm4b:s10+s21], $0x80, v5, vm0, $0xb8;
	[tilespmem:$0x1C800] =	vst v63  }
0x31c: {  	_ =	swait.ge [sflag:s13], $0x4000  }
0x31d: {  	[sflag:s13] =	ssyncset.done $0x0  }
0x31e: {  	s0 =	rddreg [dreg:$0x1d];
	[sflag:s13] =	ssyncadd.s32 $0xFFFFC000  }
0x31f: {  	[hbm4b:s0+s21] =	stream.linear.scatter [tilespmem:s11], [sflag:$0x8], $0x4000, $0x38;
	[tilespmem:$0x1C800] =	vst v63  }
0x320: {  	_ =	swait.ge [sflag:s15], $0x4000  }
0x321: {  	[sflag:s15] =	ssyncset.done $0x0  }
0x322: {  	[sflag:s15] =	ssyncadd.s32 $0xFFFFC000  }
0x323: {  	v5 =	vld [tilespmem:$0x1A0];
	_ =	sdelay $0x4  }
0x324: {  	v6 =	vshll.u32 v5, $0x3  }
0x325: {  	v5 =	vand.u32 $0x7, v5;
	v6 =	vand.u32 $0xFFFFFFC0, v6  }
0x326: {  	v5 =	vor.u32 v5, v6  }
0x327: {  	v6 =	vperm.xlane v5, v1;
	_ =	sdelay $0x1  }
0x328: {  	v6 =	vadd.s32 v2, v6;
	_ =	sdelay $0x4  }
0x329: {  	[tilespmem:s6], [sflag:$0x6] =	stream.indirect_vreg.gather [hbm4b:s2+s21], $0x80, v6, vm0, $0xb8;
	[tilespmem:$0x1C800] =	vst v63  }
0x32a: {  	v5 =	vperm.xlane v5, v3;
	s6 =	simm.s32 $0x14C00  }
0x32b: {  	[tilespmem:s6], [sflag:$0x6] =	stream.indirect_vreg.gather [hbm4b:s8+s21], $0x80, v6, vm0, $0xb8;
	[tilespmem:$0x1C800] =	vst v63  }
0x32c: {  	s4 =	simm.s32 $0x15400;
	v5 =	vadd.s32 v2, v5  }
0x32d: {  	[tilespmem:s4], [sflag:$0x6] =	stream.indirect_vreg.gather [hbm4b:s9+s21], $0x80, v6, vm0, $0xb8;
	[tilespmem:$0x1C800] =	vst v63  }
0x32e: {  	s6 =	simm.s32 $0x15C00  }
0x32f: {  	[tilespmem:s6], [sflag:$0x6] =	stream.indirect_vreg.gather [hbm4b:s10+s21], $0x80, v6, vm0, $0xb8;
	[tilespmem:$0x1C800] =	vst v63  }
0x330: {  	s4 =	simm.s32 $0x16400  }
0x331: {  	[tilespmem:s4], [sflag:$0x6] =	stream.indirect_vreg.gather [hbm4b:s2+s21], $0x80, v5, vm0, $0xb8;
	[tilespmem:$0x1C800] =	vst v63  }
0x332: {  	s6 =	simm.s32 $0x16C00  }
0x333: {  	[tilespmem:s6], [sflag:$0x6] =	stream.indirect_vreg.gather [hbm4b:s8+s21], $0x80, v5, vm0, $0xb8;
	[tilespmem:$0x1C800] =	vst v63  }
0x334: {  	s4 =	simm.s32 $0x17400  }
0x335: {  	[tilespmem:s4], [sflag:$0x6] =	stream.indirect_vreg.gather [hbm4b:s9+s21], $0x80, v5, vm0, $0xb8;
	[tilespmem:$0x1C800] =	vst v63  }
0x336: {  	s29 =	simm.s32 $0x2;
	s6 =	simm.s32 $0x17C00  }
0x337: {  	[tilespmem:s6], [sflag:$0x6] =	stream.indirect_vreg.gather [hbm4b:s10+s21], $0x80, v5, vm0, $0xb8;
	[tilespmem:$0x1C800] =	vst v63  }
0x338: {  	_ =	swait.ge [sflag:s29], $0x4000  }
0x339: {  	[sflag:s29] =	ssyncset.done $0x0  }
0x33a: {  	s6 =	simm.s32 $0x4400;
	s0 =	rddreg [dreg:$0x1e];
	[sflag:s29] =	ssyncadd.s32 $0xFFFFC000  }
0x33b: {  	[hbm4b:s0+s21] =	stream.linear.scatter [tilespmem:s6], [sflag:$0x9], $0x4000, $0x38;
	[tilespmem:$0x1C800] =	vst v63  }
0x33c: {  	_ =	swait.ge [sflag:s17], $0x4000  }
0x33d: {  	[sflag:s17] =	ssyncset.done $0x0  }
0x33e: {  	[sflag:s17] =	ssyncadd.s32 $0xFFFFC000  }
0x33f: {  	v5 =	vld [tilespmem:$0x1B0];
	_ =	sdelay $0x4  }
0x340: {  	v6 =	vshll.u32 v5, $0x3  }
0x341: {  	v5 =	vand.u32 $0x7, v5;
	v6 =	vand.u32 $0xFFFFFFC0, v6  }
0x342: {  	v5 =	vor.u32 v5, v6  }
0x343: {  	v6 =	vperm.xlane v5, v1;
	_ =	sdelay $0x1  }
0x344: {  	v6 =	vadd.s32 v2, v6;
	_ =	sdelay $0x4  }
0x345: {  	[tilespmem:s22], [sflag:$0x7] =	stream.indirect_vreg.gather [hbm4b:s2+s21], $0x80, v6, vm0, $0xb8;
	[tilespmem:$0x1C800] =	vst v63  }
0x346: {  	s4 =	simm.s32 $0x18C00;
	v5 =	vperm.xlane v5, v3  }
0x347: {  	[tilespmem:s4], [sflag:$0x7] =	stream.indirect_vreg.gather [hbm4b:s8+s21], $0x80, v6, vm0, $0xb8;
	[tilespmem:$0x1C800] =	vst v63  }
0x348: {  	v5 =	vadd.s32 v2, v5;
	s4 =	simm.s32 $0x19400  }
0x349: {  	[tilespmem:s4], [sflag:$0x7] =	stream.indirect_vreg.gather [hbm4b:s9+s21], $0x80, v6, vm0, $0xb8;
	[tilespmem:$0x1C800] =	vst v63  }
0x34a: {  	s4 =	simm.s32 $0x19C00  }
0x34b: {  	[tilespmem:s4], [sflag:$0x7] =	stream.indirect_vreg.gather [hbm4b:s10+s21], $0x80, v6, vm0, $0xb8;
	[tilespmem:$0x1C800] =	vst v63  }
0x34c: {  	s4 =	simm.s32 $0x1A400  }
0x34d: {  	[tilespmem:s4], [sflag:$0x7] =	stream.indirect_vreg.gather [hbm4b:s2+s21], $0x80, v5, vm0, $0xb8;
	[tilespmem:$0x1C800] =	vst v63  }
0x34e: {  	s4 =	simm.s32 $0x1AC00  }
0x34f: {  	[tilespmem:s4], [sflag:$0x7] =	stream.indirect_vreg.gather [hbm4b:s8+s21], $0x80, v5, vm0, $0xb8;
	[tilespmem:$0x1C800] =	vst v63  }
0x350: {  	s4 =	simm.s32 $0x1B400  }
0x351: {  	[tilespmem:s4], [sflag:$0x7] =	stream.indirect_vreg.gather [hbm4b:s9+s21], $0x80, v5, vm0, $0xb8;
	[tilespmem:$0x1C800] =	vst v63  }
0x352: {  	s4 =	simm.s32 $0x1BC00  }
0x353: {  	[tilespmem:s4], [sflag:$0x7] =	stream.indirect_vreg.gather [hbm4b:s10+s21], $0x80, v5, vm0, $0xb8;
	[tilespmem:$0x1C800] =	vst v63  }
0x354: {  	_ =	swait.ge [sflag:s12], $0x4000  }
0x355: {  	[sflag:s12] =	ssyncset.done $0x0  }
0x356: {  	s0 =	simm.s32 $0x8400;
	s4 =	rddreg [dreg:$0x1f];
	[sflag:s12] =	ssyncadd.s32 $0xFFFFC000  }
0x357: {  	[hbm4b:s4+s21] =	stream.linear.scatter [tilespmem:s0], [sflag:$0xA], $0x4000, $0x38;
	[tilespmem:$0x1C800] =	vst v63  }
0x358: {  	_ =	swait.ge [sflag:s7], $0x4000  }
0x359: {  	[sflag:s7] =	ssyncset.done $0x0  }
0x35a: {  	[sflag:s7] =	ssyncadd.s32 $0xFFFFC000  }
0x35b: {  	v5 =	vld [tilespmem:$0x1C0];
	_ =	sdelay $0x4  }
0x35c: {  	v6 =	vshll.u32 v5, $0x3  }
0x35d: {  	v5 =	vand.u32 $0x7, v5;
	v6 =	vand.u32 $0xFFFFFFC0, v6  }
0x35e: {  	v5 =	vor.u32 v5, v6  }
0x35f: {  	v6 =	vperm.xlane v5, v1;
	_ =	sdelay $0x1  }
0x360: {  	v6 =	vadd.s32 v2, v6;
	_ =	sdelay $0x4  }
0x361: {  	[tilespmem:s11], [sflag:$0x1] =	stream.indirect_vreg.gather [hbm4b:s2+s21], $0x80, v6, vm0, $0xb8;
	[tilespmem:$0x1C800] =	vst v63  }
0x362: {  	s4 =	simm.s32 $0xC00;
	v5 =	vperm.xlane v5, v3  }
0x363: {  	[tilespmem:s4], [sflag:$0x1] =	stream.indirect_vreg.gather [hbm4b:s8+s21], $0x80, v6, vm0, $0xb8;
	[tilespmem:$0x1C800] =	vst v63  }
0x364: {  	v5 =	vadd.s32 v2, v5;
	s4 =	simm.s32 $0x1400  }
0x365: {  	[tilespmem:s4], [sflag:$0x1] =	stream.indirect_vreg.gather [hbm4b:s9+s21], $0x80, v6, vm0, $0xb8;
	[tilespmem:$0x1C800] =	vst v63  }
0x366: {  	s4 =	simm.s32 $0x1C00  }
0x367: {  	[tilespmem:s4], [sflag:$0x1] =	stream.indirect_vreg.gather [hbm4b:s10+s21], $0x80, v6, vm0, $0xb8;
	[tilespmem:$0x1C800] =	vst v63  }
0x368: {  	s4 =	simm.s32 $0x2400  }
0x369: {  	[tilespmem:s4], [sflag:$0x1] =	stream.indirect_vreg.gather [hbm4b:s2+s21], $0x80, v5, vm0, $0xb8;
	[tilespmem:$0x1C800] =	vst v63  }
0x36a: {  	_ = 	snop  }
0x36b: {  	[tilespmem:s16], [sflag:$0x1] =	stream.indirect_vreg.gather [hbm4b:s8+s21], $0x80, v5, vm0, $0xb8;
	[tilespmem:$0x1C800] =	vst v63  }
0x36c: {  	s16 =	simm.s32 $0x3400  }
0x36d: {  	[tilespmem:s16], [sflag:$0x1] =	stream.indirect_vreg.gather [hbm4b:s9+s21], $0x80, v5, vm0, $0xb8;
	[tilespmem:$0x1C800] =	vst v63  }
0x36e: {  	s16 =	simm.s32 $0x3C00  }
0x36f: {  	[tilespmem:s16], [sflag:$0x1] =	stream.indirect_vreg.gather [hbm4b:s10+s21], $0x80, v5, vm0, $0xb8;
	[tilespmem:$0x1C800] =	vst v63  }
0x370: {  	_ =	swait.ge [sflag:s14], $0x4000  }
0x371: {  	s4 =	sld [smem:$0x7F4]  }
0x372: {  	[sflag:s14] =	ssyncset.done $0x0  }
0x373: {  	s16 =	simm.s32 $0xC400;
	[sflag:s14] =	ssyncadd.s32 $0xFFFFC000  }
0x374: {  	[hbm4b:s4+s21] =	stream.linear.scatter [tilespmem:s16], [sflag:$0xB], $0x4000, $0x38;
	[tilespmem:$0x1C800] =	vst v63  }
0x375: {  	_ =	swait.ge [sflag:s31], $0x4000  }
0x376: {  	[sflag:s31] =	ssyncset.done $0x0  }
0x377: {  	[sflag:s31] =	ssyncadd.s32 $0xFFFFC000  }
0x378: {  	v5 =	vld [tilespmem:$0x1D0];
	_ =	sdelay $0x4  }
0x379: {  	v6 =	vshll.u32 v5, $0x3  }
0x37a: {  	v5 =	vand.u32 $0x7, v5;
	v6 =	vand.u32 $0xFFFFFFC0, v6  }
0x37b: {  	v5 =	vor.u32 v5, v6  }
0x37c: {  	v6 =	vperm.xlane v5, v1;
	_ =	sdelay $0x1  }
0x37d: {  	v6 =	vadd.s32 v2, v6;
	_ =	sdelay $0x4  }
0x37e: {  	[tilespmem:s6], [sflag:$0x2] =	stream.indirect_vreg.gather [hbm4b:s2+s21], $0x80, v6, vm0, $0xb8;
	[tilespmem:$0x1C800] =	vst v63  }
0x37f: {  	s4 =	simm.s32 $0x4C00;
	v5 =	vperm.xlane v5, v3  }
0x380: {  	[tilespmem:s4], [sflag:$0x2] =	stream.indirect_vreg.gather [hbm4b:s8+s21], $0x80, v6, vm0, $0xb8;
	[tilespmem:$0x1C800] =	vst v63  }
0x381: {  	v5 =	vadd.s32 v2, v5;
	s4 =	simm.s32 $0x5400  }
0x382: {  	[tilespmem:s4], [sflag:$0x2] =	stream.indirect_vreg.gather [hbm4b:s9+s21], $0x80, v6, vm0, $0xb8;
	[tilespmem:$0x1C800] =	vst v63  }
0x383: {  	s4 =	simm.s32 $0x5C00  }
0x384: {  	[tilespmem:s4], [sflag:$0x2] =	stream.indirect_vreg.gather [hbm4b:s10+s21], $0x80, v6, vm0, $0xb8;
	[tilespmem:$0x1C800] =	vst v63  }
0x385: {  	s4 =	simm.s32 $0x6400  }
0x386: {  	[tilespmem:s4], [sflag:$0x2] =	stream.indirect_vreg.gather [hbm4b:s2+s21], $0x80, v5, vm0, $0xb8;
	[tilespmem:$0x1C800] =	vst v63  }
0x387: {  	s4 =	simm.s32 $0x6C00  }
0x388: {  	[tilespmem:s4], [sflag:$0x2] =	stream.indirect_vreg.gather [hbm4b:s8+s21], $0x80, v5, vm0, $0xb8;
	[tilespmem:$0x1C800] =	vst v63  }
0x389: {  	s4 =	simm.s32 $0x7400  }
0x38a: {  	[tilespmem:s4], [sflag:$0x2] =	stream.indirect_vreg.gather [hbm4b:s9+s21], $0x80, v5, vm0, $0xb8;
	[tilespmem:$0x1C800] =	vst v63  }
0x38b: {  	s4 =	simm.s32 $0x7C00  }
0x38c: {  	[tilespmem:s4], [sflag:$0x2] =	stream.indirect_vreg.gather [hbm4b:s10+s21], $0x80, v5, vm0, $0xb8;
	[tilespmem:$0x1C800] =	vst v63  }
0x38d: {  	_ =	swait.ge [sflag:s28], $0x4000  }
0x38e: {  	[sflag:s28] =	ssyncset.done $0x0  }
0x38f: {  	[sflag:s28] =	ssyncadd.s32 $0xFFFFC000;
	s28 =	sld [smem:$0x7F5];
	_ =	sdelay $0x1  }
0x390: {  	s19 =	simm.s32 $0x10400  }
0x391: {  	[hbm4b:s28+s21] =	stream.linear.scatter [tilespmem:s19], [sflag:$0xC], $0x4000, $0x38;
	[tilespmem:$0x1C800] =	vst v63  }
0x392: {  	_ =	swait.ge [sflag:s30], $0x4000  }
0x393: {  	[sflag:s30] =	ssyncset.done $0x0  }
0x394: {  	[sflag:s30] =	ssyncadd.s32 $0xFFFFC000  }
0x395: {  	v5 =	vld [tilespmem:$0x1E0];
	_ =	sdelay $0x4  }
0x396: {  	v6 =	vshll.u32 v5, $0x3  }
0x397: {  	v5 =	vand.u32 $0x7, v5;
	v6 =	vand.u32 $0xFFFFFFC0, v6  }
0x398: {  	v5 =	vor.u32 v5, v6  }
0x399: {  	v6 =	vperm.xlane v5, v1;
	_ =	sdelay $0x1  }
0x39a: {  	v6 =	vadd.s32 v2, v6;
	_ =	sdelay $0x4  }
0x39b: {  	[tilespmem:s0], [sflag:$0x3] =	stream.indirect_vreg.gather [hbm4b:s2+s21], $0x80, v6, vm0, $0xb8;
	[tilespmem:$0x1C800] =	vst v63  }
0x39c: {  	s19 =	simm.s32 $0x8C00;
	v5 =	vperm.xlane v5, v3  }
0x39d: {  	[tilespmem:s19], [sflag:$0x3] =	stream.indirect_vreg.gather [hbm4b:s8+s21], $0x80, v6, vm0, $0xb8;
	[tilespmem:$0x1C800] =	vst v63  }
0x39e: {  	s28 =	simm.s32 $0x9400;
	v5 =	vadd.s32 v2, v5  }
0x39f: {  	[tilespmem:s28], [sflag:$0x3] =	stream.indirect_vreg.gather [hbm4b:s9+s21], $0x80, v6, vm0, $0xb8;
	[tilespmem:$0x1C800] =	vst v63  }
0x3a0: {  	s19 =	simm.s32 $0x9C00  }
0x3a1: {  	[tilespmem:s19], [sflag:$0x3] =	stream.indirect_vreg.gather [hbm4b:s10+s21], $0x80, v6, vm0, $0xb8;
	[tilespmem:$0x1C800] =	vst v63  }
0x3a2: {  	s28 =	simm.s32 $0xA400  }
0x3a3: {  	[tilespmem:s28], [sflag:$0x3] =	stream.indirect_vreg.gather [hbm4b:s2+s21], $0x80, v5, vm0, $0xb8;
	[tilespmem:$0x1C800] =	vst v63  }
0x3a4: {  	s19 =	simm.s32 $0xAC00  }
0x3a5: {  	[tilespmem:s19], [sflag:$0x3] =	stream.indirect_vreg.gather [hbm4b:s8+s21], $0x80, v5, vm0, $0xb8;
	[tilespmem:$0x1C800] =	vst v63  }
0x3a6: {  	s28 =	simm.s32 $0xB400  }
0x3a7: {  	[tilespmem:s28], [sflag:$0x3] =	stream.indirect_vreg.gather [hbm4b:s9+s21], $0x80, v5, vm0, $0xb8;
	[tilespmem:$0x1C800] =	vst v63  }
0x3a8: {  	s19 =	simm.s32 $0xBC00  }
0x3a9: {  	[tilespmem:s19], [sflag:$0x3] =	stream.indirect_vreg.gather [hbm4b:s10+s21], $0x80, v5, vm0, $0xb8;
	[tilespmem:$0x1C800] =	vst v63  }
0x3aa: {  	_ =	swait.ge [sflag:s20], $0x4000  }
0x3ab: {  	[sflag:s20] =	ssyncset.done $0x0  }
0x3ac: {  	[sflag:s20] =	ssyncadd.s32 $0xFFFFC000;
	s20 =	sld [smem:$0x7F6];
	_ =	sdelay $0x1  }
0x3ad: {  	s28 =	simm.s32 $0x14400  }
0x3ae: {  	[hbm4b:s20+s21] =	stream.linear.scatter [tilespmem:s28], [sflag:$0xD], $0x4000, $0x38;
	[tilespmem:$0x1C800] =	vst v63  }
0x3af: {  	_ =	swait.ge [sflag:s24], $0x4000  }
0x3b0: {  	[sflag:s24] =	ssyncset.done $0x0  }
0x3b1: {  	[sflag:s24] =	ssyncadd.s32 $0xFFFFC000  }
0x3b2: {  	v5 =	vld [tilespmem:$0x1F0];
	_ =	sdelay $0x4  }
0x3b3: {  	v6 =	vshll.u32 v5, $0x3  }
0x3b4: {  	v5 =	vand.u32 $0x7, v5;
	v6 =	vand.u32 $0xFFFFFFC0, v6  }
0x3b5: {  	v5 =	vor.u32 v5, v6  }
0x3b6: {  	v6 =	vperm.xlane v5, v1;
	_ =	sdelay $0x1  }
0x3b7: {  	v6 =	vadd.s32 v2, v6;
	_ =	sdelay $0x4  }
0x3b8: {  	[tilespmem:s16], [sflag:$0x4] =	stream.indirect_vreg.gather [hbm4b:s2+s21], $0x80, v6, vm0, $0xb8;
	[tilespmem:$0x1C800] =	vst v63  }
0x3b9: {  	s20 =	simm.s32 $0xCC00;
	v5 =	vperm.xlane v5, v3  }
0x3ba: {  	[tilespmem:s20], [sflag:$0x4] =	stream.indirect_vreg.gather [hbm4b:s8+s21], $0x80, v6, vm0, $0xb8;
	[tilespmem:$0x1C800] =	vst v63  }
0x3bb: {  	s28 =	simm.s32 $0xD400;
	v5 =	vadd.s32 v2, v5  }
0x3bc: {  	[tilespmem:s28], [sflag:$0x4] =	stream.indirect_vreg.gather [hbm4b:s9+s21], $0x80, v6, vm0, $0xb8;
	[tilespmem:$0x1C800] =	vst v63  }
0x3bd: {  	s19 =	simm.s32 $0xDC00  }
0x3be: {  	[tilespmem:s19], [sflag:$0x4] =	stream.indirect_vreg.gather [hbm4b:s10+s21], $0x80, v6, vm0, $0xb8;
	[tilespmem:$0x1C800] =	vst v63  }
0x3bf: {  	s20 =	simm.s32 $0xE400  }
0x3c0: {  	[tilespmem:s20], [sflag:$0x4] =	stream.indirect_vreg.gather [hbm4b:s2+s21], $0x80, v5, vm0, $0xb8;
	[tilespmem:$0x1C800] =	vst v63  }
0x3c1: {  	s28 =	simm.s32 $0xEC00  }
0x3c2: {  	[tilespmem:s28], [sflag:$0x4] =	stream.indirect_vreg.gather [hbm4b:s8+s21], $0x80, v5, vm0, $0xb8;
	[tilespmem:$0x1C800] =	vst v63  }
0x3c3: {  	s19 =	simm.s32 $0xF400  }
0x3c4: {  	[tilespmem:s19], [sflag:$0x4] =	stream.indirect_vreg.gather [hbm4b:s9+s21], $0x80, v5, vm0, $0xb8;
	[tilespmem:$0x1C800] =	vst v63  }
0x3c5: {  	s20 =	simm.s32 $0xFC00  }
0x3c6: {  	[tilespmem:s20], [sflag:$0x4] =	stream.indirect_vreg.gather [hbm4b:s10+s21], $0x80, v5, vm0, $0xb8;
	[tilespmem:$0x1C800] =	vst v63  }
0x3c7: {  	_ =	swait.ge [sflag:s23], $0x4000  }
0x3c8: {  	s28 =	sld [smem:$0x7F7]  }
0x3c9: {  	[sflag:s23] =	ssyncset.done $0x0  }
0x3ca: {  	s13 =	simm.s32 $0x1;
	s22 =	simm.s32 $0x18400;
	[sflag:s23] =	ssyncadd.s32 $0xFFFFC000  }
0x3cb: {  	[hbm4b:s28+s21] =	stream.linear.scatter [tilespmem:s22], [sflag:$0xE], $0x4000, $0x38;
	[tilespmem:$0x1C800] =	vst v63  }
0x3cc: {  	_ =	swait.ge [sflag:s13], $0x4000  }
0x3cd: {  	[sflag:s13] =	ssyncset.done $0x0  }
0x3ce: {  	[sflag:s13] =	ssyncadd.s32 $0xFFFFC000;
	s13 =	sld [smem:$0x7F8];
	_ =	sdelay $0x2  }
0x3cf: {  	[hbm4b:s13+s21] =	stream.linear.scatter [tilespmem:s11], [sflag:$0x8], $0x4000, $0x38;
	[tilespmem:$0x1C800] =	vst v63  }
0x3d0: {  	_ =	swait.ge [sflag:s29], $0x4000  }
0x3d1: {  	s19 =	sld [smem:$0x7F9]  }
0x3d2: {  	[sflag:s29] =	ssyncset.done $0x0  }
0x3d3: {  	s6 =	simm.s32 $0x4400;
	[sflag:s29] =	ssyncadd.s32 $0xFFFFC000  }
0x3d4: {  	[hbm4b:s19+s21] =	stream.linear.scatter [tilespmem:s6], [sflag:$0x9], $0x4000, $0x38;
	[tilespmem:$0x1C800] =	vst v63  }
0x3d5: {  	_ =	swait.ge [sflag:s12], $0x4000  }
0x3d6: {  	s20 =	sld [smem:$0x7FA]  }
0x3d7: {  	[sflag:s12] =	ssyncset.done $0x0  }
0x3d8: {  	s0 =	simm.s32 $0x8400;
	[sflag:s12] =	ssyncadd.s32 $0xFFFFC000  }
0x3d9: {  	[hbm4b:s20+s21] =	stream.linear.scatter [tilespmem:s0], [sflag:$0xA], $0x4000, $0x38;
	[tilespmem:$0x1C800] =	vst v63  }
0x3da: {  	_ =	swait.ge [sflag:s14], $0x4000  }
0x3db: {  	s22 =	sld [smem:$0x7FB]  }
0x3dc: {  	[sflag:s14] =	ssyncset.done $0x0  }
0x3dd: {  	s18 =	simm.s32 $0xC;
	s16 =	simm.s32 $0xC400;
	[sflag:s14] =	ssyncadd.s32 $0xFFFFC000  }
0x3de: {  	[hbm4b:s22+s21] =	stream.linear.scatter [tilespmem:s16], [sflag:$0xB], $0x4000, $0x38;
	[tilespmem:$0x1C800] =	vst v63  }
0x3df: {  	_ =	swait.ge [sflag:s18], $0x4000  }
0x3e0: {  	[sflag:s18] =	ssyncset.done $0x0  }
0x3e1: {  	[sflag:s18] =	ssyncadd.s32 $0xFFFFC000  }
0x3e2: {  	_ =	swait.ge [sflag:s15], $0x4000  }
0x3e3: {  	[sflag:s15] =	ssyncset.done $0x0  }
0x3e4: {  	[sflag:s15] =	ssyncadd.s32 $0xFFFFC000  }
0x3e5: {  	_ =	swait.ge [sflag:s17], $0x4000  }
0x3e6: {  	[sflag:s17] =	ssyncset.done $0x0  }
0x3e7: {  	[sflag:s17] =	ssyncadd.s32 $0xFFFFC000  }
0x3e8: {  	_ =	swait.ge [sflag:s7], $0x4000  }
0x3e9: {  	[sflag:s7] =	ssyncset.done $0x0  }
0x3ea: {  	[sflag:s7] =	ssyncadd.s32 $0xFFFFC000  }
0x3eb: {  	_ =	swait.ge [sflag:s31], $0x4000  }
0x3ec: {  	s23 =	sld [smem:$0x7EE]  }
0x3ed: {  	[sflag:s31] =	ssyncset.done $0x0  }
0x3ee: {  	[sflag:s31] =	ssyncadd.s32 $0xFFFFC000  }
0x3ef: {  	s4 =	sadd.s32 s26, s23;
	s26 =	sld [smem:$0x7EF];
	_ =	swait.ge [sflag:s30], $0x4000  }
0x3f0: {  	s28 =	sld [smem:$0x7F0]  }
0x3f1: {  	s29 =	sld [smem:$0x7F1]  }
0x3f2: {  	s31 =	sld [smem:$0x7F2];
	s4 =	sadd.s32 s4, s26  }
0x3f3: {  	s4 =	sadd.s32 s4, s28  }
0x3f4: {  	s4 =	sadd.s32 s4, s29  }
0x3f5: {  	s4 =	sadd.s32 s4, s31  }
0x3f6: {  	p0 =	sgt.s32 s4, $0x0  }
.Ltmp3:
0x3f7: {  	[sflag:s30] =	ssyncset.done $0x0;
	(pc) =	sbr.rel @!p0 .LBB2_13-.Ltmp3, $4  }
0x3f8: {  	[sflag:s30] =	ssyncadd.s32 $0xFFFFC000  }
0x3f9: {  	s11 =	simm.s32 $0x200;
	s0 =	simm.s32 $0xC400;
	_ =	swait.ge [sflag:s24], $0x4000  }
0x3fa: {  	s7 =	simm.s32 $0x0;
	[sflag:s24] =	ssyncset.done $0x0;
	s6 =	sld [smem:$0x7FC]  }
0x3fb: {  	s16 =	sld [smem:$0x7FD];
	[sflag:s24] =	ssyncadd.s32 $0xFFFFC000;
	s4 =	simm.s32 $0x0  }
.LBB2_4:
0x3fc: {  	_ = 	snop  }
0x3fd: {  	s12 =	sshll.u32 s7, $0x6  }
0x3fe: {  	s12 =	sadd.s32 s12, s16  }
0x3ff: {  	[tilespmem:s11], [sflag:$0xF] =	stream.linear.gather [hbm4b:s12+s21], $0x200, $0x38;
	[tilespmem:$0x1C800] =	vst v63  }
0x400: {  	_ =	swait.ge [sflag:s25], $0x200  }
0x401: {  	[sflag:s25] =	ssyncset.done $0x0  }
0x402: {  	s26 =	simm.s32 $0x0;
	[sflag:s25] =	ssyncadd.s32 $0xFFFFFE00  }
0x403: {  	v5 =	vld [tilespmem:s26+$0x200]  }
0x404: {  	s28 =	simm.s32 $0x10  }
0x405: {  	s29 =	simm.s32 $0x20;
	v6 =	vld [tilespmem:s28+$0x200]  }
0x406: {  	v7 =	vld [tilespmem:s29+$0x200];
	_ =	sdelay $0x1  }
0x407: {  	vm1 =	veq.s32 v5, $0x1  }
0x408: {  	v5 =	vsel vm1, $0x1, v4  }
0x409: {  	vm1 =	veq.s32 v6, $0x1;
	(xrf0) =	vadd.scan.msk.s32 $0xffff, v5  }
0x40a: {  	v5 =	vsel vm1, $0x1, v4;
	vm1 =	veq.s32 v7, $0x1  }
0x40b: {  	(xrf0) =	vadd.scan.msk.s32 $0xffff, v5;
	v5 =	vsel vm1, $0x1, v4  }
0x40c: {  	s30 =	simm.s32 $0x30;
	(xrf0) =	vadd.scan.msk.s32 $0xffff, v5  }
0x40d: {  	v6 =	vld [tilespmem:s30+$0x200];
	_ =	sdelay $0x1  }
0x40e: {  	v5, _, _ =	vpop (xrf0)  }
0x40f: {  	(v2sf) =	vpush v5, $0xF  }
0x410: {  	v5, _, _ =	vpop (xrf0)  }
0x411: {  	vm1 =	veq.s32 v6, $0x1;
	(v2sf) =	vpush v5, $0xF;
	v6, _, _ =	vpop (xrf0)  }
0x412: {  	(v2sf) =	vpush v6, $0xF;
	_ =	sdelay $0x5  }
0x413: {  	s31 =	simm.s32 $0x40;
	v5 =	vsel vm1, $0x1, v4  }
0x414: {  	(xrf0) =	vadd.scan.msk.s32 $0xffff, v5;
	v5 =	vld [tilespmem:s31+$0x200];
	_ =	sdelay $0x1  }
0x415: {  	s13 =	simm.s32 $0x140;
	s12 =	simm.s32 $0x0  }
.LBB2_5:
0x416: {  	p0 =	sne.s32 s13, $0x7C0  }
.Ltmp4:
0x417: {  	s14 =	sshra.s32 s13, $0x2;
	(pc) =	sbr.rel @p0 .LBB2_5-.Ltmp4, $4  }
0x418: {  	s13 =	sadd.s32 $0x40, s13;
	s15 =	spop (v2sf);
	vm1 =	veq.s32 v5, $0x1  }
0x419: {  	s12 =	sadd.s32 s12, s15;
	v5 =	vld [tilespmem:s14+$0x200];
	v7 =	vsel vm1, $0x1, v4  }
0x41a: {  	(xrf0) =	vadd.scan.msk.s32 $0xffff, v7;
	v6, _, _ =	vpop (xrf0)  }
0x41b: {  	(v2sf) =	vpush v6, $0xF  }
0x41c: {  	_ =	sdelay $0x1  }
0x41d: {  	vm1 =	veq.s32 v5, $0x1  }
0x41e: {  	v5 =	vsel vm1, $0x1, v4  }
0x41f: {  	(xrf0) =	vadd.scan.msk.s32 $0xffff, v5;
	_ =	sdelay $0x4  }
0x420: {  	v5, _, _ =	vpop (xrf0)  }
0x421: {  	(v2sf) =	vpush v5, $0xF;
	v5, _, _ =	vpop (xrf0)  }
0x422: {  	(v2sf) =	vpush v5, $0xF;
	_ =	sdelay $0xa  }
0x423: {  	s13 =	spop (v2sf)  }
0x424: {  	s12 =	sadd.s32 s12, s13;
	s28 =	spop (v2sf)  }
0x425: {  	s12 =	sadd.s32 s12, s28;
	s29 =	spop (v2sf)  }
0x426: {  	s12 =	sadd.s32 s12, s29;
	s30 =	spop (v2sf)  }
0x427: {  	s12 =	sadd.s32 s12, s30;
	s31 =	spop (v2sf)  }
0x428: {  	p0 =	slt.u32 s7, s6;
	s7 =	sadd.s32 $0x1, s7;
	s12 =	sadd.s32 s12, s31  }
0x429: {  	s12 =	simm.s32 @!p0 $0x0;
	p0 =	seq.s32 s7, $0x7  }
.Ltmp5:
0x42a: {  	_ = 	snop;
	(pc) =	sbr.rel @!p0 .LBB2_4-.Ltmp5, $2  }
0x42b: {  	_ =	sdelay $0x2  }
0x42c: {  	s4 =	sadd.s32 s4, s12  }
.Ltmp6:
0x42d: {  	(pc) =	sbr.rel .LBB2_8-.Ltmp6, $3  }
0x42e: {  	_ =	sdelay $0x1  }
0x42f: {  	s21 =	sadd.s32 $0xFFFFFFFF, s4  }
0x430: {  	s26 =	simm.s32 $0x0;
	s7 =	rddreg [dreg:$0x11];
	s19 =	simm.s32 $0x0  }
.LBB2_12:
0x431: {  	s19 =	sadd.s32 $0x1, s19  }
0x432: {  	p0 =	sne.s32 s19, $0x20  }
.Ltmp7:
0x433: {  	_ = 	snop;
	(pc) =	sbr.rel @!p0 .LBB2_13-.Ltmp7, $2  }
0x434: {  	_ =	sdelay $0x2  }
0x435: {  	s26 =	sadd.s32 s26, s31;
	s7 =	sadd.s32 $0x800, s7  }
.LBB2_8:
0x436: {  	s4 =	sshll.u32 s19, $0x4  }
0x437: {  	v5 =	vld [tilespmem:s4+$0x0];
	_ =	sdelay $0x4  }
0x438: {  	vm1 =	veq.s32 v5, $0x1  }
0x439: {  	v6 =	vsel vm1, $0x1, v4  }
0x43a: {  	(xrf0) =	vadd.scan.msk.s32 $0xffff, v6;
	_ =	sdelay $0x5  }
0x43b: {  	v5, _, _ =	vpop (xrf0)  }
0x43c: {  	(v2sf) =	vpush v5, $0xF;
	_ =	sdelay $0xe  }
0x43d: {  	s31 =	spop (v2sf)  }
0x43e: {  	p0 =	slt.s32 s31, $0x1  }
.Ltmp8:
0x43f: {  	_ = 	snop;
	(pc) =	sbr.rel @p0 .LBB2_12-.Ltmp8, $1  }
0x440: {  	_ =	sdelay $0x3  }
0x441: {  	s4 =	simm.s32 $0x0  }
0x442: {  	v7 =	vmov s4  }
0x443: {  	vm1 =	veq.s32 v7, v0  }
0x444: {  	v8 =	vnsel vm1, $0x0, v6  }
0x445: {  	(xrf0) =	vadd.scan.msk.s32 $0xffff, v8;
	_ =	sdelay $0x5  }
0x446: {  	v8, _, _ =	vpop (xrf0)  }
0x447: {  	(v2sf) =	vpush v8, $0xF;
	_ =	sdelay $0x2  }
0x448: {  	s12 =	simm.s32 $0x1  }
0x449: {  	v9 =	vmov s12  }
0x44a: {  	vm1 =	veq.s32 v9, v0  }
0x44b: {  	v8 =	vnsel vm1, $0x0, v6  }
0x44c: {  	(xrf0) =	vadd.scan.msk.s32 $0xffff, v8;
	_ =	sdelay $0x5  }
0x44d: {  	v8, _, _ =	vpop (xrf0)  }
0x44e: {  	(v2sf) =	vpush v8, $0xF  }
0x44f: {  	s20 =	simm.s32 $0x2;
	s13 =	spop (v2sf)  }
0x450: {  	v10 =	vmov s20;
	p0 =	slt.s32 s13, $0x1  }
0x451: {  	vm1 =	veq.s32 v10, v0;
	v8 =	vlaneseq.u32 @!p0;
	p1 =	por p0, p0  }
0x452: {  	v11 =	vnsel vm1, $0x0, v6;
	vm1 =	veq.s32 @!p1 v7, v8  }
0x453: {  	(xrf0) =	vadd.scan.msk.s32 $0xffff, v11;
	v7 =	vnsel @!p1 vm1, $0x0, v5  }
0x454: {  	(xrf0) =	vadd.scan.msk.s32 @!p1 $0xffff, v7;
	_ =	sdelay $0x4  }
0x455: {  	v7, _, _ =	vpop (xrf0)  }
0x456: {  	(v2sf) =	vpush v7, $0xF;
	v7, _, _ =	vpop @!p0 (xrf0)  }
0x457: {  	(v2sf) =	vpush @!p1 v7, $0xF  }
0x458: {  	s22 =	simm.s32 $0x3  }
0x459: {  	v8 =	vmov s22;
	s23 =	spop (v2sf)  }
0x45a: {  	vm1 =	veq.s32 v8, v0;
	p5 =	slt.s32 s23, $0x1  }
0x45b: {  	v11 =	vnsel vm1, $0x0, v6;
	p3 =	por p5, p5;
	v7 =	vlaneseq.u32 @!p5  }
0x45c: {  	(xrf0) =	vadd.scan.msk.s32 $0xffff, v11;
	vm1 =	veq.s32 @!p3 v9, v7  }
0x45d: {  	v7 =	vnsel @!p3 vm1, $0x0, v5  }
0x45e: {  	(xrf0) =	vadd.scan.msk.s32 @!p3 $0xffff, v7;
	_ =	sdelay $0x3  }
0x45f: {  	v7, _, _ =	vpop (xrf0)  }
0x460: {  	(v2sf) =	vpush v7, $0xF  }
0x461: {  	v7, _, _ =	vpop @!p5 (xrf0)  }
0x462: {  	s30 =	sadd.s32 s26, s21;
	(v2sf) =	vpush @!p3 v7, $0xF;
	s24 =	spop (v2sf)  }
0x463: {  	s28 =	simm.s32 $0x4;
	p1 =	por p1, p1;
	s14 =	spop @!p0 (v2sf)  }
0x464: {  	p2 =	por p1, p1;
	v7 =	vmov s28;
	p0 =	slt.s32 s24, $0x1;
	s12 =	sadd.s32 @!p1 s14, s30  }
0x465: {  	vm1 =	veq.s32 v7, v0;
	v9 =	vlaneseq.u32 @!p0;
	p1 =	por p0, p0;
	s13 =	sshll.u32 @!p2 s12, $0xA;
	s12 =	sshll.u32 @!p2 s12, $0x7  }
0x466: {  	v11 =	vnsel vm1, $0x0, v6;
	vm1 =	veq.s32 @!p1 v10, v9;
	s13 =	sand.u32 @!p2 $0xFFFFE000, s13;
	s12 =	sand.u32 @!p2 $0x380, s12  }
0x467: {  	(xrf0) =	vadd.scan.msk.s32 $0xffff, v11;
	v9 =	vnsel @!p1 vm1, $0x0, v5;
	s12 =	sor.u32 @!p2 s12, s13  }
0x468: {  	s15 =	simm.s32 @!p2 $0x10;
	s18 =	simm.s32 @!p2 $0x80;
	(xrf0) =	vadd.scan.msk.s32 @!p1 $0xffff, v9;
	s12 =	sshrl.u32 @!p2 s12, $0x3  }
0x469: {  	s17 =	simm.s32 @!p2 $0x400;
	s14 =	simm.s32 @!p2 $0x1C400;
	s12 =	sadd.s32 @!p2 s1, s12  }
0x46a: {  	[tilespmem:s14], [sflag:$0x10] =	stream.strided.gather @!p2 [hbm4b:s12+s18], $0x400, s17, s18, $0x38;
	[tilespmem:$0x1C800] =	vst v63  }
0x46b: {  	s20 =	simm.s32 $0x5;
	s4 =	sand.u32 @!p2 $0x70, s4;
	_ =	swait.ge @!p2 [sflag:s15], $0x400  }
0x46c: {  	s4 =	sadd.s32 @!p2 s3, s4;
	s12 =	sand.u32 @!p2 $0xFFFFC00, s7;
	[sflag:s15] =	ssyncset.done @!p2 $0x0  }
0x46d: {  	p4 =	por p3, p3;
	s4 =	sadd.s32 @!p2 s12, s4;
	v9, _, _ =	vpop (xrf0);
	[sflag:s15] =	ssyncadd.s32 @!p2 $0xFFFFFC00  }
0x46e: {  	(v2sf) =	vpush v9, $0xF;
	v9, _, _ =	vpop @!p0 (xrf0);
	[hbm4b:s4+s18] =	stream.strided.scatter @!p2 [tilespmem:s14], [sflag:$0xF], $0x400, s17, s18, $0x38;
	[tilespmem:$0x1C800] =	vst v63  }
0x46f: {  	s13 =	simm.s32 $0x6;
	s29 =	spop (v2sf);
	s14 =	simm.s32 @!p2 $0xF;
	(v2sf) =	vpush @!p1 v9, $0xF  }
0x470: {  	s12 =	simm.s32 $0x10;
	p3 =	slt.s32 s29, $0x1;
	_ =	swait.ge @!p2 [sflag:s14], $0x400  }
0x471: {  	s4 =	sadd.s32 $0x80, s7;
	v9 =	vmov s20;
	s15 =	spop @!p5 (v2sf);
	[sflag:s14] =	ssyncset.done @!p2 $0x0  }
.LBB2_10:
0x472: {  	p5 =	por p0, p0  }
0x473: {  	p0 =	por p3, p3;
	s15 =	sadd.s32 @!p4 s15, s30;
	s17 =	smov.u32 s13  }
0x474: {  	s13 =	sadd.s32 $0x1, s13;
	[sflag:s14] =	ssyncadd.s32 @!p2 $0xFFFFFC00;
	s14 =	smov.u32 s4  }
0x475: {  	vm1 =	veq.s32 v9, v0;
	v10 =	vlaneseq.u32 @!p3;
	p2 =	por p4, p4;
	p4 =	por p1, p1;
	p1 =	por p3, p3  }
0x476: {  	p6 =	sne.s32 s13, $0x10;
	v11 =	vnsel vm1, $0x0, v6;
	vm1 =	veq.s32 @!p1 v8, v10;
	s18 =	sshll.u32 @!p2 s15, $0xA;
	s15 =	sshll.u32 @!p2 s15, $0x7;
	v8 =	vmovc v7;
	v7 =	vmov v9  }
0x477: {  	(xrf0) =	vadd.scan.msk.s32 $0xffff, v11;
	v9 =	vnsel @!p1 vm1, $0x0, v5;
	s18 =	sand.u32 @!p2 $0xFFFFE000, s18;
	s15 =	sand.u32 @!p2 $0x380, s15  }
0x478: {  	(xrf0) =	vadd.scan.msk.s32 @!p1 $0xffff, v9;
	s15 =	sor.u32 @!p2 s15, s18  }
0x479: {  	s20 =	simm.s32 @!p2 $0x10;
	s18 =	simm.s32 @!p2 $0x1C400;
	s15 =	sshrl.u32 @!p2 s15, $0x3  }
0x47a: {  	s24 =	simm.s32 @!p2 $0x80;
	s11 =	simm.s32 @!p2 $0x400;
	s15 =	sadd.s32 @!p2 s1, s15  }
0x47b: {  	[tilespmem:s18], [sflag:$0x10] =	stream.strided.gather @!p2 [hbm4b:s15+s24], $0x400, s11, s24, $0x38;
	[tilespmem:$0x1C800] =	vst v63  }
0x47c: {  	s4 =	sadd.s32 $0x80, s4;
	s15 =	sand.u32 @!p2 $0x70, s12  }
0x47d: {  	s14 =	sand.u32 @!p2 $0xFFFFC00, s14;
	_ =	swait.ge @!p2 [sflag:s20], $0x400;
	s15 =	sadd.s32 @!p2 s3, s15  }
0x47e: {  	v9, _, _ =	vpop (xrf0);
	[sflag:s20] =	ssyncset.done @!p2 $0x0;
	s15 =	sadd.s32 @!p2 s14, s15  }
.Ltmp9:
0x47f: {  	s14 =	simm.s32 @!p2 $0xF;
	(v2sf) =	vpush v9, $0xF;
	v9, _, _ =	vpop @!p3 (xrf0);
	[sflag:s20] =	ssyncadd.s32 @!p2 $0xFFFFFC00;
	(pc) =	sbr.rel @p6 .LBB2_10-.Ltmp9, $4  }
0x480: {  	(v2sf) =	vpush @!p1 v9, $0xF;
	[hbm4b:s15+s24] =	stream.strided.scatter @!p2 [tilespmem:s18], [sflag:$0xF], $0x400, s11, s24, $0x38;
	[tilespmem:$0x1C800] =	vst v63  }
0x481: {  	s11 =	spop (v2sf)  }
0x482: {  	s12 =	sadd.s32 $0x10, s12;
	_ =	swait.ge @!p2 [sflag:s14], $0x400  }
0x483: {  	v9 =	vmov s17;
	p3 =	slt.s32 s11, $0x1;
	s15 =	spop @!p5 (v2sf);
	[sflag:s14] =	ssyncset.done @!p2 $0x0  }
0x484: {  	s11 =	sadd.s32 @!p4 s15, s30;
	p5 =	por p4, p4  }
0x485: {  	vm1 =	veq.s32 v9, v0;
	v10 =	vlaneseq.u32 @!p3;
	p4 =	por p3, p3;
	s13 =	sshll.u32 @!p5 s11, $0xA;
	s11 =	sshll.u32 @!p5 s11, $0x7  }
0x486: {  	v6 =	vnsel vm1, $0x0, v6;
	vm1 =	veq.s32 @!p4 v8, v10;
	s13 =	sand.u32 @!p5 $0xFFFFE000, s13;
	s11 =	sand.u32 @!p5 $0x380, s11  }
0x487: {  	[sflag:s14] =	ssyncadd.s32 @!p2 $0xFFFFFC00;
	(xrf0) =	vadd.scan.msk.s32 $0xffff, v6;
	v6 =	vnsel @!p4 vm1, $0x0, v5;
	s11 =	sor.u32 @!p5 s11, s13  }
0x488: {  	s14 =	simm.s32 @!p5 $0x10;
	s15 =	simm.s32 @!p5 $0x80;
	(xrf0) =	vadd.scan.msk.s32 @!p4 $0xffff, v6;
	s11 =	sshrl.u32 @!p5 s11, $0x3  }
0x489: {  	s17 =	simm.s32 @!p5 $0x400;
	s13 =	simm.s32 @!p5 $0x1C400;
	s11 =	sadd.s32 @!p5 s1, s11  }
0x48a: {  	[tilespmem:s13], [sflag:$0x10] =	stream.strided.gather @!p5 [hbm4b:s11+s15], $0x400, s17, s15, $0x38;
	[tilespmem:$0x1C800] =	vst v63  }
0x48b: {  	s11 =	sand.u32 @!p5 $0x70, s12;
	_ =	swait.ge @!p5 [sflag:s14], $0x400  }
0x48c: {  	s18 =	sand.u32 @!p5 $0xFFFFC00, s4;
	s11 =	sadd.s32 @!p5 s3, s11;
	[sflag:s14] =	ssyncset.done @!p5 $0x0  }
0x48d: {  	v6, _, _ =	vpop (xrf0);
	s11 =	sadd.s32 @!p5 s18, s11;
	[sflag:s14] =	ssyncadd.s32 @!p5 $0xFFFFFC00  }
0x48e: {  	(v2sf) =	vpush v6, $0xF;
	v6, _, _ =	vpop @!p3 (xrf0);
	[hbm4b:s11+s15] =	stream.strided.scatter @!p5 [tilespmem:s13], [sflag:$0xF], $0x400, s17, s15, $0x38;
	[tilespmem:$0x1C800] =	vst v63  }
0x48f: {  	s11 =	simm.s32 @!p5 $0xF;
	(v2sf) =	vpush @!p4 v6, $0xF;
	s28 =	spop (v2sf)  }
0x490: {  	_ =	swait.ge @!p5 [sflag:s11], $0x400  }
0x491: {  	p1 =	por p1, p1;
	s14 =	spop @!p0 (v2sf)  }
0x492: {  	p6 =	por p1, p1;
	p0 =	slt.s32 s28, $0x1;
	s13 =	sadd.s32 @!p1 s14, s30  }
0x493: {  	v6 =	vlaneseq.u32 @!p0;
	p1 =	por p0, p0;
	s14 =	sshll.u32 @!p6 s13, $0xA;
	s13 =	sshll.u32 @!p6 s13, $0x7  }
0x494: {  	[sflag:s11] =	ssyncset.done @!p5 $0x0;
	vm1 =	veq.s32 @!p1 v7, v6;
	s14 =	sand.u32 @!p6 $0xFFFFE000, s14;
	s13 =	sand.u32 @!p6 $0x380, s13  }
0x495: {  	s12 =	sadd.s32 $0x10, s12;
	[sflag:s11] =	ssyncadd.s32 @!p5 $0xFFFFFC00;
	v6 =	vnsel @!p1 vm1, $0x0, v5;
	s11 =	sor.u32 @!p6 s13, s14  }
0x496: {  	s15 =	simm.s32 @!p6 $0x80;
	s17 =	simm.s32 @!p6 $0x400;
	(xrf0) =	vadd.scan.msk.s32 @!p1 $0xffff, v6;
	s11 =	sshrl.u32 @!p6 s11, $0x3  }
0x497: {  	s13 =	simm.s32 @!p6 $0x1C400;
	s14 =	simm.s32 @!p6 $0x10;
	s11 =	sadd.s32 @!p6 s1, s11  }
0x498: {  	[tilespmem:s13], [sflag:$0x10] =	stream.strided.gather @!p6 [hbm4b:s11+s15], $0x400, s17, s15, $0x38;
	[tilespmem:$0x1C800] =	vst v63  }
0x499: {  	s4 =	sadd.s32 $0x80, s4;
	s11 =	sand.u32 @!p6 $0x70, s12;
	_ =	swait.ge @!p6 [sflag:s14], $0x400  }
0x49a: {  	s18 =	sand.u32 @!p6 $0xFFFFC00, s4;
	s11 =	sadd.s32 @!p6 s3, s11;
	[sflag:s14] =	ssyncset.done @!p6 $0x0  }
0x49b: {  	s11 =	sadd.s32 @!p6 s18, s11;
	[sflag:s14] =	ssyncadd.s32 @!p6 $0xFFFFFC00  }
0x49c: {  	v6, _, _ =	vpop @!p0 (xrf0);
	[hbm4b:s11+s15] =	stream.strided.scatter @!p6 [tilespmem:s13], [sflag:$0xF], $0x400, s17, s15, $0x38;
	[tilespmem:$0x1C800] =	vst v63  }
0x49d: {  	s11 =	simm.s32 @!p6 $0xF;
	(v2sf) =	vpush @!p1 v6, $0xF;
	s29 =	spop (v2sf)  }
0x49e: {  	_ =	swait.ge @!p6 [sflag:s11], $0x400  }
0x49f: {  	p4 =	por p4, p4;
	p2 =	slt.s32 s29, $0x1;
	s13 =	spop @!p3 (v2sf)  }
0x4a0: {  	v6 =	vlaneseq.u32 @!p2;
	p3 =	por p2, p2;
	s13 =	sadd.s32 @!p4 s13, s30;
	p4 =	por p4, p4  }
0x4a1: {  	vm1 =	veq.s32 @!p3 v9, v6;
	s14 =	sshll.u32 @!p4 s13, $0xA;
	s13 =	sshll.u32 @!p4 s13, $0x7  }
0x4a2: {  	[sflag:s11] =	ssyncset.done @!p6 $0x0;
	v5 =	vnsel @!p3 vm1, $0x0, v5;
	s14 =	sand.u32 @!p4 $0xFFFFE000, s14;
	s13 =	sand.u32 @!p4 $0x380, s13  }
0x4a3: {  	s12 =	sadd.s32 $0x10, s12;
	[sflag:s11] =	ssyncadd.s32 @!p6 $0xFFFFFC00;
	(xrf0) =	vadd.scan.msk.s32 @!p3 $0xffff, v5;
	s11 =	sor.u32 @!p4 s13, s14  }
0x4a4: {  	s15 =	simm.s32 @!p4 $0x80;
	s17 =	simm.s32 @!p4 $0x400;
	s11 =	sshrl.u32 @!p4 s11, $0x3  }
0x4a5: {  	s13 =	simm.s32 @!p4 $0x1C400;
	s14 =	simm.s32 @!p4 $0x10;
	s11 =	sadd.s32 @!p4 s1, s11  }
0x4a6: {  	[tilespmem:s13], [sflag:$0x10] =	stream.strided.gather @!p4 [hbm4b:s11+s15], $0x400, s17, s15, $0x38;
	[tilespmem:$0x1C800] =	vst v63  }
0x4a7: {  	s4 =	sadd.s32 $0x80, s4;
	s11 =	sand.u32 @!p4 $0x70, s12;
	_ =	swait.ge @!p4 [sflag:s14], $0x400  }
0x4a8: {  	s18 =	sand.u32 @!p4 $0xFFFFC00, s4;
	s11 =	sadd.s32 @!p4 s3, s11;
	[sflag:s14] =	ssyncset.done @!p4 $0x0  }
0x4a9: {  	v5, _, _ =	vpop @!p2 (xrf0);
	s11 =	sadd.s32 @!p4 s18, s11;
	[sflag:s14] =	ssyncadd.s32 @!p4 $0xFFFFFC00;
	s14 =	simm.s32 @!p4 $0xF  }
0x4aa: {  	(v2sf) =	vpush @!p3 v5, $0xF;
	[hbm4b:s11+s15] =	stream.strided.scatter @!p4 [tilespmem:s13], [sflag:$0xF], $0x400, s17, s15, $0x38;
	[tilespmem:$0x1C800] =	vst v63  }
0x4ab: {  	_ =	swait.ge @!p4 [sflag:s14], $0x400  }
0x4ac: {  	p1 =	por p1, p1;
	s11 =	spop @!p0 (v2sf)  }
0x4ad: {  	p0 =	por p1, p1;
	s11 =	sadd.s32 @!p1 s11, s30  }
0x4ae: {  	s13 =	sshll.u32 @!p0 s11, $0xA;
	s11 =	sshll.u32 @!p0 s11, $0x7  }
0x4af: {  	[sflag:s14] =	ssyncset.done @!p4 $0x0;
	s13 =	sand.u32 @!p0 $0xFFFFE000, s13;
	s11 =	sand.u32 @!p0 $0x380, s11  }
0x4b0: {  	s12 =	sadd.s32 $0x10, s12;
	[sflag:s14] =	ssyncadd.s32 @!p4 $0xFFFFFC00;
	s11 =	sor.u32 @!p0 s11, s13  }
0x4b1: {  	s14 =	simm.s32 @!p0 $0x10;
	s15 =	simm.s32 @!p0 $0x80;
	s11 =	sshrl.u32 @!p0 s11, $0x3  }
0x4b2: {  	s17 =	simm.s32 @!p0 $0x400;
	s13 =	simm.s32 @!p0 $0x1C400;
	s11 =	sadd.s32 @!p0 s1, s11  }
0x4b3: {  	[tilespmem:s13], [sflag:$0x10] =	stream.strided.gather @!p0 [hbm4b:s11+s15], $0x400, s17, s15, $0x38;
	[tilespmem:$0x1C800] =	vst v63  }
0x4b4: {  	s4 =	sadd.s32 $0x80, s4;
	s11 =	sand.u32 @!p0 $0x70, s12;
	_ =	swait.ge @!p0 [sflag:s14], $0x400  }
0x4b5: {  	s18 =	sand.u32 @!p0 $0xFFFFC00, s4;
	s11 =	sadd.s32 @!p0 s3, s11;
	[sflag:s14] =	ssyncset.done @!p0 $0x0  }
0x4b6: {  	s11 =	sadd.s32 @!p0 s18, s11;
	[sflag:s14] =	ssyncadd.s32 @!p0 $0xFFFFFC00;
	s14 =	simm.s32 @!p0 $0xF  }
0x4b7: {  	[hbm4b:s11+s15] =	stream.strided.scatter @!p0 [tilespmem:s13], [sflag:$0xF], $0x400, s17, s15, $0x38;
	[tilespmem:$0x1C800] =	vst v63  }
0x4b8: {  	_ =	swait.ge @!p0 [sflag:s14], $0x400  }
0x4b9: {  	p1 =	por p3, p3;
	s11 =	spop @!p2 (v2sf)  }
0x4ba: {  	s11 =	sadd.s32 @!p1 s11, s30;
	p1 =	por p1, p1  }
0x4bb: {  	s13 =	sshll.u32 @!p1 s11, $0xA;
	s11 =	sshll.u32 @!p1 s11, $0x7  }
0x4bc: {  	s13 =	sand.u32 @!p1 $0xFFFFE000, s13;
	s11 =	sand.u32 @!p1 $0x380, s11  }
0x4bd: {  	s12 =	sadd.s32 $0x10, s12;
	[sflag:s14] =	ssyncset.done @!p0 $0x0;
	s11 =	sor.u32 @!p1 s11, s13  }
0x4be: {  	[sflag:s14] =	ssyncadd.s32 @!p0 $0xFFFFFC00;
	s15 =	simm.s32 @!p1 $0x80;
	s11 =	sshrl.u32 @!p1 s11, $0x3  }
0x4bf: {  	s17 =	simm.s32 @!p1 $0x400;
	s13 =	simm.s32 @!p1 $0x1C400;
	s11 =	sadd.s32 @!p1 s1, s11  }
0x4c0: {  	[tilespmem:s13], [sflag:$0x10] =	stream.strided.gather @!p1 [hbm4b:s11+s15], $0x400, s17, s15, $0x38;
	[tilespmem:$0x1C800] =	vst v63  }
0x4c1: {  	s4 =	sadd.s32 $0x80, s4;
	s14 =	simm.s32 @!p1 $0x10;
	s11 =	sand.u32 @!p1 $0x70, s12  }
0x4c2: {  	s4 =	sand.u32 @!p1 $0xFFFFC00, s4;
	_ =	swait.ge @!p1 [sflag:s14], $0x400;
	s11 =	sadd.s32 @!p1 s3, s11  }
0x4c3: {  	[sflag:s14] =	ssyncset.done @!p1 $0x0;
	s4 =	sadd.s32 @!p1 s4, s11  }
.Ltmp10:
0x4c4: {  	s11 =	simm.s32 @!p1 $0xF;
	[sflag:s14] =	ssyncadd.s32 @!p1 $0xFFFFFC00;
	(pc) =	sbr.rel .LBB2_12-.Ltmp10, $4  }
0x4c5: {  	[hbm4b:s4+s15] =	stream.strided.scatter @!p1 [tilespmem:s13], [sflag:$0xF], $0x400, s17, s15, $0x38;
	[tilespmem:$0x1C800] =	vst v63  }
0x4c6: {  	_ =	swait.ge @!p1 [sflag:s11], $0x400  }
0x4c7: {  	[sflag:s11] =	ssyncset.done @!p1 $0x0  }
0x4c8: {  	[sflag:s11] =	ssyncadd.s32 @!p1 $0xFFFFFC00  }
.LBB2_14:
0x4c9: {  	_ =	sfence.sel $0x180000  }
0x4ca: {  	[bflag:$0x0] =	sbarrier.arrive $0xFFFF  }
0x4cb: {  	_ =	strace $0x90000047  }
0x4cc: {  	s0 =	stileid.u32;
	[bflag:$0x2] =	sbarrier.arrive $0xFFFF  }
0x4cd: {  	p0 =	sne.s32 s0, $0x0;
	s0 =	rddreg [dreg:$0x4]  }
0x4ce: {  	s0 =	sadd.s32 @!p0 $0x100000, s0  }
0x4cf: {  	[sflag:s0] =	ssyncadd.tile.s32 @!p0 $0x1;
	_ =	shalt  }
.Lfunc_end2:
_tile_overlayer_lowered:
.L_overlay_start_2:
0x4d0: {  	(tag) =	ssettag $0x2  }
0x4d1: {  	s0 =	rddreg [dreg:$0x0];
	s2 =	stileid.u32  }
0x4d2: {  	s1 =	rddreg [dreg:$0x1];
	p0 =	sne.s32 s2, $0x0  }
0x4d3: {  	s3 =	rddreg [dreg:$0x2];
	[bflag:$0x3] =	sbarrier.arrive $0xFFFF;
	s2 =	simm.s32 @!p0 $0x1C0F  }
0x4d4: {  	[timem:s3], [sflag:s2] =	dma.local @!p0 [hbm:s0], s1  }
0x4d5: {  	s0 =	simm.s32 @!p0 $0xF  }
0x4d6: {  	_ =	swait.ge @!p0 [sflag:s0], s1  }
0x4d7: {  	s1 =	ssub.s32 @!p0 $0x0, s1;
	[sflag:s0] =	ssyncset.done @!p0 $0x0  }
0x4d8: {  	[sflag:s0] =	ssyncadd.s32 @!p0 s1  }
0x4d9: {  	[bflag:$0x3] =	sbarrier.arrive $0xFFFF  }
0x4da: {  	_ =	shalt  }

</sc_bundles>
